<compile_context>
chip_gen: v7x
topology: tpu7x:2x2x1
jax: 0.10.2.dev20260603
libtpu: 0.0.44.dev20260713+nightly
codegen_flags: <defaults>
</compile_context>

<pallas_src>
import functools

import jax
import jax.numpy as jnp
from jax import lax
from jax.experimental import pallas as pl
from jax.experimental.pallas import tpu as pltpu
from jax.experimental.pallas import tpu_sc as plsc

D = 64
NT = 15
B = 1024
P = 10000
P_PAD = 10240
NC, NS = 2, 16
NW = NC * NS
CB = B // NW
PB = P_PAD // NW
CHUNK = 80
NCH = PB // CHUNK
PN = 2048

NBIG_P = 3
NBIG_C = 2

SMALL_COLS = (1, 2, 3, 5, 6, 7, 8, 9, 10, 12, 13, 14)
SMALL_V = (5, 5, 113, 1002, 3, 5, 32, 13, 11, 33, 65, 257)
NSM = len(SMALL_COLS)


def _sc_gather_body(cidx, pidx, ptab, postal, pname,
                    cfeat, pfeat, cidx_v, pidx_v, prows_v, gsem, ssem):
    ptabs = [ptab, postal, pname]
    ctabs = [postal, pname]

    wid = lax.axis_index("s") * NC + lax.axis_index("c")

    pltpu.sync_copy(cidx.at[wid], cidx_v)
    pltpu.sync_copy(pidx.at[wid], pidx_v)

    cg = [
        pltpu.async_copy(ctabs[t].at[cidx_v.at[t]],
                         prows_v.at[0, t, pl.ds(0, CB)], gsem)
        for t in range(NBIG_C)
    ]
    for op in cg:
        op.wait()
    cs = [
        pltpu.async_copy(prows_v.at[0, t, pl.ds(0, CB)],
                         cfeat.at[t, pl.ds(wid * CB, CB)], ssem)
        for t in range(NBIG_C)
    ]
    for op in cs:
        op.wait()

    pg = []
    for ci in range(NCH):
        off = ci * CHUNK
        pg.append([
            pltpu.async_copy(ptabs[t].at[pidx_v.at[t, pl.ds(off, CHUNK)]],
                             prows_v.at[ci, t], gsem)
            for t in range(NBIG_P)
        ])
    sops = []
    for ci in range(NCH):
        off = ci * CHUNK
        for op in pg[ci]:
            op.wait()
        for t in range(NBIG_P):
            sops.append(pltpu.async_copy(
                prows_v.at[ci, t],
                pfeat.at[t, pl.ds(wid * PB + off, CHUNK)], ssem))
    for op in sops:
        op.wait()


_sc_gather = functools.partial(
    pl.kernel,
    out_type=(jax.ShapeDtypeStruct((NBIG_C, B, 2 * D), jnp.float32),
              jax.ShapeDtypeStruct((NBIG_P, P_PAD, 2 * D), jnp.float32)),
    mesh=plsc.VectorSubcoreMesh(core_axis_name="c", subcore_axis_name="s",
                                num_cores=NC, num_subcores=NS),
    scratch_types=[
        pltpu.VMEM((NBIG_C, CB), jnp.int32),
        pltpu.VMEM((NBIG_P, PB), jnp.int32),
        pltpu.VMEM((NCH, NBIG_P, CHUNK, 2 * D), jnp.float32),
        pltpu.SemaphoreType.DMA,
        pltpu.SemaphoreType.DMA,
    ],
    compiler_params=pltpu.CompilerParams(use_tc_tiling_on_sc=False),
)(_sc_gather_body)


VB = 8192


def _tr_body(x_ref, o_ref):
    y = jnp.transpose(x_ref[...], (1, 0))
    o_ref[...] = jnp.concatenate([y[:VB // 2], y[VB // 2:]], axis=1)


def _tab_transpose(tabT):
    v = tabT.shape[1]
    vpad = -(-v // VB) * VB
    return pl.pallas_call(
        _tr_body,
        grid=(vpad // VB,),
        in_specs=[pl.BlockSpec((64, VB), lambda j: (0, j))],
        out_specs=pl.BlockSpec((VB // 2, 2 * D), lambda j: (j, 0)),
        out_shape=jax.ShapeDtypeStruct((vpad // 2, 2 * D), jnp.float32),
    )(tabT)


def _cid_body(cid_smem, cid_v, tabT, out_ref, blk, sem):
    def fire(i, carry):
        for u in range(4):
            k = cid_smem[4 * i + u]
            tc = pl.multiple_of((k // 128) * 128, 128)
            pltpu.make_async_copy(tabT.at[:, pl.ds(tc, 128)],
                                  blk.at[4 * i + u], sem).start()
        return carry

    lax.fori_loop(0, B // 4, fire, 0)
    pltpu.make_async_copy(blk, blk, sem).wait()

    lane = cid_v[...] % 128
    iota = lax.broadcasted_iota(jnp.int32, (1, 128), 1)
    for c0 in range(0, B, 128):
        oh = (lane[c0:c0 + 128][:, None] == iota).astype(jnp.float32)
        out_ref[c0:c0 + 128, :] = jnp.sum(
            blk[c0:c0 + 128] * oh[:, None, :], axis=2)


def _cid_gather(cid, tabT):
    return pl.pallas_call(
        _cid_body,
        in_specs=[
            pl.BlockSpec(memory_space=pltpu.SMEM),
            pl.BlockSpec(memory_space=pltpu.VMEM),
            pl.BlockSpec(memory_space=pl.ANY),
        ],
        out_specs=pl.BlockSpec(memory_space=pltpu.VMEM),
        out_shape=jax.ShapeDtypeStruct((B, D), jnp.float32),
        scratch_shapes=[
            pltpu.VMEM((B, D, 128), jnp.float32),
            pltpu.SemaphoreType.DMA,
        ],
        compiler_params=pltpu.CompilerParams(
            vmem_limit_bytes=100 * 1024 * 1024),
    )(cid, cid, tabT)


def _mm_body(c0_ref, cbig_ref, pbig_ref, chalf_ref, phalf_ref,
             cidx_ref, pidx_ref, *rest):
    small_refs = rest[:NSM]
    o_ref = rest[NSM]
    cfull = rest[NSM + 1]
    pfull = rest[NSM + 2]
    j = pl.program_id(0)

    def half_sel(rows, half):
        n = rows.shape[0]
        ones = lax.broadcasted_iota(jnp.int32, (n, D), 1) * 0 + 1
        hmask = half[:, None] == ones
        return jnp.where(hmask, rows[:, D:2 * D], rows[:, 0:D])

    @pl.when(j == 0)
    def _():
        cfull[:, 0:D] = c0_ref[...].astype(jnp.bfloat16)
        cfull[:, D:2 * D] = half_sel(cbig_ref[0], chalf_ref[0]).astype(jnp.bfloat16)
        cfull[:, 2 * D:3 * D] = half_sel(cbig_ref[1], chalf_ref[1]).astype(jnp.bfloat16)
        for t in range(NSM):
            ohc = (cidx_ref[t][:, None] ==
                   lax.broadcasted_iota(jnp.int32, (B, SMALL_V[t]), 1))
            cfull[:, (3 + t) * D:(4 + t) * D] = lax.dot_general(
                ohc.astype(jnp.bfloat16),
                small_refs[t][...].astype(jnp.bfloat16),
                dimension_numbers=(((1,), (0,)), ((), ())),
                preferred_element_type=jnp.float32,
            ).astype(jnp.bfloat16)

    pfull[:, 0:D] = half_sel(pbig_ref[0], phalf_ref[0]).astype(jnp.bfloat16)
    pfull[:, D:2 * D] = half_sel(pbig_ref[1], phalf_ref[1]).astype(jnp.bfloat16)
    pfull[:, 2 * D:3 * D] = half_sel(pbig_ref[2], phalf_ref[2]).astype(jnp.bfloat16)
    for t in range(NSM):
        ohp = (pidx_ref[t][:, None] ==
               lax.broadcasted_iota(jnp.int32, (PN, SMALL_V[t]), 1))
        pfull[:, (3 + t) * D:(4 + t) * D] = lax.dot_general(
            ohp.astype(jnp.bfloat16), small_refs[t][...].astype(jnp.bfloat16),
            dimension_numbers=(((1,), (0,)), ((), ())),
            preferred_element_type=jnp.float32,
        ).astype(jnp.bfloat16)

    o_ref[...] = lax.dot_general(
        pfull[...], cfull[...],
        dimension_numbers=(((1,), (1,)), ((), ())),
        preferred_element_type=jnp.float32)


def _matmul(cfeat0, cfeat_big, pfeat_big, chalf, phalf, cidx_s, pidx_s, smalls):
    return pl.pallas_call(
        _mm_body,
        grid=(P_PAD // PN,),
        in_specs=[
            pl.BlockSpec((B, D), lambda j: (0, 0)),
            pl.BlockSpec((NBIG_C, B, 2 * D), lambda j: (0, 0, 0)),
            pl.BlockSpec((NBIG_P, PN, 2 * D), lambda j: (0, j, 0)),
            pl.BlockSpec((NBIG_C, B), lambda j: (0, 0)),
            pl.BlockSpec((NBIG_P, PN), lambda j: (0, j)),
            pl.BlockSpec((NSM, B), lambda j: (0, 0)),
            pl.BlockSpec((NSM, PN), lambda j: (0, j)),
        ] + [pl.BlockSpec((v, D), lambda j: (0, 0)) for v in SMALL_V],
        out_specs=pl.BlockSpec((PN, B), lambda j: (j, 0)),
        out_shape=jax.ShapeDtypeStruct((P, B), jnp.float32),
        scratch_shapes=[pltpu.VMEM((B, NT * D), jnp.bfloat16),
                        pltpu.VMEM((PN, NT * D), jnp.bfloat16)],
        compiler_params=pltpu.CompilerParams(
            vmem_limit_bytes=100 * 1024 * 1024),
    )(cfeat0, cfeat_big, pfeat_big, chalf, phalf, cidx_s, pidx_s, *smalls)


def kernel(Customer_data, Product_data, customer_table, product_table,
           price_table, age_table, colour_table, department_table,
           prod_name_table, sales_channel_table, season_table, day_table,
           month_table, year_table, club_table, fashion_table, postal_table,
           graphical_table):
    cdat = Customer_data.astype(jnp.int32)
    pdat = jnp.pad(Product_data.astype(jnp.int32), ((0, P_PAD - P), (0, 0)))

    craw = cdat[:, (4, 11)].T
    praw = pdat[:, (0, 4, 11)].T
    crow = (craw // VB) * (VB // 2) + craw % (VB // 2)
    prow = (praw // VB) * (VB // 2) + praw % (VB // 2)
    chalf = (craw % VB) // (VB // 2)
    phalf = (praw % VB) // (VB // 2)
    cidx = crow.reshape(NBIG_C, NW, CB).transpose(1, 0, 2)
    pidx = prow.reshape(NBIG_P, NW, PB).transpose(1, 0, 2)

    cfeat_big, pfeat_big = _sc_gather(
        cidx, pidx,
        _tab_transpose(product_table.T),
        _tab_transpose(postal_table.T),
        _tab_transpose(prod_name_table.T))
    cfeat0 = _cid_gather(cdat[:, 0], customer_table.T)

    smalls = (club_table, fashion_table, age_table, price_table,
              sales_channel_table, season_table, day_table, month_table,
              year_table, graphical_table, colour_table, department_table)
    cidx_s = cdat[:, SMALL_COLS].T
    pidx_s = pdat[:, SMALL_COLS].T
    return _matmul(cfeat0, cfeat_big, pfeat_big, chalf, phalf,
                   cidx_s, pidx_s, smalls).T

# --- scband reference (transcript-rebuilt; emitter-appended) ---
"""Pipeline reference for scband-rec-sys-model-67963562492412 (READ-ONLY COPY).

The authoritative reference and input builder live on the scoring server;
editing this copy changes nothing except your own understanding.
"""

import jax, jax.numpy as jnp
import numpy as np

D = 64
B = 1024
P = 10000
# per-column vocab sizes (num rows in each table), column order as in forward():
# 0:id 1:club 2:fashion_news 3:age 4:postal 5:price 6:sales_channel 7:season 8:day 9:month 10:year 11:prod_name 12:graphical 13:colour 14:department
CMAX = [1000001, 5, 5, 113, 75001, 1002, 3, 5, 32, 13, 11, 50001, 33, 65, 257]
PMAX = [100001, 5, 5, 113, 75001, 1002, 3, 5, 32, 13, 11, 50001, 33, 65, 257]
TABLE_SIZES = {
    'customer_table': 1000001, 'product_table': 100001, 'price_table': 1002,
    'age_table': 113, 'colour_table': 65, 'department_table': 257,
    'prod_name_table': 50001, 'sales_channel_table': 3, 'season_table': 5,
    'day_table': 32, 'month_table': 13, 'year_table': 11, 'club_table': 5,
    'fashion_table': 5, 'postal_table': 75001, 'graphical_table': 33,
}

def _make_idx(key, n, maxes):
    cols = [jax.random.randint(jax.random.fold_in(key, i), (n,), 0, m) for i, m in enumerate(maxes)]
    return jnp.stack(cols, axis=1)

def setup_inputs(seed: int = 0) -> dict:
    key = jax.random.key(seed)
    inp = {}
    inp['Customer_data'] = _make_idx(jax.random.fold_in(key, 1), B, CMAX)
    inp['Product_data'] = _make_idx(jax.random.fold_in(key, 2), P, PMAX)
    for j, (name, sz) in enumerate(TABLE_SIZES.items()):
        inp[name] = jax.random.normal(jax.random.fold_in(key, 100 + j), (sz, D), dtype=jnp.float32) * 0.02
    return inp

def reference(Customer_data, Product_data, customer_table, product_table, price_table,
              age_table, colour_table, department_table, prod_name_table,
              sales_channel_table, season_table, day_table, month_table, year_table,
              club_table, fashion_table, postal_table, graphical_table):
    def feats(idx, id_table):
        # concatenation order matches the torch module exactly
        return jnp.concatenate([
            jnp.take(id_table, idx[:, 0], axis=0),
            jnp.take(prod_name_table, idx[:, 11], axis=0),
            jnp.take(graphical_table, idx[:, 12], axis=0),
            jnp.take(colour_table, idx[:, 13], axis=0),
            jnp.take(department_table, idx[:, 14], axis=0),
            jnp.take(price_table, idx[:, 5], axis=0),
            jnp.take(sales_channel_table, idx[:, 6], axis=0),
            jnp.take(season_table, idx[:, 7], axis=0),
            jnp.take(day_table, idx[:, 8], axis=0),
            jnp.take(month_table, idx[:, 9], axis=0),
            jnp.take(year_table, idx[:, 10], axis=0),
            jnp.take(age_table, idx[:, 3], axis=0),
            jnp.take(club_table, idx[:, 1], axis=0),
            jnp.take(fashion_table, idx[:, 2], axis=0),
            jnp.take(postal_table, idx[:, 4], axis=0),
        ], axis=1)
    customer_final = feats(Customer_data, customer_table)   # [B, 15*D]
    product_final = feats(Product_data, product_table)      # [P, 15*D]
    output = customer_final @ product_final.T                # [B, P]
    return output

if __name__ == "__main__":
    import jax
    _d = setup_inputs()
    print(jax.jit(kernel)(*tuple(_d.values())))

</pallas_src>

<mosaic_0001>
#map = affine_map<(d0, d1) -> (0, 0, 0)>
#map1 = affine_map<(d0, d1) -> (0, 0)>
module attributes {stable_mosaic.version = 14 : i64} {
  func.func @_sc_gather_body(%arg0: i32, %arg1: i32, %arg2: memref<32x2x32xi32, #tpu.memory_space<hbm>>, %arg3: memref<32x3x320xi32, #tpu.memory_space<hbm>>, %arg4: memref<53248x128xf32, #tpu.memory_space<hbm>>, %arg5: memref<40960x128xf32, #tpu.memory_space<hbm>>, %arg6: memref<28672x128xf32, #tpu.memory_space<hbm>>, %arg7: memref<2x1024x128xf32, #tpu.memory_space<hbm>>, %arg8: memref<3x10240x128xf32, #tpu.memory_space<hbm>>, %arg9: memref<2x32xi32, #tpu.memory_space<vmem>>, %arg10: memref<3x320xi32, #tpu.memory_space<vmem>>, %arg11: memref<4x3x80x128xf32, #tpu.memory_space<vmem>>, %arg12: memref<!tpu.dma_semaphore, #tpu.memory_space<semaphore_mem>>, %arg13: memref<!tpu.dma_semaphore, #tpu.memory_space<semaphore_mem>>) attributes {dimension_semantics = [#tpu.dimension_semantics<core_parallel>, #tpu.dimension_semantics<subcore_parallel>], iteration_bounds = array<i64: 2, 16>, scalar_prefetch = 0 : i64, scratch_operands = 5 : i64, tpu.core_type = #tpu.core_type<sc_vector_subcore>, window_params = [{transform_indices = #map}, {transform_indices = #map}, {transform_indices = #map1}, {transform_indices = #map1}, {transform_indices = #map1}, {transform_indices = #map}, {transform_indices = #map}]} {
    %mul3A = arith.constant 2 : i32
    %mul3A_0 = arith.muli %arg1, %mul3A : i32
    %add3A = arith.addi %mul3A_0, %arg0 : i32
    "tpu.region"() ({
      %run_scoped3A = tpu.sem_alloc : memref<!tpu.dma_semaphore, #tpu.memory_space<semaphore_mem>>
      %dma_start3A_891 = arith.constant 0 : i32
      %dma_start3A_892 = arith.constant 0 : i32
      %dma_start3A_893 = tpu.memref_slice %arg2[%add3A, %dma_start3A_891, %dma_start3A_892] : memref<32x2x32xi32, #tpu.memory_space<hbm>> -> memref<1x2x32xi32, #tpu.memory_space<hbm>>
      %dma_start3A_894 = tpu.memref_squeeze %dma_start3A_893 : memref<1x2x32xi32, #tpu.memory_space<hbm>> -> memref<2x32xi32, #tpu.memory_space<hbm>>
      %dma_start3A_895 = arith.constant 0 : i32
      %dma_start3A_896 = arith.constant 0 : i32
      %dma_start3A_897 = tpu.memref_slice %arg2[%add3A, %dma_start3A_895, %dma_start3A_896] : memref<32x2x32xi32, #tpu.memory_space<hbm>> -> memref<1x2x32xi32, #tpu.memory_space<hbm>>
      %dma_start3A_898 = tpu.memref_squeeze %dma_start3A_897 : memref<1x2x32xi32, #tpu.memory_space<hbm>> -> memref<2x32xi32, #tpu.memory_space<hbm>>
      tpu.enqueue_dma source(%dma_start3A_898 : memref<2x32xi32, #tpu.memory_space<hbm>>) target(%arg9 : memref<2x32xi32, #tpu.memory_space<vmem>>) target_semaphore(%run_scoped3A : memref<!tpu.dma_semaphore, #tpu.memory_space<semaphore_mem>>)
      %dma_wait3A_899 = arith.constant 0 : i32
      %dma_wait3A_900 = arith.constant 0 : i32
      %dma_wait3A_901 = tpu.memref_slice %arg2[%add3A, %dma_wait3A_899, %dma_wait3A_900] : memref<32x2x32xi32, #tpu.memory_space<hbm>> -> memref<1x2x32xi32, #tpu.memory_space<hbm>>
      %dma_wait3A_902 = tpu.memref_squeeze %dma_wait3A_901 : memref<1x2x32xi32, #tpu.memory_space<hbm>> -> memref<2x32xi32, #tpu.memory_space<hbm>>
      %dma_wait3A_903 = arith.constant 0 : i32
      %dma_wait3A_904 = arith.constant 0 : i32
      %dma_wait3A_905 = tpu.memref_slice %arg2[%add3A, %dma_wait3A_903, %dma_wait3A_904] : memref<32x2x32xi32, #tpu.memory_space<hbm>> -> memref<1x2x32xi32, #tpu.memory_space<hbm>>
      %dma_wait3A_906 = tpu.memref_squeeze %dma_wait3A_905 : memref<1x2x32xi32, #tpu.memory_space<hbm>> -> memref<2x32xi32, #tpu.memory_space<hbm>>
      tpu.wait_dma2 semaphore(%run_scoped3A : memref<!tpu.dma_semaphore, #tpu.memory_space<semaphore_mem>>) src(%dma_wait3A_906 : memref<2x32xi32, #tpu.memory_space<hbm>>) dst(%arg9 : memref<2x32xi32, #tpu.memory_space<vmem>>)
      tpu.yield
    }) : () -> ()
    "tpu.region"() ({
      %run_scoped3A = tpu.sem_alloc : memref<!tpu.dma_semaphore, #tpu.memory_space<semaphore_mem>>
      %dma_start3A_891 = arith.constant 0 : i32
      %dma_start3A_892 = arith.constant 0 : i32
      %dma_start3A_893 = tpu.memref_slice %arg3[%add3A, %dma_start3A_891, %dma_start3A_892] : memref<32x3x320xi32, #tpu.memory_space<hbm>> -> memref<1x3x320xi32, #tpu.memory_space<hbm>>
      %dma_start3A_894 = tpu.memref_squeeze %dma_start3A_893 : memref<1x3x320xi32, #tpu.memory_space<hbm>> -> memref<3x320xi32, #tpu.memory_space<hbm>>
      %dma_start3A_895 = arith.constant 0 : i32
      %dma_start3A_896 = arith.constant 0 : i32
      %dma_start3A_897 = tpu.memref_slice %arg3[%add3A, %dma_start3A_895, %dma_start3A_896] : memref<32x3x320xi32, #tpu.memory_space<hbm>> -> memref<1x3x320xi32, #tpu.memory_space<hbm>>
      %dma_start3A_898 = tpu.memref_squeeze %dma_start3A_897 : memref<1x3x320xi32, #tpu.memory_space<hbm>> -> memref<3x320xi32, #tpu.memory_space<hbm>>
      tpu.enqueue_dma source(%dma_start3A_898 : memref<3x320xi32, #tpu.memory_space<hbm>>) target(%arg10 : memref<3x320xi32, #tpu.memory_space<vmem>>) target_semaphore(%run_scoped3A : memref<!tpu.dma_semaphore, #tpu.memory_space<semaphore_mem>>)
      %dma_wait3A_899 = arith.constant 0 : i32
      %dma_wait3A_900 = arith.constant 0 : i32
      %dma_wait3A_901 = tpu.memref_slice %arg3[%add3A, %dma_wait3A_899, %dma_wait3A_900] : memref<32x3x320xi32, #tpu.memory_space<hbm>> -> memref<1x3x320xi32, #tpu.memory_space<hbm>>
      %dma_wait3A_902 = tpu.memref_squeeze %dma_wait3A_901 : memref<1x3x320xi32, #tpu.memory_space<hbm>> -> memref<3x320xi32, #tpu.memory_space<hbm>>
      %dma_wait3A_903 = arith.constant 0 : i32
      %dma_wait3A_904 = arith.constant 0 : i32
      %dma_wait3A_905 = tpu.memref_slice %arg3[%add3A, %dma_wait3A_903, %dma_wait3A_904] : memref<32x3x320xi32, #tpu.memory_space<hbm>> -> memref<1x3x320xi32, #tpu.memory_space<hbm>>
      %dma_wait3A_906 = tpu.memref_squeeze %dma_wait3A_905 : memref<1x3x320xi32, #tpu.memory_space<hbm>> -> memref<3x320xi32, #tpu.memory_space<hbm>>
      tpu.wait_dma2 semaphore(%run_scoped3A : memref<!tpu.dma_semaphore, #tpu.memory_space<semaphore_mem>>) src(%dma_wait3A_906 : memref<3x320xi32, #tpu.memory_space<hbm>>) dst(%arg10 : memref<3x320xi32, #tpu.memory_space<vmem>>)
      tpu.yield
    }) : () -> ()
    %dma_start3A = arith.constant 0 : i32
    %dma_start3A_1 = arith.constant 0 : i32
    %dma_start3A_2 = arith.constant 0 : i32
    %dma_start3A_3 = arith.constant 0 : i32
    %dma_start3A_4 = arith.constant 0 : i32
    %dma_start3A_5 = tpu.memref_slice %arg11[%dma_start3A_1, %dma_start3A_2, %dma_start3A_3, %dma_start3A_4] : memref<4x3x80x128xf32, #tpu.memory_space<vmem>> -> memref<1x1x32x128xf32, #tpu.memory_space<vmem>>
    %dma_start3A_6 = tpu.memref_squeeze %dma_start3A_5 : memref<1x1x32x128xf32, #tpu.memory_space<vmem>> -> memref<32x128xf32, #tpu.memory_space<vmem>>
    %dma_start3A_7 = arith.constant 0 : i32
    %dma_start3A_8 = tpu.memref_slice %arg9[%dma_start3A, %dma_start3A_7] : memref<2x32xi32, #tpu.memory_space<vmem>> -> memref<1x32xi32, #tpu.memory_space<vmem>>
    %dma_start3A_9 = tpu.memref_squeeze %dma_start3A_8 : memref<1x32xi32, #tpu.memory_space<vmem>> -> memref<32xi32, #tpu.memory_space<vmem>>
    %dma_start3A_10 = arith.constant 0 : i32
    %dma_start3A_11 = arith.constant 0 : i32
    %dma_start3A_12 = tpu.memref_slice %arg5[%dma_start3A_10, %dma_start3A_11] : memref<40960x128xf32, #tpu.memory_space<hbm>> -> memref<40960x128xf32, #tpu.memory_space<hbm>>
    tpu.enqueue_indirect_dma source(%dma_start3A_12 : memref<40960x128xf32, #tpu.memory_space<hbm>>) target(%dma_start3A_6 : memref<32x128xf32, #tpu.memory_space<vmem>>) offsets(%dma_start3A_9 : memref<32xi32, #tpu.memory_space<vmem>>) semaphore(%arg12 : memref<!tpu.dma_semaphore, #tpu.memory_space<semaphore_mem>>)
    %dma_start3A_13 = arith.constant 1 : i32
    %dma_start3A_14 = arith.constant 0 : i32
    %dma_start3A_15 = arith.constant 1 : i32
    %dma_start3A_16 = arith.constant 0 : i32
    %dma_start3A_17 = arith.constant 0 : i32
    %dma_start3A_18 = tpu.memref_slice %arg11[%dma_start3A_14, %dma_start3A_15, %dma_start3A_16, %dma_start3A_17] : memref<4x3x80x128xf32, #tpu.memory_space<vmem>> -> memref<1x1x32x128xf32, #tpu.memory_space<vmem>>
    %dma_start3A_19 = tpu.memref_squeeze %dma_start3A_18 : memref<1x1x32x128xf32, #tpu.memory_space<vmem>> -> memref<32x128xf32, #tpu.memory_space<vmem>>
    %dma_start3A_20 = arith.constant 0 : i32
    %dma_start3A_21 = tpu.memref_slice %arg9[%dma_start3A_13, %dma_start3A_20] : memref<2x32xi32, #tpu.memory_space<vmem>> -> memref<1x32xi32, #tpu.memory_space<vmem>>
    %dma_start3A_22 = tpu.memref_squeeze %dma_start3A_21 : memref<1x32xi32, #tpu.memory_space<vmem>> -> memref<32xi32, #tpu.memory_space<vmem>>
    %dma_start3A_23 = arith.constant 0 : i32
    %dma_start3A_24 = arith.constant 0 : i32
    %dma_start3A_25 = tpu.memref_slice %arg6[%dma_start3A_23, %dma_start3A_24] : memref<28672x128xf32, #tpu.memory_space<hbm>> -> memref<28672x128xf32, #tpu.memory_space<hbm>>
    tpu.enqueue_indirect_dma source(%dma_start3A_25 : memref<28672x128xf32, #tpu.memory_space<hbm>>) target(%dma_start3A_19 : memref<32x128xf32, #tpu.memory_space<vmem>>) offsets(%dma_start3A_22 : memref<32xi32, #tpu.memory_space<vmem>>) semaphore(%arg12 : memref<!tpu.dma_semaphore, #tpu.memory_space<semaphore_mem>>)
    %dma_wait3A = arith.constant 0 : i32
    %dma_wait3A_26 = arith.constant 0 : i32
    %dma_wait3A_27 = arith.constant 0 : i32
    %dma_wait3A_28 = arith.constant 0 : i32
    %dma_wait3A_29 = arith.constant 0 : i32
    %dma_wait3A_30 = tpu.memref_slice %arg11[%dma_wait3A_26, %dma_wait3A_27, %dma_wait3A_28, %dma_wait3A_29] : memref<4x3x80x128xf32, #tpu.memory_space<vmem>> -> memref<1x1x32x128xf32, #tpu.memory_space<vmem>>
    %dma_wait3A_31 = tpu.memref_squeeze %dma_wait3A_30 : memref<1x1x32x128xf32, #tpu.memory_space<vmem>> -> memref<32x128xf32, #tpu.memory_space<vmem>>
    %dma_wait3A_32 = arith.constant 0 : i32
    %dma_wait3A_33 = tpu.memref_slice %arg9[%dma_wait3A, %dma_wait3A_32] : memref<2x32xi32, #tpu.memory_space<vmem>> -> memref<1x32xi32, #tpu.memory_space<vmem>>
    %dma_wait3A_34 = tpu.memref_squeeze %dma_wait3A_33 : memref<1x32xi32, #tpu.memory_space<vmem>> -> memref<32xi32, #tpu.memory_space<vmem>>
    %dma_wait3A_35 = arith.constant 0 : i32
    %dma_wait3A_36 = arith.constant 0 : i32
    %dma_wait3A_37 = tpu.memref_slice %arg5[%dma_wait3A_35, %dma_wait3A_36] : memref<40960x128xf32, #tpu.memory_space<hbm>> -> memref<40960x128xf32, #tpu.memory_space<hbm>>
    tpu.wait_indirect_dma semaphore(%arg12 : memref<!tpu.dma_semaphore, #tpu.memory_space<semaphore_mem>>) src(%dma_wait3A_37 : memref<40960x128xf32, #tpu.memory_space<hbm>>) dst(%dma_wait3A_31 : memref<32x128xf32, #tpu.memory_space<vmem>>)
    %dma_wait3A_38 = arith.constant 1 : i32
    %dma_wait3A_39 = arith.constant 0 : i32
    %dma_wait3A_40 = arith.constant 1 : i32
    %dma_wait3A_41 = arith.constant 0 : i32
    %dma_wait3A_42 = arith.constant 0 : i32
    %dma_wait3A_43 = tpu.memref_slice %arg11[%dma_wait3A_39, %dma_wait3A_40, %dma_wait3A_41, %dma_wait3A_42] : memref<4x3x80x128xf32, #tpu.memory_space<vmem>> -> memref<1x1x32x128xf32, #tpu.memory_space<vmem>>
    %dma_wait3A_44 = tpu.memref_squeeze %dma_wait3A_43 : memref<1x1x32x128xf32, #tpu.memory_space<vmem>> -> memref<32x128xf32, #tpu.memory_space<vmem>>
    %dma_wait3A_45 = arith.constant 0 : i32
    %dma_wait3A_46 = tpu.memref_slice %arg9[%dma_wait3A_38, %dma_wait3A_45] : memref<2x32xi32, #tpu.memory_space<vmem>> -> memref<1x32xi32, #tpu.memory_space<vmem>>
    %dma_wait3A_47 = tpu.memref_squeeze %dma_wait3A_46 : memref<1x32xi32, #tpu.memory_space<vmem>> -> memref<32xi32, #tpu.memory_space<vmem>>
    %dma_wait3A_48 = arith.constant 0 : i32
    %dma_wait3A_49 = arith.constant 0 : i32
    %dma_wait3A_50 = tpu.memref_slice %arg6[%dma_wait3A_48, %dma_wait3A_49] : memref<28672x128xf32, #tpu.memory_space<hbm>> -> memref<28672x128xf32, #tpu.memory_space<hbm>>
    tpu.wait_indirect_dma semaphore(%arg12 : memref<!tpu.dma_semaphore, #tpu.memory_space<semaphore_mem>>) src(%dma_wait3A_50 : memref<28672x128xf32, #tpu.memory_space<hbm>>) dst(%dma_wait3A_44 : memref<32x128xf32, #tpu.memory_space<vmem>>)
    %mul3A_51 = arith.constant 32 : i32
    %mul3A_52 = arith.muli %add3A, %mul3A_51 : i32
    %dma_start3A_53 = arith.constant 0 : i32
    %dma_start3A_54 = arith.constant 0 : i32
    %dma_start3A_55 = arith.constant 0 : i32
    %dma_start3A_56 = arith.constant 0 : i32
    %dma_start3A_57 = arith.constant 0 : i32
    %dma_start3A_58 = tpu.memref_slice %arg11[%dma_start3A_53, %dma_start3A_54, %dma_start3A_56, %dma_start3A_57] : memref<4x3x80x128xf32, #tpu.memory_space<vmem>> -> memref<1x1x32x128xf32, #tpu.memory_space<vmem>>
    %dma_start3A_59 = tpu.memref_squeeze %dma_start3A_58 : memref<1x1x32x128xf32, #tpu.memory_space<vmem>> -> memref<32x128xf32, #tpu.memory_space<vmem>>
    %dma_start3A_60 = arith.constant 0 : i32
    %dma_start3A_61 = tpu.memref_slice %arg7[%dma_start3A_55, %mul3A_52, %dma_start3A_60] : memref<2x1024x128xf32, #tpu.memory_space<hbm>> -> memref<1x32x128xf32, #tpu.memory_space<hbm>>
    %dma_start3A_62 = tpu.memref_squeeze %dma_start3A_61 : memref<1x32x128xf32, #tpu.memory_space<hbm>> -> memref<32x128xf32, #tpu.memory_space<hbm>>
    %dma_start3A_63 = arith.constant 0 : i32
    %dma_start3A_64 = tpu.memref_slice %arg7[%dma_start3A_55, %mul3A_52, %dma_start3A_63] : memref<2x1024x128xf32, #tpu.memory_space<hbm>> -> memref<1x32x128xf32, #tpu.memory_space<hbm>>
    %dma_start3A_65 = tpu.memref_squeeze %dma_start3A_64 : memref<1x32x128xf32, #tpu.memory_space<hbm>> -> memref<32x128xf32, #tpu.memory_space<hbm>>
    %dma_start3A_66 = arith.constant 0 : i32
    %dma_start3A_67 = arith.constant 0 : i32
    %dma_start3A_68 = tpu.memref_slice %arg11[%dma_start3A_53, %dma_start3A_54, %dma_start3A_66, %dma_start3A_67] : memref<4x3x80x128xf32, #tpu.memory_space<vmem>> -> memref<1x1x32x128xf32, #tpu.memory_space<vmem>>
    %dma_start3A_69 = tpu.memref_squeeze %dma_start3A_68 : memref<1x1x32x128xf32, #tpu.memory_space<vmem>> -> memref<32x128xf32, #tpu.memory_space<vmem>>
    tpu.enqueue_dma source(%dma_start3A_69 : memref<32x128xf32, #tpu.memory_space<vmem>>) target(%dma_start3A_65 : memref<32x128xf32, #tpu.memory_space<hbm>>) target_semaphore(%arg13 : memref<!tpu.dma_semaphore, #tpu.memory_space<semaphore_mem>>)
    %mul3A_70 = arith.constant 32 : i32
    %mul3A_71 = arith.muli %add3A, %mul3A_70 : i32
    %dma_start3A_72 = arith.constant 0 : i32
    %dma_start3A_73 = arith.constant 1 : i32
    %dma_start3A_74 = arith.constant 1 : i32
    %dma_start3A_75 = arith.constant 0 : i32
    %dma_start3A_76 = arith.constant 0 : i32
    %dma_start3A_77 = tpu.memref_slice %arg11[%dma_start3A_72, %dma_start3A_73, %dma_start3A_75, %dma_start3A_76] : memref<4x3x80x128xf32, #tpu.memory_space<vmem>> -> memref<1x1x32x128xf32, #tpu.memory_space<vmem>>
    %dma_start3A_78 = tpu.memref_squeeze %dma_start3A_77 : memref<1x1x32x128xf32, #tpu.memory_space<vmem>> -> memref<32x128xf32, #tpu.memory_space<vmem>>
    %dma_start3A_79 = arith.constant 0 : i32
    %dma_start3A_80 = tpu.memref_slice %arg7[%dma_start3A_74, %mul3A_71, %dma_start3A_79] : memref<2x1024x128xf32, #tpu.memory_space<hbm>> -> memref<1x32x128xf32, #tpu.memory_space<hbm>>
    %dma_start3A_81 = tpu.memref_squeeze %dma_start3A_80 : memref<1x32x128xf32, #tpu.memory_space<hbm>> -> memref<32x128xf32, #tpu.memory_space<hbm>>
    %dma_start3A_82 = arith.constant 0 : i32
    %dma_start3A_83 = tpu.memref_slice %arg7[%dma_start3A_74, %mul3A_71, %dma_start3A_82] : memref<2x1024x128xf32, #tpu.memory_space<hbm>> -> memref<1x32x128xf32, #tpu.memory_space<hbm>>
    %dma_start3A_84 = tpu.memref_squeeze %dma_start3A_83 : memref<1x32x128xf32, #tpu.memory_space<hbm>> -> memref<32x128xf32, #tpu.memory_space<hbm>>
    %dma_start3A_85 = arith.constant 0 : i32
    %dma_start3A_86 = arith.constant 0 : i32
    %dma_start3A_87 = tpu.memref_slice %arg11[%dma_start3A_72, %dma_start3A_73, %dma_start3A_85, %dma_start3A_86] : memref<4x3x80x128xf32, #tpu.memory_space<vmem>> -> memref<1x1x32x128xf32, #tpu.memory_space<vmem>>
    %dma_start3A_88 = tpu.memref_squeeze %dma_start3A_87 : memref<1x1x32x128xf32, #tpu.memory_space<vmem>> -> memref<32x128xf32, #tpu.memory_space<vmem>>
    tpu.enqueue_dma source(%dma_start3A_88 : memref<32x128xf32, #tpu.memory_space<vmem>>) target(%dma_start3A_84 : memref<32x128xf32, #tpu.memory_space<hbm>>) target_semaphore(%arg13 : memref<!tpu.dma_semaphore, #tpu.memory_space<semaphore_mem>>)
    %dma_wait3A_89 = arith.constant 0 : i32
    %dma_wait3A_90 = arith.constant 0 : i32
    %dma_wait3A_91 = arith.constant 0 : i32
    %dma_wait3A_92 = arith.constant 0 : i32
    %dma_wait3A_93 = arith.constant 0 : i32
    %dma_wait3A_94 = tpu.memref_slice %arg11[%dma_wait3A_89, %dma_wait3A_90, %dma_wait3A_92, %dma_wait3A_93] : memref<4x3x80x128xf32, #tpu.memory_space<vmem>> -> memref<1x1x32x128xf32, #tpu.memory_space<vmem>>
    %dma_wait3A_95 = tpu.memref_squeeze %dma_wait3A_94 : memref<1x1x32x128xf32, #tpu.memory_space<vmem>> -> memref<32x128xf32, #tpu.memory_space<vmem>>
    %dma_wait3A_96 = arith.constant 0 : i32
    %dma_wait3A_97 = tpu.memref_slice %arg7[%dma_wait3A_91, %mul3A_52, %dma_wait3A_96] : memref<2x1024x128xf32, #tpu.memory_space<hbm>> -> memref<1x32x128xf32, #tpu.memory_space<hbm>>
    %dma_wait3A_98 = tpu.memref_squeeze %dma_wait3A_97 : memref<1x32x128xf32, #tpu.memory_space<hbm>> -> memref<32x128xf32, #tpu.memory_space<hbm>>
    %dma_wait3A_99 = arith.constant 0 : i32
    %dma_wait3A_100 = tpu.memref_slice %arg7[%dma_wait3A_91, %mul3A_52, %dma_wait3A_99] : memref<2x1024x128xf32, #tpu.memory_space<hbm>> -> memref<1x32x128xf32, #tpu.memory_space<hbm>>
    %dma_wait3A_101 = tpu.memref_squeeze %dma_wait3A_100 : memref<1x32x128xf32, #tpu.memory_space<hbm>> -> memref<32x128xf32, #tpu.memory_space<hbm>>
    %dma_wait3A_102 = arith.constant 0 : i32
    %dma_wait3A_103 = arith.constant 0 : i32
    %dma_wait3A_104 = tpu.memref_slice %arg11[%dma_wait3A_89, %dma_wait3A_90, %dma_wait3A_102, %dma_wait3A_103] : memref<4x3x80x128xf32, #tpu.memory_space<vmem>> -> memref<1x1x32x128xf32, #tpu.memory_space<vmem>>
    %dma_wait3A_105 = tpu.memref_squeeze %dma_wait3A_104 : memref<1x1x32x128xf32, #tpu.memory_space<vmem>> -> memref<32x128xf32, #tpu.memory_space<vmem>>
    tpu.wait_dma2 semaphore(%arg13 : memref<!tpu.dma_semaphore, #tpu.memory_space<semaphore_mem>>) src(%dma_wait3A_105 : memref<32x128xf32, #tpu.memory_space<vmem>>) dst(%dma_wait3A_101 : memref<32x128xf32, #tpu.memory_space<hbm>>)
    %dma_wait3A_106 = arith.constant 0 : i32
    %dma_wait3A_107 = arith.constant 1 : i32
    %dma_wait3A_108 = arith.constant 1 : i32
    %dma_wait3A_109 = arith.constant 0 : i32
    %dma_wait3A_110 = arith.constant 0 : i32
    %dma_wait3A_111 = tpu.memref_slice %arg11[%dma_wait3A_106, %dma_wait3A_107, %dma_wait3A_109, %dma_wait3A_110] : memref<4x3x80x128xf32, #tpu.memory_space<vmem>> -> memref<1x1x32x128xf32, #tpu.memory_space<vmem>>
    %dma_wait3A_112 = tpu.memref_squeeze %dma_wait3A_111 : memref<1x1x32x128xf32, #tpu.memory_space<vmem>> -> memref<32x128xf32, #tpu.memory_space<vmem>>
    %dma_wait3A_113 = arith.constant 0 : i32
    %dma_wait3A_114 = tpu.memref_slice %arg7[%dma_wait3A_108, %mul3A_71, %dma_wait3A_113] : memref<2x1024x128xf32, #tpu.memory_space<hbm>> -> memref<1x32x128xf32, #tpu.memory_space<hbm>>
    %dma_wait3A_115 = tpu.memref_squeeze %dma_wait3A_114 : memref<1x32x128xf32, #tpu.memory_space<hbm>> -> memref<32x128xf32, #tpu.memory_space<hbm>>
    %dma_wait3A_116 = arith.constant 0 : i32
    %dma_wait3A_117 = tpu.memref_slice %arg7[%dma_wait3A_108, %mul3A_71, %dma_wait3A_116] : memref<2x1024x128xf32, #tpu.memory_space<hbm>> -> memref<1x32x128xf32, #tpu.memory_space<hbm>>
    %dma_wait3A_118 = tpu.memref_squeeze %dma_wait3A_117 : memref<1x32x128xf32, #tpu.memory_space<hbm>> -> memref<32x128xf32, #tpu.memory_space<hbm>>
    %dma_wait3A_119 = arith.constant 0 : i32
    %dma_wait3A_120 = arith.constant 0 : i32
    %dma_wait3A_121 = tpu.memref_slice %arg11[%dma_wait3A_106, %dma_wait3A_107, %dma_wait3A_119, %dma_wait3A_120] : memref<4x3x80x128xf32, #tpu.memory_space<vmem>> -> memref<1x1x32x128xf32, #tpu.memory_space<vmem>>
    %dma_wait3A_122 = tpu.memref_squeeze %dma_wait3A_121 : memref<1x1x32x128xf32, #tpu.memory_space<vmem>> -> memref<32x128xf32, #tpu.memory_space<vmem>>
    tpu.wait_dma2 semaphore(%arg13 : memref<!tpu.dma_semaphore, #tpu.memory_space<semaphore_mem>>) src(%dma_wait3A_122 : memref<32x128xf32, #tpu.memory_space<vmem>>) dst(%dma_wait3A_118 : memref<32x128xf32, #tpu.memory_space<hbm>>)
    %dma_start3A_123 = arith.constant 0 : i32
    %dma_start3A_124 = arith.constant 0 : i32
    %dma_start3A_125 = arith.constant 0 : i32
    %dma_start3A_126 = arith.constant 0 : i32
    %dma_start3A_127 = arith.constant 0 : i32
    %dma_start3A_128 = tpu.memref_slice %arg11[%dma_start3A_124, %dma_start3A_125, %dma_start3A_126, %dma_start3A_127] : memref<4x3x80x128xf32, #tpu.memory_space<vmem>> -> memref<1x1x80x128xf32, #tpu.memory_space<vmem>>
    %dma_start3A_129 = tpu.memref_squeeze %dma_start3A_128 : memref<1x1x80x128xf32, #tpu.memory_space<vmem>> -> memref<80x128xf32, #tpu.memory_space<vmem>>
    %dma_start3A_130 = arith.constant 0 : i32
    %dma_start3A_131 = tpu.memref_slice %arg10[%dma_start3A_123, %dma_start3A_130] : memref<3x320xi32, #tpu.memory_space<vmem>> -> memref<1x80xi32, #tpu.memory_space<vmem>>
    %dma_start3A_132 = tpu.memref_squeeze %dma_start3A_131 : memref<1x80xi32, #tpu.memory_space<vmem>> -> memref<80xi32, #tpu.memory_space<vmem>>
    %dma_start3A_133 = arith.constant 0 : i32
    %dma_start3A_134 = arith.constant 0 : i32
    %dma_start3A_135 = tpu.memref_slice %arg4[%dma_start3A_133, %dma_start3A_134] : memref<53248x128xf32, #tpu.memory_space<hbm>> -> memref<53248x128xf32, #tpu.memory_space<hbm>>
    tpu.enqueue_indirect_dma source(%dma_start3A_135 : memref<53248x128xf32, #tpu.memory_space<hbm>>) target(%dma_start3A_129 : memref<80x128xf32, #tpu.memory_space<vmem>>) offsets(%dma_start3A_132 : memref<80xi32, #tpu.memory_space<vmem>>) semaphore(%arg12 : memref<!tpu.dma_semaphore, #tpu.memory_space<semaphore_mem>>)
    %dma_start3A_136 = arith.constant 1 : i32
    %dma_start3A_137 = arith.constant 0 : i32
    %dma_start3A_138 = arith.constant 1 : i32
    %dma_start3A_139 = arith.constant 0 : i32
    %dma_start3A_140 = arith.constant 0 : i32
    %dma_start3A_141 = tpu.memref_slice %arg11[%dma_start3A_137, %dma_start3A_138, %dma_start3A_139, %dma_start3A_140] : memref<4x3x80x128xf32, #tpu.memory_space<vmem>> -> memref<1x1x80x128xf32, #tpu.memory_space<vmem>>
    %dma_start3A_142 = tpu.memref_squeeze %dma_start3A_141 : memref<1x1x80x128xf32, #tpu.memory_space<vmem>> -> memref<80x128xf32, #tpu.memory_space<vmem>>
    %dma_start3A_143 = arith.constant 0 : i32
    %dma_start3A_144 = tpu.memref_slice %arg10[%dma_start3A_136, %dma_start3A_143] : memref<3x320xi32, #tpu.memory_space<vmem>> -> memref<1x80xi32, #tpu.memory_space<vmem>>
    %dma_start3A_145 = tpu.memref_squeeze %dma_start3A_144 : memref<1x80xi32, #tpu.memory_space<vmem>> -> memref<80xi32, #tpu.memory_space<vmem>>
    %dma_start3A_146 = arith.constant 0 : i32
    %dma_start3A_147 = arith.constant 0 : i32
    %dma_start3A_148 = tpu.memref_slice %arg5[%dma_start3A_146, %dma_start3A_147] : memref<40960x128xf32, #tpu.memory_space<hbm>> -> memref<40960x128xf32, #tpu.memory_space<hbm>>
    tpu.enqueue_indirect_dma source(%dma_start3A_148 : memref<40960x128xf32, #tpu.memory_space<hbm>>) target(%dma_start3A_142 : memref<80x128xf32, #tpu.memory_space<vmem>>) offsets(%dma_start3A_145 : memref<80xi32, #tpu.memory_space<vmem>>) semaphore(%arg12 : memref<!tpu.dma_semaphore, #tpu.memory_space<semaphore_mem>>)
    %dma_start3A_149 = arith.constant 2 : i32
    %dma_start3A_150 = arith.constant 0 : i32
    %dma_start3A_151 = arith.constant 2 : i32
    %dma_start3A_152 = arith.constant 0 : i32
    %dma_start3A_153 = arith.constant 0 : i32
    %dma_start3A_154 = tpu.memref_slice %arg11[%dma_start3A_150, %dma_start3A_151, %dma_start3A_152, %dma_start3A_153] : memref<4x3x80x128xf32, #tpu.memory_space<vmem>> -> memref<1x1x80x128xf32, #tpu.memory_space<vmem>>
    %dma_start3A_155 = tpu.memref_squeeze %dma_start3A_154 : memref<1x1x80x128xf32, #tpu.memory_space<vmem>> -> memref<80x128xf32, #tpu.memory_space<vmem>>
    %dma_start3A_156 = arith.constant 0 : i32
    %dma_start3A_157 = tpu.memref_slice %arg10[%dma_start3A_149, %dma_start3A_156] : memref<3x320xi32, #tpu.memory_space<vmem>> -> memref<1x80xi32, #tpu.memory_space<vmem>>
    %dma_start3A_158 = tpu.memref_squeeze %dma_start3A_157 : memref<1x80xi32, #tpu.memory_space<vmem>> -> memref<80xi32, #tpu.memory_space<vmem>>
    %dma_start3A_159 = arith.constant 0 : i32
    %dma_start3A_160 = arith.constant 0 : i32
    %dma_start3A_161 = tpu.memref_slice %arg6[%dma_start3A_159, %dma_start3A_160] : memref<28672x128xf32, #tpu.memory_space<hbm>> -> memref<28672x128xf32, #tpu.memory_space<hbm>>
    tpu.enqueue_indirect_dma source(%dma_start3A_161 : memref<28672x128xf32, #tpu.memory_space<hbm>>) target(%dma_start3A_155 : memref<80x128xf32, #tpu.memory_space<vmem>>) offsets(%dma_start3A_158 : memref<80xi32, #tpu.memory_space<vmem>>) semaphore(%arg12 : memref<!tpu.dma_semaphore, #tpu.memory_space<semaphore_mem>>)
    %dma_start3A_162 = arith.constant 0 : i32
    %dma_start3A_163 = arith.constant 1 : i32
    %dma_start3A_164 = arith.constant 0 : i32
    %dma_start3A_165 = arith.constant 0 : i32
    %dma_start3A_166 = arith.constant 0 : i32
    %dma_start3A_167 = tpu.memref_slice %arg11[%dma_start3A_163, %dma_start3A_164, %dma_start3A_165, %dma_start3A_166] : memref<4x3x80x128xf32, #tpu.memory_space<vmem>> -> memref<1x1x80x128xf32, #tpu.memory_space<vmem>>
    %dma_start3A_168 = tpu.memref_squeeze %dma_start3A_167 : memref<1x1x80x128xf32, #tpu.memory_space<vmem>> -> memref<80x128xf32, #tpu.memory_space<vmem>>
    %dma_start3A_169 = arith.constant 80 : i32
    %dma_start3A_170 = tpu.memref_slice %arg10[%dma_start3A_162, %dma_start3A_169] : memref<3x320xi32, #tpu.memory_space<vmem>> -> memref<1x80xi32, #tpu.memory_space<vmem>>
    %dma_start3A_171 = tpu.memref_squeeze %dma_start3A_170 : memref<1x80xi32, #tpu.memory_space<vmem>> -> memref<80xi32, #tpu.memory_space<vmem>>
    %dma_start3A_172 = arith.constant 0 : i32
    %dma_start3A_173 = arith.constant 0 : i32
    %dma_start3A_174 = tpu.memref_slice %arg4[%dma_start3A_172, %dma_start3A_173] : memref<53248x128xf32, #tpu.memory_space<hbm>> -> memref<53248x128xf32, #tpu.memory_space<hbm>>
    tpu.enqueue_indirect_dma source(%dma_start3A_174 : memref<53248x128xf32, #tpu.memory_space<hbm>>) target(%dma_start3A_168 : memref<80x128xf32, #tpu.memory_space<vmem>>) offsets(%dma_start3A_171 : memref<80xi32, #tpu.memory_space<vmem>>) semaphore(%arg12 : memref<!tpu.dma_semaphore, #tpu.memory_space<semaphore_mem>>)
    %dma_start3A_175 = arith.constant 1 : i32
    %dma_start3A_176 = arith.constant 1 : i32
    %dma_start3A_177 = arith.constant 1 : i32
    %dma_start3A_178 = arith.constant 0 : i32
    %dma_start3A_179 = arith.constant 0 : i32
    %dma_start3A_180 = tpu.memref_slice %arg11[%dma_start3A_176, %dma_start3A_177, %dma_start3A_178, %dma_start3A_179] : memref<4x3x80x128xf32, #tpu.memory_space<vmem>> -> memref<1x1x80x128xf32, #tpu.memory_space<vmem>>
    %dma_start3A_181 = tpu.memref_squeeze %dma_start3A_180 : memref<1x1x80x128xf32, #tpu.memory_space<vmem>> -> memref<80x128xf32, #tpu.memory_space<vmem>>
    %dma_start3A_182 = arith.constant 80 : i32
    %dma_start3A_183 = tpu.memref_slice %arg10[%dma_start3A_175, %dma_start3A_182] : memref<3x320xi32, #tpu.memory_space<vmem>> -> memref<1x80xi32, #tpu.memory_space<vmem>>
    %dma_start3A_184 = tpu.memref_squeeze %dma_start3A_183 : memref<1x80xi32, #tpu.memory_space<vmem>> -> memref<80xi32, #tpu.memory_space<vmem>>
    %dma_start3A_185 = arith.constant 0 : i32
    %dma_start3A_186 = arith.constant 0 : i32
    %dma_start3A_187 = tpu.memref_slice %arg5[%dma_start3A_185, %dma_start3A_186] : memref<40960x128xf32, #tpu.memory_space<hbm>> -> memref<40960x128xf32, #tpu.memory_space<hbm>>
    tpu.enqueue_indirect_dma source(%dma_start3A_187 : memref<40960x128xf32, #tpu.memory_space<hbm>>) target(%dma_start3A_181 : memref<80x128xf32, #tpu.memory_space<vmem>>) offsets(%dma_start3A_184 : memref<80xi32, #tpu.memory_space<vmem>>) semaphore(%arg12 : memref<!tpu.dma_semaphore, #tpu.memory_space<semaphore_mem>>)
    %dma_start3A_188 = arith.constant 2 : i32
    %dma_start3A_189 = arith.constant 1 : i32
    %dma_start3A_190 = arith.constant 2 : i32
    %dma_start3A_191 = arith.constant 0 : i32
    %dma_start3A_192 = arith.constant 0 : i32
    %dma_start3A_193 = tpu.memref_slice %arg11[%dma_start3A_189, %dma_start3A_190, %dma_start3A_191, %dma_start3A_192] : memref<4x3x80x128xf32, #tpu.memory_space<vmem>> -> memref<1x1x80x128xf32, #tpu.memory_space<vmem>>
    %dma_start3A_194 = tpu.memref_squeeze %dma_start3A_193 : memref<1x1x80x128xf32, #tpu.memory_space<vmem>> -> memref<80x128xf32, #tpu.memory_space<vmem>>
    %dma_start3A_195 = arith.constant 80 : i32
    %dma_start3A_196 = tpu.memref_slice %arg10[%dma_start3A_188, %dma_start3A_195] : memref<3x320xi32, #tpu.memory_space<vmem>> -> memref<1x80xi32, #tpu.memory_space<vmem>>
    %dma_start3A_197 = tpu.memref_squeeze %dma_start3A_196 : memref<1x80xi32, #tpu.memory_space<vmem>> -> memref<80xi32, #tpu.memory_space<vmem>>
    %dma_start3A_198 = arith.constant 0 : i32
    %dma_start3A_199 = arith.constant 0 : i32
    %dma_start3A_200 = tpu.memref_slice %arg6[%dma_start3A_198, %dma_start3A_199] : memref<28672x128xf32, #tpu.memory_space<hbm>> -> memref<28672x128xf32, #tpu.memory_space<hbm>>
    tpu.enqueue_indirect_dma source(%dma_start3A_200 : memref<28672x128xf32, #tpu.memory_space<hbm>>) target(%dma_start3A_194 : memref<80x128xf32, #tpu.memory_space<vmem>>) offsets(%dma_start3A_197 : memref<80xi32, #tpu.memory_space<vmem>>) semaphore(%arg12 : memref<!tpu.dma_semaphore, #tpu.memory_space<semaphore_mem>>)
    %dma_start3A_201 = arith.constant 0 : i32
    %dma_start3A_202 = arith.constant 2 : i32
    %dma_start3A_203 = arith.constant 0 : i32
    %dma_start3A_204 = arith.constant 0 : i32
    %dma_start3A_205 = arith.constant 0 : i32
    %dma_start3A_206 = tpu.memref_slice %arg11[%dma_start3A_202, %dma_start3A_203, %dma_start3A_204, %dma_start3A_205] : memref<4x3x80x128xf32, #tpu.memory_space<vmem>> -> memref<1x1x80x128xf32, #tpu.memory_space<vmem>>
    %dma_start3A_207 = tpu.memref_squeeze %dma_start3A_206 : memref<1x1x80x128xf32, #tpu.memory_space<vmem>> -> memref<80x128xf32, #tpu.memory_space<vmem>>
    %dma_start3A_208 = arith.constant 160 : i32
    %dma_start3A_209 = tpu.memref_slice %arg10[%dma_start3A_201, %dma_start3A_208] : memref<3x320xi32, #tpu.memory_space<vmem>> -> memref<1x80xi32, #tpu.memory_space<vmem>>
    %dma_start3A_210 = tpu.memref_squeeze %dma_start3A_209 : memref<1x80xi32, #tpu.memory_space<vmem>> -> memref<80xi32, #tpu.memory_space<vmem>>
    %dma_start3A_211 = arith.constant 0 : i32
    %dma_start3A_212 = arith.constant 0 : i32
    %dma_start3A_213 = tpu.memref_slice %arg4[%dma_start3A_211, %dma_start3A_212] : memref<53248x128xf32, #tpu.memory_space<hbm>> -> memref<53248x128xf32, #tpu.memory_space<hbm>>
    tpu.enqueue_indirect_dma source(%dma_start3A_213 : memref<53248x128xf32, #tpu.memory_space<hbm>>) target(%dma_start3A_207 : memref<80x128xf32, #tpu.memory_space<vmem>>) offsets(%dma_start3A_210 : memref<80xi32, #tpu.memory_space<vmem>>) semaphore(%arg12 : memref<!tpu.dma_semaphore, #tpu.memory_space<semaphore_mem>>)
    %dma_start3A_214 = arith.constant 1 : i32
    %dma_start3A_215 = arith.constant 2 : i32
    %dma_start3A_216 = arith.constant 1 : i32
    %dma_start3A_217 = arith.constant 0 : i32
    %dma_start3A_218 = arith.constant 0 : i32
    %dma_start3A_219 = tpu.memref_slice %arg11[%dma_start3A_215, %dma_start3A_216, %dma_start3A_217, %dma_start3A_218] : memref<4x3x80x128xf32, #tpu.memory_space<vmem>> -> memref<1x1x80x128xf32, #tpu.memory_space<vmem>>
    %dma_start3A_220 = tpu.memref_squeeze %dma_start3A_219 : memref<1x1x80x128xf32, #tpu.memory_space<vmem>> -> memref<80x128xf32, #tpu.memory_space<vmem>>
    %dma_start3A_221 = arith.constant 160 : i32
    %dma_start3A_222 = tpu.memref_slice %arg10[%dma_start3A_214, %dma_start3A_221] : memref<3x320xi32, #tpu.memory_space<vmem>> -> memref<1x80xi32, #tpu.memory_space<vmem>>
    %dma_start3A_223 = tpu.memref_squeeze %dma_start3A_222 : memref<1x80xi32, #tpu.memory_space<vmem>> -> memref<80xi32, #tpu.memory_space<vmem>>
    %dma_start3A_224 = arith.constant 0 : i32
    %dma_start3A_225 = arith.constant 0 : i32
    %dma_start3A_226 = tpu.memref_slice %arg5[%dma_start3A_224, %dma_start3A_225] : memref<40960x128xf32, #tpu.memory_space<hbm>> -> memref<40960x128xf32, #tpu.memory_space<hbm>>
    tpu.enqueue_indirect_dma source(%dma_start3A_226 : memref<40960x128xf32, #tpu.memory_space<hbm>>) target(%dma_start3A_220 : memref<80x128xf32, #tpu.memory_space<vmem>>) offsets(%dma_start3A_223 : memref<80xi32, #tpu.memory_space<vmem>>) semaphore(%arg12 : memref<!tpu.dma_semaphore, #tpu.memory_space<semaphore_mem>>)
    %dma_start3A_227 = arith.constant 2 : i32
    %dma_start3A_228 = arith.constant 2 : i32
    %dma_start3A_229 = arith.constant 2 : i32
    %dma_start3A_230 = arith.constant 0 : i32
    %dma_start3A_231 = arith.constant 0 : i32
    %dma_start3A_232 = tpu.memref_slice %arg11[%dma_start3A_228, %dma_start3A_229, %dma_start3A_230, %dma_start3A_231] : memref<4x3x80x128xf32, #tpu.memory_space<vmem>> -> memref<1x1x80x128xf32, #tpu.memory_space<vmem>>
    %dma_start3A_233 = tpu.memref_squeeze %dma_start3A_232 : memref<1x1x80x128xf32, #tpu.memory_space<vmem>> -> memref<80x128xf32, #tpu.memory_space<vmem>>
    %dma_start3A_234 = arith.constant 160 : i32
    %dma_start3A_235 = tpu.memref_slice %arg10[%dma_start3A_227, %dma_start3A_234] : memref<3x320xi32, #tpu.memory_space<vmem>> -> memref<1x80xi32, #tpu.memory_space<vmem>>
    %dma_start3A_236 = tpu.memref_squeeze %dma_start3A_235 : memref<1x80xi32, #tpu.memory_space<vmem>> -> memref<80xi32, #tpu.memory_space<vmem>>
    %dma_start3A_237 = arith.constant 0 : i32
    %dma_start3A_238 = arith.constant 0 : i32
    %dma_start3A_239 = tpu.memref_slice %arg6[%dma_start3A_237, %dma_start3A_238] : memref<28672x128xf32, #tpu.memory_space<hbm>> -> memref<28672x128xf32, #tpu.memory_space<hbm>>
    tpu.enqueue_indirect_dma source(%dma_start3A_239 : memref<28672x128xf32, #tpu.memory_space<hbm>>) target(%dma_start3A_233 : memref<80x128xf32, #tpu.memory_space<vmem>>) offsets(%dma_start3A_236 : memref<80xi32, #tpu.memory_space<vmem>>) semaphore(%arg12 : memref<!tpu.dma_semaphore, #tpu.memory_space<semaphore_mem>>)
    %dma_start3A_240 = arith.constant 0 : i32
    %dma_start3A_241 = arith.constant 3 : i32
    %dma_start3A_242 = arith.constant 0 : i32
    %dma_start3A_243 = arith.constant 0 : i32
    %dma_start3A_244 = arith.constant 0 : i32
    %dma_start3A_245 = tpu.memref_slice %arg11[%dma_start3A_241, %dma_start3A_242, %dma_start3A_243, %dma_start3A_244] : memref<4x3x80x128xf32, #tpu.memory_space<vmem>> -> memref<1x1x80x128xf32, #tpu.memory_space<vmem>>
    %dma_start3A_246 = tpu.memref_squeeze %dma_start3A_245 : memref<1x1x80x128xf32, #tpu.memory_space<vmem>> -> memref<80x128xf32, #tpu.memory_space<vmem>>
    %dma_start3A_247 = arith.constant 240 : i32
    %dma_start3A_248 = tpu.memref_slice %arg10[%dma_start3A_240, %dma_start3A_247] : memref<3x320xi32, #tpu.memory_space<vmem>> -> memref<1x80xi32, #tpu.memory_space<vmem>>
    %dma_start3A_249 = tpu.memref_squeeze %dma_start3A_248 : memref<1x80xi32, #tpu.memory_space<vmem>> -> memref<80xi32, #tpu.memory_space<vmem>>
    %dma_start3A_250 = arith.constant 0 : i32
    %dma_start3A_251 = arith.constant 0 : i32
    %dma_start3A_252 = tpu.memref_slice %arg4[%dma_start3A_250, %dma_start3A_251] : memref<53248x128xf32, #tpu.memory_space<hbm>> -> memref<53248x128xf32, #tpu.memory_space<hbm>>
    tpu.enqueue_indirect_dma source(%dma_start3A_252 : memref<53248x128xf32, #tpu.memory_space<hbm>>) target(%dma_start3A_246 : memref<80x128xf32, #tpu.memory_space<vmem>>) offsets(%dma_start3A_249 : memref<80xi32, #tpu.memory_space<vmem>>) semaphore(%arg12 : memref<!tpu.dma_semaphore, #tpu.memory_space<semaphore_mem>>)
    %dma_start3A_253 = arith.constant 1 : i32
    %dma_start3A_254 = arith.constant 3 : i32
    %dma_start3A_255 = arith.constant 1 : i32
    %dma_start3A_256 = arith.constant 0 : i32
    %dma_start3A_257 = arith.constant 0 : i32
    %dma_start3A_258 = tpu.memref_slice %arg11[%dma_start3A_254, %dma_start3A_255, %dma_start3A_256, %dma_start3A_257] : memref<4x3x80x128xf32, #tpu.memory_space<vmem>> -> memref<1x1x80x128xf32, #tpu.memory_space<vmem>>
    %dma_start3A_259 = tpu.memref_squeeze %dma_start3A_258 : memref<1x1x80x128xf32, #tpu.memory_space<vmem>> -> memref<80x128xf32, #tpu.memory_space<vmem>>
    %dma_start3A_260 = arith.constant 240 : i32
    %dma_start3A_261 = tpu.memref_slice %arg10[%dma_start3A_253, %dma_start3A_260] : memref<3x320xi32, #tpu.memory_space<vmem>> -> memref<1x80xi32, #tpu.memory_space<vmem>>
    %dma_start3A_262 = tpu.memref_squeeze %dma_start3A_261 : memref<1x80xi32, #tpu.memory_space<vmem>> -> memref<80xi32, #tpu.memory_space<vmem>>
    %dma_start3A_263 = arith.constant 0 : i32
    %dma_start3A_264 = arith.constant 0 : i32
    %dma_start3A_265 = tpu.memref_slice %arg5[%dma_start3A_263, %dma_start3A_264] : memref<40960x128xf32, #tpu.memory_space<hbm>> -> memref<40960x128xf32, #tpu.memory_space<hbm>>
    tpu.enqueue_indirect_dma source(%dma_start3A_265 : memref<40960x128xf32, #tpu.memory_space<hbm>>) target(%dma_start3A_259 : memref<80x128xf32, #tpu.memory_space<vmem>>) offsets(%dma_start3A_262 : memref<80xi32, #tpu.memory_space<vmem>>) semaphore(%arg12 : memref<!tpu.dma_semaphore, #tpu.memory_space<semaphore_mem>>)
    %dma_start3A_266 = arith.constant 2 : i32
    %dma_start3A_267 = arith.constant 3 : i32
    %dma_start3A_268 = arith.constant 2 : i32
    %dma_start3A_269 = arith.constant 0 : i32
    %dma_start3A_270 = arith.constant 0 : i32
    %dma_start3A_271 = tpu.memref_slice %arg11[%dma_start3A_267, %dma_start3A_268, %dma_start3A_269, %dma_start3A_270] : memref<4x3x80x128xf32, #tpu.memory_space<vmem>> -> memref<1x1x80x128xf32, #tpu.memory_space<vmem>>
    %dma_start3A_272 = tpu.memref_squeeze %dma_start3A_271 : memref<1x1x80x128xf32, #tpu.memory_space<vmem>> -> memref<80x128xf32, #tpu.memory_space<vmem>>
    %dma_start3A_273 = arith.constant 240 : i32
    %dma_start3A_274 = tpu.memref_slice %arg10[%dma_start3A_266, %dma_start3A_273] : memref<3x320xi32, #tpu.memory_space<vmem>> -> memref<1x80xi32, #tpu.memory_space<vmem>>
    %dma_start3A_275 = tpu.memref_squeeze %dma_start3A_274 : memref<1x80xi32, #tpu.memory_space<vmem>> -> memref<80xi32, #tpu.memory_space<vmem>>
    %dma_start3A_276 = arith.constant 0 : i32
    %dma_start3A_277 = arith.constant 0 : i32
    %dma_start3A_278 = tpu.memref_slice %arg6[%dma_start3A_276, %dma_start3A_277] : memref<28672x128xf32, #tpu.memory_space<hbm>> -> memref<28672x128xf32, #tpu.memory_space<hbm>>
    tpu.enqueue_indirect_dma source(%dma_start3A_278 : memref<28672x128xf32, #tpu.memory_space<hbm>>) target(%dma_start3A_272 : memref<80x128xf32, #tpu.memory_space<vmem>>) offsets(%dma_start3A_275 : memref<80xi32, #tpu.memory_space<vmem>>) semaphore(%arg12 : memref<!tpu.dma_semaphore, #tpu.memory_space<semaphore_mem>>)
    %dma_wait3A_279 = arith.constant 0 : i32
    %dma_wait3A_280 = arith.constant 0 : i32
    %dma_wait3A_281 = arith.constant 0 : i32
    %dma_wait3A_282 = arith.constant 0 : i32
    %dma_wait3A_283 = arith.constant 0 : i32
    %dma_wait3A_284 = tpu.memref_slice %arg11[%dma_wait3A_280, %dma_wait3A_281, %dma_wait3A_282, %dma_wait3A_283] : memref<4x3x80x128xf32, #tpu.memory_space<vmem>> -> memref<1x1x80x128xf32, #tpu.memory_space<vmem>>
    %dma_wait3A_285 = tpu.memref_squeeze %dma_wait3A_284 : memref<1x1x80x128xf32, #tpu.memory_space<vmem>> -> memref<80x128xf32, #tpu.memory_space<vmem>>
    %dma_wait3A_286 = arith.constant 0 : i32
    %dma_wait3A_287 = tpu.memref_slice %arg10[%dma_wait3A_279, %dma_wait3A_286] : memref<3x320xi32, #tpu.memory_space<vmem>> -> memref<1x80xi32, #tpu.memory_space<vmem>>
    %dma_wait3A_288 = tpu.memref_squeeze %dma_wait3A_287 : memref<1x80xi32, #tpu.memory_space<vmem>> -> memref<80xi32, #tpu.memory_space<vmem>>
    %dma_wait3A_289 = arith.constant 0 : i32
    %dma_wait3A_290 = arith.constant 0 : i32
    %dma_wait3A_291 = tpu.memref_slice %arg4[%dma_wait3A_289, %dma_wait3A_290] : memref<53248x128xf32, #tpu.memory_space<hbm>> -> memref<53248x128xf32, #tpu.memory_space<hbm>>
    tpu.wait_indirect_dma semaphore(%arg12 : memref<!tpu.dma_semaphore, #tpu.memory_space<semaphore_mem>>) src(%dma_wait3A_291 : memref<53248x128xf32, #tpu.memory_space<hbm>>) dst(%dma_wait3A_285 : memref<80x128xf32, #tpu.memory_space<vmem>>)
    %dma_wait3A_292 = arith.constant 1 : i32
    %dma_wait3A_293 = arith.constant 0 : i32
    %dma_wait3A_294 = arith.constant 1 : i32
    %dma_wait3A_295 = arith.constant 0 : i32
    %dma_wait3A_296 = arith.constant 0 : i32
    %dma_wait3A_297 = tpu.memref_slice %arg11[%dma_wait3A_293, %dma_wait3A_294, %dma_wait3A_295, %dma_wait3A_296] : memref<4x3x80x128xf32, #tpu.memory_space<vmem>> -> memref<1x1x80x128xf32, #tpu.memory_space<vmem>>
    %dma_wait3A_298 = tpu.memref_squeeze %dma_wait3A_297 : memref<1x1x80x128xf32, #tpu.memory_space<vmem>> -> memref<80x128xf32, #tpu.memory_space<vmem>>
    %dma_wait3A_299 = arith.constant 0 : i32
    %dma_wait3A_300 = tpu.memref_slice %arg10[%dma_wait3A_292, %dma_wait3A_299] : memref<3x320xi32, #tpu.memory_space<vmem>> -> memref<1x80xi32, #tpu.memory_space<vmem>>
    %dma_wait3A_301 = tpu.memref_squeeze %dma_wait3A_300 : memref<1x80xi32, #tpu.memory_space<vmem>> -> memref<80xi32, #tpu.memory_space<vmem>>
    %dma_wait3A_302 = arith.constant 0 : i32
    %dma_wait3A_303 = arith.constant 0 : i32
    %dma_wait3A_304 = tpu.memref_slice %arg5[%dma_wait3A_302, %dma_wait3A_303] : memref<40960x128xf32, #tpu.memory_space<hbm>> -> memref<40960x128xf32, #tpu.memory_space<hbm>>
    tpu.wait_indirect_dma semaphore(%arg12 : memref<!tpu.dma_semaphore, #tpu.memory_space<semaphore_mem>>) src(%dma_wait3A_304 : memref<40960x128xf32, #tpu.memory_space<hbm>>) dst(%dma_wait3A_298 : memref<80x128xf32, #tpu.memory_space<vmem>>)
    %dma_wait3A_305 = arith.constant 2 : i32
    %dma_wait3A_306 = arith.constant 0 : i32
    %dma_wait3A_307 = arith.constant 2 : i32
    %dma_wait3A_308 = arith.constant 0 : i32
    %dma_wait3A_309 = arith.constant 0 : i32
    %dma_wait3A_310 = tpu.memref_slice %arg11[%dma_wait3A_306, %dma_wait3A_307, %dma_wait3A_308, %dma_wait3A_309] : memref<4x3x80x128xf32, #tpu.memory_space<vmem>> -> memref<1x1x80x128xf32, #tpu.memory_space<vmem>>
    %dma_wait3A_311 = tpu.memref_squeeze %dma_wait3A_310 : memref<1x1x80x128xf32, #tpu.memory_space<vmem>> -> memref<80x128xf32, #tpu.memory_space<vmem>>
    %dma_wait3A_312 = arith.constant 0 : i32
    %dma_wait3A_313 = tpu.memref_slice %arg10[%dma_wait3A_305, %dma_wait3A_312] : memref<3x320xi32, #tpu.memory_space<vmem>> -> memref<1x80xi32, #tpu.memory_space<vmem>>
    %dma_wait3A_314 = tpu.memref_squeeze %dma_wait3A_313 : memref<1x80xi32, #tpu.memory_space<vmem>> -> memref<80xi32, #tpu.memory_space<vmem>>
    %dma_wait3A_315 = arith.constant 0 : i32
    %dma_wait3A_316 = arith.constant 0 : i32
    %dma_wait3A_317 = tpu.memref_slice %arg6[%dma_wait3A_315, %dma_wait3A_316] : memref<28672x128xf32, #tpu.memory_space<hbm>> -> memref<28672x128xf32, #tpu.memory_space<hbm>>
    tpu.wait_indirect_dma semaphore(%arg12 : memref<!tpu.dma_semaphore, #tpu.memory_space<semaphore_mem>>) src(%dma_wait3A_317 : memref<28672x128xf32, #tpu.memory_space<hbm>>) dst(%dma_wait3A_311 : memref<80x128xf32, #tpu.memory_space<vmem>>)
    %mul3A_318 = arith.constant 320 : i32
    %mul3A_319 = arith.muli %add3A, %mul3A_318 : i32
    %add3A_320 = arith.constant 0 : i32
    %add3A_321 = arith.addi %mul3A_319, %add3A_320 : i32
    %dma_start3A_322 = arith.constant 0 : i32
    %dma_start3A_323 = arith.constant 0 : i32
    %dma_start3A_324 = arith.constant 0 : i32
    %dma_start3A_325 = arith.constant 0 : i32
    %dma_start3A_326 = arith.constant 0 : i32
    %dma_start3A_327 = tpu.memref_slice %arg11[%dma_start3A_322, %dma_start3A_323, %dma_start3A_325, %dma_start3A_326] : memref<4x3x80x128xf32, #tpu.memory_space<vmem>> -> memref<1x1x80x128xf32, #tpu.memory_space<vmem>>
    %dma_start3A_328 = tpu.memref_squeeze %dma_start3A_327 : memref<1x1x80x128xf32, #tpu.memory_space<vmem>> -> memref<80x128xf32, #tpu.memory_space<vmem>>
    %dma_start3A_329 = arith.constant 0 : i32
    %dma_start3A_330 = tpu.memref_slice %arg8[%dma_start3A_324, %add3A_321, %dma_start3A_329] : memref<3x10240x128xf32, #tpu.memory_space<hbm>> -> memref<1x80x128xf32, #tpu.memory_space<hbm>>
    %dma_start3A_331 = tpu.memref_squeeze %dma_start3A_330 : memref<1x80x128xf32, #tpu.memory_space<hbm>> -> memref<80x128xf32, #tpu.memory_space<hbm>>
    %dma_start3A_332 = arith.constant 0 : i32
    %dma_start3A_333 = tpu.memref_slice %arg8[%dma_start3A_324, %add3A_321, %dma_start3A_332] : memref<3x10240x128xf32, #tpu.memory_space<hbm>> -> memref<1x80x128xf32, #tpu.memory_space<hbm>>
    %dma_start3A_334 = tpu.memref_squeeze %dma_start3A_333 : memref<1x80x128xf32, #tpu.memory_space<hbm>> -> memref<80x128xf32, #tpu.memory_space<hbm>>
    %dma_start3A_335 = arith.constant 0 : i32
    %dma_start3A_336 = arith.constant 0 : i32
    %dma_start3A_337 = tpu.memref_slice %arg11[%dma_start3A_322, %dma_start3A_323, %dma_start3A_335, %dma_start3A_336] : memref<4x3x80x128xf32, #tpu.memory_space<vmem>> -> memref<1x1x80x128xf32, #tpu.memory_space<vmem>>
    %dma_start3A_338 = tpu.memref_squeeze %dma_start3A_337 : memref<1x1x80x128xf32, #tpu.memory_space<vmem>> -> memref<80x128xf32, #tpu.memory_space<vmem>>
    tpu.enqueue_dma source(%dma_start3A_338 : memref<80x128xf32, #tpu.memory_space<vmem>>) target(%dma_start3A_334 : memref<80x128xf32, #tpu.memory_space<hbm>>) target_semaphore(%arg13 : memref<!tpu.dma_semaphore, #tpu.memory_space<semaphore_mem>>)
    %mul3A_339 = arith.constant 320 : i32
    %mul3A_340 = arith.muli %add3A, %mul3A_339 : i32
    %add3A_341 = arith.constant 0 : i32
    %add3A_342 = arith.addi %mul3A_340, %add3A_341 : i32
    %dma_start3A_343 = arith.constant 0 : i32
    %dma_start3A_344 = arith.constant 1 : i32
    %dma_start3A_345 = arith.constant 1 : i32
    %dma_start3A_346 = arith.constant 0 : i32
    %dma_start3A_347 = arith.constant 0 : i32
    %dma_start3A_348 = tpu.memref_slice %arg11[%dma_start3A_343, %dma_start3A_344, %dma_start3A_346, %dma_start3A_347] : memref<4x3x80x128xf32, #tpu.memory_space<vmem>> -> memref<1x1x80x128xf32, #tpu.memory_space<vmem>>
    %dma_start3A_349 = tpu.memref_squeeze %dma_start3A_348 : memref<1x1x80x128xf32, #tpu.memory_space<vmem>> -> memref<80x128xf32, #tpu.memory_space<vmem>>
    %dma_start3A_350 = arith.constant 0 : i32
    %dma_start3A_351 = tpu.memref_slice %arg8[%dma_start3A_345, %add3A_342, %dma_start3A_350] : memref<3x10240x128xf32, #tpu.memory_space<hbm>> -> memref<1x80x128xf32, #tpu.memory_space<hbm>>
    %dma_start3A_352 = tpu.memref_squeeze %dma_start3A_351 : memref<1x80x128xf32, #tpu.memory_space<hbm>> -> memref<80x128xf32, #tpu.memory_space<hbm>>
    %dma_start3A_353 = arith.constant 0 : i32
    %dma_start3A_354 = tpu.memref_slice %arg8[%dma_start3A_345, %add3A_342, %dma_start3A_353] : memref<3x10240x128xf32, #tpu.memory_space<hbm>> -> memref<1x80x128xf32, #tpu.memory_space<hbm>>
    %dma_start3A_355 = tpu.memref_squeeze %dma_start3A_354 : memref<1x80x128xf32, #tpu.memory_space<hbm>> -> memref<80x128xf32, #tpu.memory_space<hbm>>
    %dma_start3A_356 = arith.constant 0 : i32
    %dma_start3A_357 = arith.constant 0 : i32
    %dma_start3A_358 = tpu.memref_slice %arg11[%dma_start3A_343, %dma_start3A_344, %dma_start3A_356, %dma_start3A_357] : memref<4x3x80x128xf32, #tpu.memory_space<vmem>> -> memref<1x1x80x128xf32, #tpu.memory_space<vmem>>
    %dma_start3A_359 = tpu.memref_squeeze %dma_start3A_358 : memref<1x1x80x128xf32, #tpu.memory_space<vmem>> -> memref<80x128xf32, #tpu.memory_space<vmem>>
    tpu.enqueue_dma source(%dma_start3A_359 : memref<80x128xf32, #tpu.memory_space<vmem>>) target(%dma_start3A_355 : memref<80x128xf32, #tpu.memory_space<hbm>>) target_semaphore(%arg13 : memref<!tpu.dma_semaphore, #tpu.memory_space<semaphore_mem>>)
    %mul3A_360 = arith.constant 320 : i32
    %mul3A_361 = arith.muli %add3A, %mul3A_360 : i32
    %add3A_362 = arith.constant 0 : i32
    %add3A_363 = arith.addi %mul3A_361, %add3A_362 : i32
    %dma_start3A_364 = arith.constant 0 : i32
    %dma_start3A_365 = arith.constant 2 : i32
    %dma_start3A_366 = arith.constant 2 : i32
    %dma_start3A_367 = arith.constant 0 : i32
    %dma_start3A_368 = arith.constant 0 : i32
    %dma_start3A_369 = tpu.memref_slice %arg11[%dma_start3A_364, %dma_start3A_365, %dma_start3A_367, %dma_start3A_368] : memref<4x3x80x128xf32, #tpu.memory_space<vmem>> -> memref<1x1x80x128xf32, #tpu.memory_space<vmem>>
    %dma_start3A_370 = tpu.memref_squeeze %dma_start3A_369 : memref<1x1x80x128xf32, #tpu.memory_space<vmem>> -> memref<80x128xf32, #tpu.memory_space<vmem>>
    %dma_start3A_371 = arith.constant 0 : i32
    %dma_start3A_372 = tpu.memref_slice %arg8[%dma_start3A_366, %add3A_363, %dma_start3A_371] : memref<3x10240x128xf32, #tpu.memory_space<hbm>> -> memref<1x80x128xf32, #tpu.memory_space<hbm>>
    %dma_start3A_373 = tpu.memref_squeeze %dma_start3A_372 : memref<1x80x128xf32, #tpu.memory_space<hbm>> -> memref<80x128xf32, #tpu.memory_space<hbm>>
    %dma_start3A_374 = arith.constant 0 : i32
    %dma_start3A_375 = tpu.memref_slice %arg8[%dma_start3A_366, %add3A_363, %dma_start3A_374] : memref<3x10240x128xf32, #tpu.memory_space<hbm>> -> memref<1x80x128xf32, #tpu.memory_space<hbm>>
    %dma_start3A_376 = tpu.memref_squeeze %dma_start3A_375 : memref<1x80x128xf32, #tpu.memory_space<hbm>> -> memref<80x128xf32, #tpu.memory_space<hbm>>
    %dma_start3A_377 = arith.constant 0 : i32
    %dma_start3A_378 = arith.constant 0 : i32
    %dma_start3A_379 = tpu.memref_slice %arg11[%dma_start3A_364, %dma_start3A_365, %dma_start3A_377, %dma_start3A_378] : memref<4x3x80x128xf32, #tpu.memory_space<vmem>> -> memref<1x1x80x128xf32, #tpu.memory_space<vmem>>
    %dma_start3A_380 = tpu.memref_squeeze %dma_start3A_379 : memref<1x1x80x128xf32, #tpu.memory_space<vmem>> -> memref<80x128xf32, #tpu.memory_space<vmem>>
    tpu.enqueue_dma source(%dma_start3A_380 : memref<80x128xf32, #tpu.memory_space<vmem>>) target(%dma_start3A_376 : memref<80x128xf32, #tpu.memory_space<hbm>>) target_semaphore(%arg13 : memref<!tpu.dma_semaphore, #tpu.memory_space<semaphore_mem>>)
    %dma_wait3A_381 = arith.constant 0 : i32
    %dma_wait3A_382 = arith.constant 1 : i32
    %dma_wait3A_383 = arith.constant 0 : i32
    %dma_wait3A_384 = arith.constant 0 : i32
    %dma_wait3A_385 = arith.constant 0 : i32
    %dma_wait3A_386 = tpu.memref_slice %arg11[%dma_wait3A_382, %dma_wait3A_383, %dma_wait3A_384, %dma_wait3A_385] : memref<4x3x80x128xf32, #tpu.memory_space<vmem>> -> memref<1x1x80x128xf32, #tpu.memory_space<vmem>>
    %dma_wait3A_387 = tpu.memref_squeeze %dma_wait3A_386 : memref<1x1x80x128xf32, #tpu.memory_space<vmem>> -> memref<80x128xf32, #tpu.memory_space<vmem>>
    %dma_wait3A_388 = arith.constant 80 : i32
    %dma_wait3A_389 = tpu.memref_slice %arg10[%dma_wait3A_381, %dma_wait3A_388] : memref<3x320xi32, #tpu.memory_space<vmem>> -> memref<1x80xi32, #tpu.memory_space<vmem>>
    %dma_wait3A_390 = tpu.memref_squeeze %dma_wait3A_389 : memref<1x80xi32, #tpu.memory_space<vmem>> -> memref<80xi32, #tpu.memory_space<vmem>>
    %dma_wait3A_391 = arith.constant 0 : i32
    %dma_wait3A_392 = arith.constant 0 : i32
    %dma_wait3A_393 = tpu.memref_slice %arg4[%dma_wait3A_391, %dma_wait3A_392] : memref<53248x128xf32, #tpu.memory_space<hbm>> -> memref<53248x128xf32, #tpu.memory_space<hbm>>
    tpu.wait_indirect_dma semaphore(%arg12 : memref<!tpu.dma_semaphore, #tpu.memory_space<semaphore_mem>>) src(%dma_wait3A_393 : memref<53248x128xf32, #tpu.memory_space<hbm>>) dst(%dma_wait3A_387 : memref<80x128xf32, #tpu.memory_space<vmem>>)
    %dma_wait3A_394 = arith.constant 1 : i32
    %dma_wait3A_395 = arith.constant 1 : i32
    %dma_wait3A_396 = arith.constant 1 : i32
    %dma_wait3A_397 = arith.constant 0 : i32
    %dma_wait3A_398 = arith.constant 0 : i32
    %dma_wait3A_399 = tpu.memref_slice %arg11[%dma_wait3A_395, %dma_wait3A_396, %dma_wait3A_397, %dma_wait3A_398] : memref<4x3x80x128xf32, #tpu.memory_space<vmem>> -> memref<1x1x80x128xf32, #tpu.memory_space<vmem>>
    %dma_wait3A_400 = tpu.memref_squeeze %dma_wait3A_399 : memref<1x1x80x128xf32, #tpu.memory_space<vmem>> -> memref<80x128xf32, #tpu.memory_space<vmem>>
    %dma_wait3A_401 = arith.constant 80 : i32
    %dma_wait3A_402 = tpu.memref_slice %arg10[%dma_wait3A_394, %dma_wait3A_401] : memref<3x320xi32, #tpu.memory_space<vmem>> -> memref<1x80xi32, #tpu.memory_space<vmem>>
    %dma_wait3A_403 = tpu.memref_squeeze %dma_wait3A_402 : memref<1x80xi32, #tpu.memory_space<vmem>> -> memref<80xi32, #tpu.memory_space<vmem>>
    %dma_wait3A_404 = arith.constant 0 : i32
    %dma_wait3A_405 = arith.constant 0 : i32
    %dma_wait3A_406 = tpu.memref_slice %arg5[%dma_wait3A_404, %dma_wait3A_405] : memref<40960x128xf32, #tpu.memory_space<hbm>> -> memref<40960x128xf32, #tpu.memory_space<hbm>>
    tpu.wait_indirect_dma semaphore(%arg12 : memref<!tpu.dma_semaphore, #tpu.memory_space<semaphore_mem>>) src(%dma_wait3A_406 : memref<40960x128xf32, #tpu.memory_space<hbm>>) dst(%dma_wait3A_400 : memref<80x128xf32, #tpu.memory_space<vmem>>)
    %dma_wait3A_407 = arith.constant 2 : i32
    %dma_wait3A_408 = arith.constant 1 : i32
    %dma_wait3A_409 = arith.constant 2 : i32
    %dma_wait3A_410 = arith.constant 0 : i32
    %dma_wait3A_411 = arith.constant 0 : i32
    %dma_wait3A_412 = tpu.memref_slice %arg11[%dma_wait3A_408, %dma_wait3A_409, %dma_wait3A_410, %dma_wait3A_411] : memref<4x3x80x128xf32, #tpu.memory_space<vmem>> -> memref<1x1x80x128xf32, #tpu.memory_space<vmem>>
    %dma_wait3A_413 = tpu.memref_squeeze %dma_wait3A_412 : memref<1x1x80x128xf32, #tpu.memory_space<vmem>> -> memref<80x128xf32, #tpu.memory_space<vmem>>
    %dma_wait3A_414 = arith.constant 80 : i32
    %dma_wait3A_415 = tpu.memref_slice %arg10[%dma_wait3A_407, %dma_wait3A_414] : memref<3x320xi32, #tpu.memory_space<vmem>> -> memref<1x80xi32, #tpu.memory_space<vmem>>
    %dma_wait3A_416 = tpu.memref_squeeze %dma_wait3A_415 : memref<1x80xi32, #tpu.memory_space<vmem>> -> memref<80xi32, #tpu.memory_space<vmem>>
    %dma_wait3A_417 = arith.constant 0 : i32
    %dma_wait3A_418 = arith.constant 0 : i32
    %dma_wait3A_419 = tpu.memref_slice %arg6[%dma_wait3A_417, %dma_wait3A_418] : memref<28672x128xf32, #tpu.memory_space<hbm>> -> memref<28672x128xf32, #tpu.memory_space<hbm>>
    tpu.wait_indirect_dma semaphore(%arg12 : memref<!tpu.dma_semaphore, #tpu.memory_space<semaphore_mem>>) src(%dma_wait3A_419 : memref<28672x128xf32, #tpu.memory_space<hbm>>) dst(%dma_wait3A_413 : memref<80x128xf32, #tpu.memory_space<vmem>>)
    %mul3A_420 = arith.constant 320 : i32
    %mul3A_421 = arith.muli %add3A, %mul3A_420 : i32
    %add3A_422 = arith.constant 80 : i32
    %add3A_423 = arith.addi %mul3A_421, %add3A_422 : i32
    %dma_start3A_424 = arith.constant 1 : i32
    %dma_start3A_425 = arith.constant 0 : i32
    %dma_start3A_426 = arith.constant 0 : i32
    %dma_start3A_427 = arith.constant 0 : i32
    %dma_start3A_428 = arith.constant 0 : i32
    %dma_start3A_429 = tpu.memref_slice %arg11[%dma_start3A_424, %dma_start3A_425, %dma_start3A_427, %dma_start3A_428] : memref<4x3x80x128xf32, #tpu.memory_space<vmem>> -> memref<1x1x80x128xf32, #tpu.memory_space<vmem>>
    %dma_start3A_430 = tpu.memref_squeeze %dma_start3A_429 : memref<1x1x80x128xf32, #tpu.memory_space<vmem>> -> memref<80x128xf32, #tpu.memory_space<vmem>>
    %dma_start3A_431 = arith.constant 0 : i32
    %dma_start3A_432 = tpu.memref_slice %arg8[%dma_start3A_426, %add3A_423, %dma_start3A_431] : memref<3x10240x128xf32, #tpu.memory_space<hbm>> -> memref<1x80x128xf32, #tpu.memory_space<hbm>>
    %dma_start3A_433 = tpu.memref_squeeze %dma_start3A_432 : memref<1x80x128xf32, #tpu.memory_space<hbm>> -> memref<80x128xf32, #tpu.memory_space<hbm>>
    %dma_start3A_434 = arith.constant 0 : i32
    %dma_start3A_435 = tpu.memref_slice %arg8[%dma_start3A_426, %add3A_423, %dma_start3A_434] : memref<3x10240x128xf32, #tpu.memory_space<hbm>> -> memref<1x80x128xf32, #tpu.memory_space<hbm>>
    %dma_start3A_436 = tpu.memref_squeeze %dma_start3A_435 : memref<1x80x128xf32, #tpu.memory_space<hbm>> -> memref<80x128xf32, #tpu.memory_space<hbm>>
    %dma_start3A_437 = arith.constant 0 : i32
    %dma_start3A_438 = arith.constant 0 : i32
    %dma_start3A_439 = tpu.memref_slice %arg11[%dma_start3A_424, %dma_start3A_425, %dma_start3A_437, %dma_start3A_438] : memref<4x3x80x128xf32, #tpu.memory_space<vmem>> -> memref<1x1x80x128xf32, #tpu.memory_space<vmem>>
    %dma_start3A_440 = tpu.memref_squeeze %dma_start3A_439 : memref<1x1x80x128xf32, #tpu.memory_space<vmem>> -> memref<80x128xf32, #tpu.memory_space<vmem>>
    tpu.enqueue_dma source(%dma_start3A_440 : memref<80x128xf32, #tpu.memory_space<vmem>>) target(%dma_start3A_436 : memref<80x128xf32, #tpu.memory_space<hbm>>) target_semaphore(%arg13 : memref<!tpu.dma_semaphore, #tpu.memory_space<semaphore_mem>>)
    %mul3A_441 = arith.constant 320 : i32
    %mul3A_442 = arith.muli %add3A, %mul3A_441 : i32
    %add3A_443 = arith.constant 80 : i32
    %add3A_444 = arith.addi %mul3A_442, %add3A_443 : i32
    %dma_start3A_445 = arith.constant 1 : i32
    %dma_start3A_446 = arith.constant 1 : i32
    %dma_start3A_447 = arith.constant 1 : i32
    %dma_start3A_448 = arith.constant 0 : i32
    %dma_start3A_449 = arith.constant 0 : i32
    %dma_start3A_450 = tpu.memref_slice %arg11[%dma_start3A_445, %dma_start3A_446, %dma_start3A_448, %dma_start3A_449] : memref<4x3x80x128xf32, #tpu.memory_space<vmem>> -> memref<1x1x80x128xf32, #tpu.memory_space<vmem>>
    %dma_start3A_451 = tpu.memref_squeeze %dma_start3A_450 : memref<1x1x80x128xf32, #tpu.memory_space<vmem>> -> memref<80x128xf32, #tpu.memory_space<vmem>>
    %dma_start3A_452 = arith.constant 0 : i32
    %dma_start3A_453 = tpu.memref_slice %arg8[%dma_start3A_447, %add3A_444, %dma_start3A_452] : memref<3x10240x128xf32, #tpu.memory_space<hbm>> -> memref<1x80x128xf32, #tpu.memory_space<hbm>>
    %dma_start3A_454 = tpu.memref_squeeze %dma_start3A_453 : memref<1x80x128xf32, #tpu.memory_space<hbm>> -> memref<80x128xf32, #tpu.memory_space<hbm>>
    %dma_start3A_455 = arith.constant 0 : i32
    %dma_start3A_456 = tpu.memref_slice %arg8[%dma_start3A_447, %add3A_444, %dma_start3A_455] : memref<3x10240x128xf32, #tpu.memory_space<hbm>> -> memref<1x80x128xf32, #tpu.memory_space<hbm>>
    %dma_start3A_457 = tpu.memref_squeeze %dma_start3A_456 : memref<1x80x128xf32, #tpu.memory_space<hbm>> -> memref<80x128xf32, #tpu.memory_space<hbm>>
    %dma_start3A_458 = arith.constant 0 : i32
    %dma_start3A_459 = arith.constant 0 : i32
    %dma_start3A_460 = tpu.memref_slice %arg11[%dma_start3A_445, %dma_start3A_446, %dma_start3A_458, %dma_start3A_459] : memref<4x3x80x128xf32, #tpu.memory_space<vmem>> -> memref<1x1x80x128xf32, #tpu.memory_space<vmem>>
    %dma_start3A_461 = tpu.memref_squeeze %dma_start3A_460 : memref<1x1x80x128xf32, #tpu.memory_space<vmem>> -> memref<80x128xf32, #tpu.memory_space<vmem>>
    tpu.enqueue_dma source(%dma_start3A_461 : memref<80x128xf32, #tpu.memory_space<vmem>>) target(%dma_start3A_457 : memref<80x128xf32, #tpu.memory_space<hbm>>) target_semaphore(%arg13 : memref<!tpu.dma_semaphore, #tpu.memory_space<semaphore_mem>>)
    %mul3A_462 = arith.constant 320 : i32
    %mul3A_463 = arith.muli %add3A, %mul3A_462 : i32
    %add3A_464 = arith.constant 80 : i32
    %add3A_465 = arith.addi %mul3A_463, %add3A_464 : i32
    %dma_start3A_466 = arith.constant 1 : i32
    %dma_start3A_467 = arith.constant 2 : i32
    %dma_start3A_468 = arith.constant 2 : i32
    %dma_start3A_469 = arith.constant 0 : i32
    %dma_start3A_470 = arith.constant 0 : i32
    %dma_start3A_471 = tpu.memref_slice %arg11[%dma_start3A_466, %dma_start3A_467, %dma_start3A_469, %dma_start3A_470] : memref<4x3x80x128xf32, #tpu.memory_space<vmem>> -> memref<1x1x80x128xf32, #tpu.memory_space<vmem>>
    %dma_start3A_472 = tpu.memref_squeeze %dma_start3A_471 : memref<1x1x80x128xf32, #tpu.memory_space<vmem>> -> memref<80x128xf32, #tpu.memory_space<vmem>>
    %dma_start3A_473 = arith.constant 0 : i32
    %dma_start3A_474 = tpu.memref_slice %arg8[%dma_start3A_468, %add3A_465, %dma_start3A_473] : memref<3x10240x128xf32, #tpu.memory_space<hbm>> -> memref<1x80x128xf32, #tpu.memory_space<hbm>>
    %dma_start3A_475 = tpu.memref_squeeze %dma_start3A_474 : memref<1x80x128xf32, #tpu.memory_space<hbm>> -> memref<80x128xf32, #tpu.memory_space<hbm>>
    %dma_start3A_476 = arith.constant 0 : i32
    %dma_start3A_477 = tpu.memref_slice %arg8[%dma_start3A_468, %add3A_465, %dma_start3A_476] : memref<3x10240x128xf32, #tpu.memory_space<hbm>> -> memref<1x80x128xf32, #tpu.memory_space<hbm>>
    %dma_start3A_478 = tpu.memref_squeeze %dma_start3A_477 : memref<1x80x128xf32, #tpu.memory_space<hbm>> -> memref<80x128xf32, #tpu.memory_space<hbm>>
    %dma_start3A_479 = arith.constant 0 : i32
    %dma_start3A_480 = arith.constant 0 : i32
    %dma_start3A_481 = tpu.memref_slice %arg11[%dma_start3A_466, %dma_start3A_467, %dma_start3A_479, %dma_start3A_480] : memref<4x3x80x128xf32, #tpu.memory_space<vmem>> -> memref<1x1x80x128xf32, #tpu.memory_space<vmem>>
    %dma_start3A_482 = tpu.memref_squeeze %dma_start3A_481 : memref<1x1x80x128xf32, #tpu.memory_space<vmem>> -> memref<80x128xf32, #tpu.memory_space<vmem>>
    tpu.enqueue_dma source(%dma_start3A_482 : memref<80x128xf32, #tpu.memory_space<vmem>>) target(%dma_start3A_478 : memref<80x128xf32, #tpu.memory_space<hbm>>) target_semaphore(%arg13 : memref<!tpu.dma_semaphore, #tpu.memory_space<semaphore_mem>>)
    %dma_wait3A_483 = arith.constant 0 : i32
    %dma_wait3A_484 = arith.constant 2 : i32
    %dma_wait3A_485 = arith.constant 0 : i32
    %dma_wait3A_486 = arith.constant 0 : i32
    %dma_wait3A_487 = arith.constant 0 : i32
    %dma_wait3A_488 = tpu.memref_slice %arg11[%dma_wait3A_484, %dma_wait3A_485, %dma_wait3A_486, %dma_wait3A_487] : memref<4x3x80x128xf32, #tpu.memory_space<vmem>> -> memref<1x1x80x128xf32, #tpu.memory_space<vmem>>
    %dma_wait3A_489 = tpu.memref_squeeze %dma_wait3A_488 : memref<1x1x80x128xf32, #tpu.memory_space<vmem>> -> memref<80x128xf32, #tpu.memory_space<vmem>>
    %dma_wait3A_490 = arith.constant 160 : i32
    %dma_wait3A_491 = tpu.memref_slice %arg10[%dma_wait3A_483, %dma_wait3A_490] : memref<3x320xi32, #tpu.memory_space<vmem>> -> memref<1x80xi32, #tpu.memory_space<vmem>>
    %dma_wait3A_492 = tpu.memref_squeeze %dma_wait3A_491 : memref<1x80xi32, #tpu.memory_space<vmem>> -> memref<80xi32, #tpu.memory_space<vmem>>
    %dma_wait3A_493 = arith.constant 0 : i32
    %dma_wait3A_494 = arith.constant 0 : i32
    %dma_wait3A_495 = tpu.memref_slice %arg4[%dma_wait3A_493, %dma_wait3A_494] : memref<53248x128xf32, #tpu.memory_space<hbm>> -> memref<53248x128xf32, #tpu.memory_space<hbm>>
    tpu.wait_indirect_dma semaphore(%arg12 : memref<!tpu.dma_semaphore, #tpu.memory_space<semaphore_mem>>) src(%dma_wait3A_495 : memref<53248x128xf32, #tpu.memory_space<hbm>>) dst(%dma_wait3A_489 : memref<80x128xf32, #tpu.memory_space<vmem>>)
    %dma_wait3A_496 = arith.constant 1 : i32
    %dma_wait3A_497 = arith.constant 2 : i32
    %dma_wait3A_498 = arith.constant 1 : i32
    %dma_wait3A_499 = arith.constant 0 : i32
    %dma_wait3A_500 = arith.constant 0 : i32
    %dma_wait3A_501 = tpu.memref_slice %arg11[%dma_wait3A_497, %dma_wait3A_498, %dma_wait3A_499, %dma_wait3A_500] : memref<4x3x80x128xf32, #tpu.memory_space<vmem>> -> memref<1x1x80x128xf32, #tpu.memory_space<vmem>>
    %dma_wait3A_502 = tpu.memref_squeeze %dma_wait3A_501 : memref<1x1x80x128xf32, #tpu.memory_space<vmem>> -> memref<80x128xf32, #tpu.memory_space<vmem>>
    %dma_wait3A_503 = arith.constant 160 : i32
    %dma_wait3A_504 = tpu.memref_slice %arg10[%dma_wait3A_496, %dma_wait3A_503] : memref<3x320xi32, #tpu.memory_space<vmem>> -> memref<1x80xi32, #tpu.memory_space<vmem>>
    %dma_wait3A_505 = tpu.memref_squeeze %dma_wait3A_504 : memref<1x80xi32, #tpu.memory_space<vmem>> -> memref<80xi32, #tpu.memory_space<vmem>>
    %dma_wait3A_506 = arith.constant 0 : i32
    %dma_wait3A_507 = arith.constant 0 : i32
    %dma_wait3A_508 = tpu.memref_slice %arg5[%dma_wait3A_506, %dma_wait3A_507] : memref<40960x128xf32, #tpu.memory_space<hbm>> -> memref<40960x128xf32, #tpu.memory_space<hbm>>
    tpu.wait_indirect_dma semaphore(%arg12 : memref<!tpu.dma_semaphore, #tpu.memory_space<semaphore_mem>>) src(%dma_wait3A_508 : memref<40960x128xf32, #tpu.memory_space<hbm>>) dst(%dma_wait3A_502 : memref<80x128xf32, #tpu.memory_space<vmem>>)
    %dma_wait3A_509 = arith.constant 2 : i32
    %dma_wait3A_510 = arith.constant 2 : i32
    %dma_wait3A_511 = arith.constant 2 : i32
    %dma_wait3A_512 = arith.constant 0 : i32
    %dma_wait3A_513 = arith.constant 0 : i32
    %dma_wait3A_514 = tpu.memref_slice %arg11[%dma_wait3A_510, %dma_wait3A_511, %dma_wait3A_512, %dma_wait3A_513] : memref<4x3x80x128xf32, #tpu.memory_space<vmem>> -> memref<1x1x80x128xf32, #tpu.memory_space<vmem>>
    %dma_wait3A_515 = tpu.memref_squeeze %dma_wait3A_514 : memref<1x1x80x128xf32, #tpu.memory_space<vmem>> -> memref<80x128xf32, #tpu.memory_space<vmem>>
    %dma_wait3A_516 = arith.constant 160 : i32
    %dma_wait3A_517 = tpu.memref_slice %arg10[%dma_wait3A_509, %dma_wait3A_516] : memref<3x320xi32, #tpu.memory_space<vmem>> -> memref<1x80xi32, #tpu.memory_space<vmem>>
    %dma_wait3A_518 = tpu.memref_squeeze %dma_wait3A_517 : memref<1x80xi32, #tpu.memory_space<vmem>> -> memref<80xi32, #tpu.memory_space<vmem>>
    %dma_wait3A_519 = arith.constant 0 : i32
    %dma_wait3A_520 = arith.constant 0 : i32
    %dma_wait3A_521 = tpu.memref_slice %arg6[%dma_wait3A_519, %dma_wait3A_520] : memref<28672x128xf32, #tpu.memory_space<hbm>> -> memref<28672x128xf32, #tpu.memory_space<hbm>>
    tpu.wait_indirect_dma semaphore(%arg12 : memref<!tpu.dma_semaphore, #tpu.memory_space<semaphore_mem>>) src(%dma_wait3A_521 : memref<28672x128xf32, #tpu.memory_space<hbm>>) dst(%dma_wait3A_515 : memref<80x128xf32, #tpu.memory_space<vmem>>)
    %mul3A_522 = arith.constant 320 : i32
    %mul3A_523 = arith.muli %add3A, %mul3A_522 : i32
    %add3A_524 = arith.constant 160 : i32
    %add3A_525 = arith.addi %mul3A_523, %add3A_524 : i32
    %dma_start3A_526 = arith.constant 2 : i32
    %dma_start3A_527 = arith.constant 0 : i32
    %dma_start3A_528 = arith.constant 0 : i32
    %dma_start3A_529 = arith.constant 0 : i32
    %dma_start3A_530 = arith.constant 0 : i32
    %dma_start3A_531 = tpu.memref_slice %arg11[%dma_start3A_526, %dma_start3A_527, %dma_start3A_529, %dma_start3A_530] : memref<4x3x80x128xf32, #tpu.memory_space<vmem>> -> memref<1x1x80x128xf32, #tpu.memory_space<vmem>>
    %dma_start3A_532 = tpu.memref_squeeze %dma_start3A_531 : memref<1x1x80x128xf32, #tpu.memory_space<vmem>> -> memref<80x128xf32, #tpu.memory_space<vmem>>
    %dma_start3A_533 = arith.constant 0 : i32
    %dma_start3A_534 = tpu.memref_slice %arg8[%dma_start3A_528, %add3A_525, %dma_start3A_533] : memref<3x10240x128xf32, #tpu.memory_space<hbm>> -> memref<1x80x128xf32, #tpu.memory_space<hbm>>
    %dma_start3A_535 = tpu.memref_squeeze %dma_start3A_534 : memref<1x80x128xf32, #tpu.memory_space<hbm>> -> memref<80x128xf32, #tpu.memory_space<hbm>>
    %dma_start3A_536 = arith.constant 0 : i32
    %dma_start3A_537 = tpu.memref_slice %arg8[%dma_start3A_528, %add3A_525, %dma_start3A_536] : memref<3x10240x128xf32, #tpu.memory_space<hbm>> -> memref<1x80x128xf32, #tpu.memory_space<hbm>>
    %dma_start3A_538 = tpu.memref_squeeze %dma_start3A_537 : memref<1x80x128xf32, #tpu.memory_space<hbm>> -> memref<80x128xf32, #tpu.memory_space<hbm>>
    %dma_start3A_539 = arith.constant 0 : i32
    %dma_start3A_540 = arith.constant 0 : i32
    %dma_start3A_541 = tpu.memref_slice %arg11[%dma_start3A_526, %dma_start3A_527, %dma_start3A_539, %dma_start3A_540] : memref<4x3x80x128xf32, #tpu.memory_space<vmem>> -> memref<1x1x80x128xf32, #tpu.memory_space<vmem>>
    %dma_start3A_542 = tpu.memref_squeeze %dma_start3A_541 : memref<1x1x80x128xf32, #tpu.memory_space<vmem>> -> memref<80x128xf32, #tpu.memory_space<vmem>>
    tpu.enqueue_dma source(%dma_start3A_542 : memref<80x128xf32, #tpu.memory_space<vmem>>) target(%dma_start3A_538 : memref<80x128xf32, #tpu.memory_space<hbm>>) target_semaphore(%arg13 : memref<!tpu.dma_semaphore, #tpu.memory_space<semaphore_mem>>)
    %mul3A_543 = arith.constant 320 : i32
    %mul3A_544 = arith.muli %add3A, %mul3A_543 : i32
    %add3A_545 = arith.constant 160 : i32
    %add3A_546 = arith.addi %mul3A_544, %add3A_545 : i32
    %dma_start3A_547 = arith.constant 2 : i32
    %dma_start3A_548 = arith.constant 1 : i32
    %dma_start3A_549 = arith.constant 1 : i32
    %dma_start3A_550 = arith.constant 0 : i32
    %dma_start3A_551 = arith.constant 0 : i32
    %dma_start3A_552 = tpu.memref_slice %arg11[%dma_start3A_547, %dma_start3A_548, %dma_start3A_550, %dma_start3A_551] : memref<4x3x80x128xf32, #tpu.memory_space<vmem>> -> memref<1x1x80x128xf32, #tpu.memory_space<vmem>>
    %dma_start3A_553 = tpu.memref_squeeze %dma_start3A_552 : memref<1x1x80x128xf32, #tpu.memory_space<vmem>> -> memref<80x128xf32, #tpu.memory_space<vmem>>
    %dma_start3A_554 = arith.constant 0 : i32
    %dma_start3A_555 = tpu.memref_slice %arg8[%dma_start3A_549, %add3A_546, %dma_start3A_554] : memref<3x10240x128xf32, #tpu.memory_space<hbm>> -> memref<1x80x128xf32, #tpu.memory_space<hbm>>
    %dma_start3A_556 = tpu.memref_squeeze %dma_start3A_555 : memref<1x80x128xf32, #tpu.memory_space<hbm>> -> memref<80x128xf32, #tpu.memory_space<hbm>>
    %dma_start3A_557 = arith.constant 0 : i32
    %dma_start3A_558 = tpu.memref_slice %arg8[%dma_start3A_549, %add3A_546, %dma_start3A_557] : memref<3x10240x128xf32, #tpu.memory_space<hbm>> -> memref<1x80x128xf32, #tpu.memory_space<hbm>>
    %dma_start3A_559 = tpu.memref_squeeze %dma_start3A_558 : memref<1x80x128xf32, #tpu.memory_space<hbm>> -> memref<80x128xf32, #tpu.memory_space<hbm>>
    %dma_start3A_560 = arith.constant 0 : i32
    %dma_start3A_561 = arith.constant 0 : i32
    %dma_start3A_562 = tpu.memref_slice %arg11[%dma_start3A_547, %dma_start3A_548, %dma_start3A_560, %dma_start3A_561] : memref<4x3x80x128xf32, #tpu.memory_space<vmem>> -> memref<1x1x80x128xf32, #tpu.memory_space<vmem>>
    %dma_start3A_563 = tpu.memref_squeeze %dma_start3A_562 : memref<1x1x80x128xf32, #tpu.memory_space<vmem>> -> memref<80x128xf32, #tpu.memory_space<vmem>>
    tpu.enqueue_dma source(%dma_start3A_563 : memref<80x128xf32, #tpu.memory_space<vmem>>) target(%dma_start3A_559 : memref<80x128xf32, #tpu.memory_space<hbm>>) target_semaphore(%arg13 : memref<!tpu.dma_semaphore, #tpu.memory_space<semaphore_mem>>)
    %mul3A_564 = arith.constant 320 : i32
    %mul3A_565 = arith.muli %add3A, %mul3A_564 : i32
    %add3A_566 = arith.constant 160 : i32
    %add3A_567 = arith.addi %mul3A_565, %add3A_566 : i32
    %dma_start3A_568 = arith.constant 2 : i32
    %dma_start3A_569 = arith.constant 2 : i32
    %dma_start3A_570 = arith.constant 2 : i32
    %dma_start3A_571 = arith.constant 0 : i32
    %dma_start3A_572 = arith.constant 0 : i32
    %dma_start3A_573 = tpu.memref_slice %arg11[%dma_start3A_568, %dma_start3A_569, %dma_start3A_571, %dma_start3A_572] : memref<4x3x80x128xf32, #tpu.memory_space<vmem>> -> memref<1x1x80x128xf32, #tpu.memory_space<vmem>>
    %dma_start3A_574 = tpu.memref_squeeze %dma_start3A_573 : memref<1x1x80x128xf32, #tpu.memory_space<vmem>> -> memref<80x128xf32, #tpu.memory_space<vmem>>
    %dma_start3A_575 = arith.constant 0 : i32
    %dma_start3A_576 = tpu.memref_slice %arg8[%dma_start3A_570, %add3A_567, %dma_start3A_575] : memref<3x10240x128xf32, #tpu.memory_space<hbm>> -> memref<1x80x128xf32, #tpu.memory_space<hbm>>
    %dma_start3A_577 = tpu.memref_squeeze %dma_start3A_576 : memref<1x80x128xf32, #tpu.memory_space<hbm>> -> memref<80x128xf32, #tpu.memory_space<hbm>>
    %dma_start3A_578 = arith.constant 0 : i32
    %dma_start3A_579 = tpu.memref_slice %arg8[%dma_start3A_570, %add3A_567, %dma_start3A_578] : memref<3x10240x128xf32, #tpu.memory_space<hbm>> -> memref<1x80x128xf32, #tpu.memory_space<hbm>>
    %dma_start3A_580 = tpu.memref_squeeze %dma_start3A_579 : memref<1x80x128xf32, #tpu.memory_space<hbm>> -> memref<80x128xf32, #tpu.memory_space<hbm>>
    %dma_start3A_581 = arith.constant 0 : i32
    %dma_start3A_582 = arith.constant 0 : i32
    %dma_start3A_583 = tpu.memref_slice %arg11[%dma_start3A_568, %dma_start3A_569, %dma_start3A_581, %dma_start3A_582] : memref<4x3x80x128xf32, #tpu.memory_space<vmem>> -> memref<1x1x80x128xf32, #tpu.memory_space<vmem>>
    %dma_start3A_584 = tpu.memref_squeeze %dma_start3A_583 : memref<1x1x80x128xf32, #tpu.memory_space<vmem>> -> memref<80x128xf32, #tpu.memory_space<vmem>>
    tpu.enqueue_dma source(%dma_start3A_584 : memref<80x128xf32, #tpu.memory_space<vmem>>) target(%dma_start3A_580 : memref<80x128xf32, #tpu.memory_space<hbm>>) target_semaphore(%arg13 : memref<!tpu.dma_semaphore, #tpu.memory_space<semaphore_mem>>)
    %dma_wait3A_585 = arith.constant 0 : i32
    %dma_wait3A_586 = arith.constant 3 : i32
    %dma_wait3A_587 = arith.constant 0 : i32
    %dma_wait3A_588 = arith.constant 0 : i32
    %dma_wait3A_589 = arith.constant 0 : i32
    %dma_wait3A_590 = tpu.memref_slice %arg11[%dma_wait3A_586, %dma_wait3A_587, %dma_wait3A_588, %dma_wait3A_589] : memref<4x3x80x128xf32, #tpu.memory_space<vmem>> -> memref<1x1x80x128xf32, #tpu.memory_space<vmem>>
    %dma_wait3A_591 = tpu.memref_squeeze %dma_wait3A_590 : memref<1x1x80x128xf32, #tpu.memory_space<vmem>> -> memref<80x128xf32, #tpu.memory_space<vmem>>
    %dma_wait3A_592 = arith.constant 240 : i32
    %dma_wait3A_593 = tpu.memref_slice %arg10[%dma_wait3A_585, %dma_wait3A_592] : memref<3x320xi32, #tpu.memory_space<vmem>> -> memref<1x80xi32, #tpu.memory_space<vmem>>
    %dma_wait3A_594 = tpu.memref_squeeze %dma_wait3A_593 : memref<1x80xi32, #tpu.memory_space<vmem>> -> memref<80xi32, #tpu.memory_space<vmem>>
    %dma_wait3A_595 = arith.constant 0 : i32
    %dma_wait3A_596 = arith.constant 0 : i32
    %dma_wait3A_597 = tpu.memref_slice %arg4[%dma_wait3A_595, %dma_wait3A_596] : memref<53248x128xf32, #tpu.memory_space<hbm>> -> memref<53248x128xf32, #tpu.memory_space<hbm>>
    tpu.wait_indirect_dma semaphore(%arg12 : memref<!tpu.dma_semaphore, #tpu.memory_space<semaphore_mem>>) src(%dma_wait3A_597 : memref<53248x128xf32, #tpu.memory_space<hbm>>) dst(%dma_wait3A_591 : memref<80x128xf32, #tpu.memory_space<vmem>>)
    %dma_wait3A_598 = arith.constant 1 : i32
    %dma_wait3A_599 = arith.constant 3 : i32
    %dma_wait3A_600 = arith.constant 1 : i32
    %dma_wait3A_601 = arith.constant 0 : i32
    %dma_wait3A_602 = arith.constant 0 : i32
    %dma_wait3A_603 = tpu.memref_slice %arg11[%dma_wait3A_599, %dma_wait3A_600, %dma_wait3A_601, %dma_wait3A_602] : memref<4x3x80x128xf32, #tpu.memory_space<vmem>> -> memref<1x1x80x128xf32, #tpu.memory_space<vmem>>
    %dma_wait3A_604 = tpu.memref_squeeze %dma_wait3A_603 : memref<1x1x80x128xf32, #tpu.memory_space<vmem>> -> memref<80x128xf32, #tpu.memory_space<vmem>>
    %dma_wait3A_605 = arith.constant 240 : i32
    %dma_wait3A_606 = tpu.memref_slice %arg10[%dma_wait3A_598, %dma_wait3A_605] : memref<3x320xi32, #tpu.memory_space<vmem>> -> memref<1x80xi32, #tpu.memory_space<vmem>>
    %dma_wait3A_607 = tpu.memref_squeeze %dma_wait3A_606 : memref<1x80xi32, #tpu.memory_space<vmem>> -> memref<80xi32, #tpu.memory_space<vmem>>
    %dma_wait3A_608 = arith.constant 0 : i32
    %dma_wait3A_609 = arith.constant 0 : i32
    %dma_wait3A_610 = tpu.memref_slice %arg5[%dma_wait3A_608, %dma_wait3A_609] : memref<40960x128xf32, #tpu.memory_space<hbm>> -> memref<40960x128xf32, #tpu.memory_space<hbm>>
    tpu.wait_indirect_dma semaphore(%arg12 : memref<!tpu.dma_semaphore, #tpu.memory_space<semaphore_mem>>) src(%dma_wait3A_610 : memref<40960x128xf32, #tpu.memory_space<hbm>>) dst(%dma_wait3A_604 : memref<80x128xf32, #tpu.memory_space<vmem>>)
    %dma_wait3A_611 = arith.constant 2 : i32
    %dma_wait3A_612 = arith.constant 3 : i32
    %dma_wait3A_613 = arith.constant 2 : i32
    %dma_wait3A_614 = arith.constant 0 : i32
    %dma_wait3A_615 = arith.constant 0 : i32
    %dma_wait3A_616 = tpu.memref_slice %arg11[%dma_wait3A_612, %dma_wait3A_613, %dma_wait3A_614, %dma_wait3A_615] : memref<4x3x80x128xf32, #tpu.memory_space<vmem>> -> memref<1x1x80x128xf32, #tpu.memory_space<vmem>>
    %dma_wait3A_617 = tpu.memref_squeeze %dma_wait3A_616 : memref<1x1x80x128xf32, #tpu.memory_space<vmem>> -> memref<80x128xf32, #tpu.memory_space<vmem>>
    %dma_wait3A_618 = arith.constant 240 : i32
    %dma_wait3A_619 = tpu.memref_slice %arg10[%dma_wait3A_611, %dma_wait3A_618] : memref<3x320xi32, #tpu.memory_space<vmem>> -> memref<1x80xi32, #tpu.memory_space<vmem>>
    %dma_wait3A_620 = tpu.memref_squeeze %dma_wait3A_619 : memref<1x80xi32, #tpu.memory_space<vmem>> -> memref<80xi32, #tpu.memory_space<vmem>>
    %dma_wait3A_621 = arith.constant 0 : i32
    %dma_wait3A_622 = arith.constant 0 : i32
    %dma_wait3A_623 = tpu.memref_slice %arg6[%dma_wait3A_621, %dma_wait3A_622] : memref<28672x128xf32, #tpu.memory_space<hbm>> -> memref<28672x128xf32, #tpu.memory_space<hbm>>
    tpu.wait_indirect_dma semaphore(%arg12 : memref<!tpu.dma_semaphore, #tpu.memory_space<semaphore_mem>>) src(%dma_wait3A_623 : memref<28672x128xf32, #tpu.memory_space<hbm>>) dst(%dma_wait3A_617 : memref<80x128xf32, #tpu.memory_space<vmem>>)
    %mul3A_624 = arith.constant 320 : i32
    %mul3A_625 = arith.muli %add3A, %mul3A_624 : i32
    %add3A_626 = arith.constant 240 : i32
    %add3A_627 = arith.addi %mul3A_625, %add3A_626 : i32
    %dma_start3A_628 = arith.constant 3 : i32
    %dma_start3A_629 = arith.constant 0 : i32
    %dma_start3A_630 = arith.constant 0 : i32
    %dma_start3A_631 = arith.constant 0 : i32
    %dma_start3A_632 = arith.constant 0 : i32
    %dma_start3A_633 = tpu.memref_slice %arg11[%dma_start3A_628, %dma_start3A_629, %dma_start3A_631, %dma_start3A_632] : memref<4x3x80x128xf32, #tpu.memory_space<vmem>> -> memref<1x1x80x128xf32, #tpu.memory_space<vmem>>
    %dma_start3A_634 = tpu.memref_squeeze %dma_start3A_633 : memref<1x1x80x128xf32, #tpu.memory_space<vmem>> -> memref<80x128xf32, #tpu.memory_space<vmem>>
    %dma_start3A_635 = arith.constant 0 : i32
    %dma_start3A_636 = tpu.memref_slice %arg8[%dma_start3A_630, %add3A_627, %dma_start3A_635] : memref<3x10240x128xf32, #tpu.memory_space<hbm>> -> memref<1x80x128xf32, #tpu.memory_space<hbm>>
    %dma_start3A_637 = tpu.memref_squeeze %dma_start3A_636 : memref<1x80x128xf32, #tpu.memory_space<hbm>> -> memref<80x128xf32, #tpu.memory_space<hbm>>
    %dma_start3A_638 = arith.constant 0 : i32
    %dma_start3A_639 = tpu.memref_slice %arg8[%dma_start3A_630, %add3A_627, %dma_start3A_638] : memref<3x10240x128xf32, #tpu.memory_space<hbm>> -> memref<1x80x128xf32, #tpu.memory_space<hbm>>
    %dma_start3A_640 = tpu.memref_squeeze %dma_start3A_639 : memref<1x80x128xf32, #tpu.memory_space<hbm>> -> memref<80x128xf32, #tpu.memory_space<hbm>>
    %dma_start3A_641 = arith.constant 0 : i32
    %dma_start3A_642 = arith.constant 0 : i32
    %dma_start3A_643 = tpu.memref_slice %arg11[%dma_start3A_628, %dma_start3A_629, %dma_start3A_641, %dma_start3A_642] : memref<4x3x80x128xf32, #tpu.memory_space<vmem>> -> memref<1x1x80x128xf32, #tpu.memory_space<vmem>>
    %dma_start3A_644 = tpu.memref_squeeze %dma_start3A_643 : memref<1x1x80x128xf32, #tpu.memory_space<vmem>> -> memref<80x128xf32, #tpu.memory_space<vmem>>
    tpu.enqueue_dma source(%dma_start3A_644 : memref<80x128xf32, #tpu.memory_space<vmem>>) target(%dma_start3A_640 : memref<80x128xf32, #tpu.memory_space<hbm>>) target_semaphore(%arg13 : memref<!tpu.dma_semaphore, #tpu.memory_space<semaphore_mem>>)
    %mul3A_645 = arith.constant 320 : i32
    %mul3A_646 = arith.muli %add3A, %mul3A_645 : i32
    %add3A_647 = arith.constant 240 : i32
    %add3A_648 = arith.addi %mul3A_646, %add3A_647 : i32
    %dma_start3A_649 = arith.constant 3 : i32
    %dma_start3A_650 = arith.constant 1 : i32
    %dma_start3A_651 = arith.constant 1 : i32
    %dma_start3A_652 = arith.constant 0 : i32
    %dma_start3A_653 = arith.constant 0 : i32
    %dma_start3A_654 = tpu.memref_slice %arg11[%dma_start3A_649, %dma_start3A_650, %dma_start3A_652, %dma_start3A_653] : memref<4x3x80x128xf32, #tpu.memory_space<vmem>> -> memref<1x1x80x128xf32, #tpu.memory_space<vmem>>
    %dma_start3A_655 = tpu.memref_squeeze %dma_start3A_654 : memref<1x1x80x128xf32, #tpu.memory_space<vmem>> -> memref<80x128xf32, #tpu.memory_space<vmem>>
    %dma_start3A_656 = arith.constant 0 : i32
    %dma_start3A_657 = tpu.memref_slice %arg8[%dma_start3A_651, %add3A_648, %dma_start3A_656] : memref<3x10240x128xf32, #tpu.memory_space<hbm>> -> memref<1x80x128xf32, #tpu.memory_space<hbm>>
    %dma_start3A_658 = tpu.memref_squeeze %dma_start3A_657 : memref<1x80x128xf32, #tpu.memory_space<hbm>> -> memref<80x128xf32, #tpu.memory_space<hbm>>
    %dma_start3A_659 = arith.constant 0 : i32
    %dma_start3A_660 = tpu.memref_slice %arg8[%dma_start3A_651, %add3A_648, %dma_start3A_659] : memref<3x10240x128xf32, #tpu.memory_space<hbm>> -> memref<1x80x128xf32, #tpu.memory_space<hbm>>
    %dma_start3A_661 = tpu.memref_squeeze %dma_start3A_660 : memref<1x80x128xf32, #tpu.memory_space<hbm>> -> memref<80x128xf32, #tpu.memory_space<hbm>>
    %dma_start3A_662 = arith.constant 0 : i32
    %dma_start3A_663 = arith.constant 0 : i32
    %dma_start3A_664 = tpu.memref_slice %arg11[%dma_start3A_649, %dma_start3A_650, %dma_start3A_662, %dma_start3A_663] : memref<4x3x80x128xf32, #tpu.memory_space<vmem>> -> memref<1x1x80x128xf32, #tpu.memory_space<vmem>>
    %dma_start3A_665 = tpu.memref_squeeze %dma_start3A_664 : memref<1x1x80x128xf32, #tpu.memory_space<vmem>> -> memref<80x128xf32, #tpu.memory_space<vmem>>
    tpu.enqueue_dma source(%dma_start3A_665 : memref<80x128xf32, #tpu.memory_space<vmem>>) target(%dma_start3A_661 : memref<80x128xf32, #tpu.memory_space<hbm>>) target_semaphore(%arg13 : memref<!tpu.dma_semaphore, #tpu.memory_space<semaphore_mem>>)
    %mul3A_666 = arith.constant 320 : i32
    %mul3A_667 = arith.muli %add3A, %mul3A_666 : i32
    %add3A_668 = arith.constant 240 : i32
    %add3A_669 = arith.addi %mul3A_667, %add3A_668 : i32
    %dma_start3A_670 = arith.constant 3 : i32
    %dma_start3A_671 = arith.constant 2 : i32
    %dma_start3A_672 = arith.constant 2 : i32
    %dma_start3A_673 = arith.constant 0 : i32
    %dma_start3A_674 = arith.constant 0 : i32
    %dma_start3A_675 = tpu.memref_slice %arg11[%dma_start3A_670, %dma_start3A_671, %dma_start3A_673, %dma_start3A_674] : memref<4x3x80x128xf32, #tpu.memory_space<vmem>> -> memref<1x1x80x128xf32, #tpu.memory_space<vmem>>
    %dma_start3A_676 = tpu.memref_squeeze %dma_start3A_675 : memref<1x1x80x128xf32, #tpu.memory_space<vmem>> -> memref<80x128xf32, #tpu.memory_space<vmem>>
    %dma_start3A_677 = arith.constant 0 : i32
    %dma_start3A_678 = tpu.memref_slice %arg8[%dma_start3A_672, %add3A_669, %dma_start3A_677] : memref<3x10240x128xf32, #tpu.memory_space<hbm>> -> memref<1x80x128xf32, #tpu.memory_space<hbm>>
    %dma_start3A_679 = tpu.memref_squeeze %dma_start3A_678 : memref<1x80x128xf32, #tpu.memory_space<hbm>> -> memref<80x128xf32, #tpu.memory_space<hbm>>
    %dma_start3A_680 = arith.constant 0 : i32
    %dma_start3A_681 = tpu.memref_slice %arg8[%dma_start3A_672, %add3A_669, %dma_start3A_680] : memref<3x10240x128xf32, #tpu.memory_space<hbm>> -> memref<1x80x128xf32, #tpu.memory_space<hbm>>
    %dma_start3A_682 = tpu.memref_squeeze %dma_start3A_681 : memref<1x80x128xf32, #tpu.memory_space<hbm>> -> memref<80x128xf32, #tpu.memory_space<hbm>>
    %dma_start3A_683 = arith.constant 0 : i32
    %dma_start3A_684 = arith.constant 0 : i32
    %dma_start3A_685 = tpu.memref_slice %arg11[%dma_start3A_670, %dma_start3A_671, %dma_start3A_683, %dma_start3A_684] : memref<4x3x80x128xf32, #tpu.memory_space<vmem>> -> memref<1x1x80x128xf32, #tpu.memory_space<vmem>>
    %dma_start3A_686 = tpu.memref_squeeze %dma_start3A_685 : memref<1x1x80x128xf32, #tpu.memory_space<vmem>> -> memref<80x128xf32, #tpu.memory_space<vmem>>
    tpu.enqueue_dma source(%dma_start3A_686 : memref<80x128xf32, #tpu.memory_space<vmem>>) target(%dma_start3A_682 : memref<80x128xf32, #tpu.memory_space<hbm>>) target_semaphore(%arg13 : memref<!tpu.dma_semaphore, #tpu.memory_space<semaphore_mem>>)
    %dma_wait3A_687 = arith.constant 0 : i32
    %dma_wait3A_688 = arith.constant 0 : i32
    %dma_wait3A_689 = arith.constant 0 : i32
    %dma_wait3A_690 = arith.constant 0 : i32
    %dma_wait3A_691 = arith.constant 0 : i32
    %dma_wait3A_692 = tpu.memref_slice %arg11[%dma_wait3A_687, %dma_wait3A_688, %dma_wait3A_690, %dma_wait3A_691] : memref<4x3x80x128xf32, #tpu.memory_space<vmem>> -> memref<1x1x80x128xf32, #tpu.memory_space<vmem>>
    %dma_wait3A_693 = tpu.memref_squeeze %dma_wait3A_692 : memref<1x1x80x128xf32, #tpu.memory_space<vmem>> -> memref<80x128xf32, #tpu.memory_space<vmem>>
    %dma_wait3A_694 = arith.constant 0 : i32
    %dma_wait3A_695 = tpu.memref_slice %arg8[%dma_wait3A_689, %add3A_321, %dma_wait3A_694] : memref<3x10240x128xf32, #tpu.memory_space<hbm>> -> memref<1x80x128xf32, #tpu.memory_space<hbm>>
    %dma_wait3A_696 = tpu.memref_squeeze %dma_wait3A_695 : memref<1x80x128xf32, #tpu.memory_space<hbm>> -> memref<80x128xf32, #tpu.memory_space<hbm>>
    %dma_wait3A_697 = arith.constant 0 : i32
    %dma_wait3A_698 = tpu.memref_slice %arg8[%dma_wait3A_689, %add3A_321, %dma_wait3A_697] : memref<3x10240x128xf32, #tpu.memory_space<hbm>> -> memref<1x80x128xf32, #tpu.memory_space<hbm>>
    %dma_wait3A_699 = tpu.memref_squeeze %dma_wait3A_698 : memref<1x80x128xf32, #tpu.memory_space<hbm>> -> memref<80x128xf32, #tpu.memory_space<hbm>>
    %dma_wait3A_700 = arith.constant 0 : i32
    %dma_wait3A_701 = arith.constant 0 : i32
    %dma_wait3A_702 = tpu.memref_slice %arg11[%dma_wait3A_687, %dma_wait3A_688, %dma_wait3A_700, %dma_wait3A_701] : memref<4x3x80x128xf32, #tpu.memory_space<vmem>> -> memref<1x1x80x128xf32, #tpu.memory_space<vmem>>
    %dma_wait3A_703 = tpu.memref_squeeze %dma_wait3A_702 : memref<1x1x80x128xf32, #tpu.memory_space<vmem>> -> memref<80x128xf32, #tpu.memory_space<vmem>>
    tpu.wait_dma2 semaphore(%arg13 : memref<!tpu.dma_semaphore, #tpu.memory_space<semaphore_mem>>) src(%dma_wait3A_703 : memref<80x128xf32, #tpu.memory_space<vmem>>) dst(%dma_wait3A_699 : memref<80x128xf32, #tpu.memory_space<hbm>>)
    %dma_wait3A_704 = arith.constant 0 : i32
    %dma_wait3A_705 = arith.constant 1 : i32
    %dma_wait3A_706 = arith.constant 1 : i32
    %dma_wait3A_707 = arith.constant 0 : i32
    %dma_wait3A_708 = arith.constant 0 : i32
    %dma_wait3A_709 = tpu.memref_slice %arg11[%dma_wait3A_704, %dma_wait3A_705, %dma_wait3A_707, %dma_wait3A_708] : memref<4x3x80x128xf32, #tpu.memory_space<vmem>> -> memref<1x1x80x128xf32, #tpu.memory_space<vmem>>
    %dma_wait3A_710 = tpu.memref_squeeze %dma_wait3A_709 : memref<1x1x80x128xf32, #tpu.memory_space<vmem>> -> memref<80x128xf32, #tpu.memory_space<vmem>>
    %dma_wait3A_711 = arith.constant 0 : i32
    %dma_wait3A_712 = tpu.memref_slice %arg8[%dma_wait3A_706, %add3A_342, %dma_wait3A_711] : memref<3x10240x128xf32, #tpu.memory_space<hbm>> -> memref<1x80x128xf32, #tpu.memory_space<hbm>>
    %dma_wait3A_713 = tpu.memref_squeeze %dma_wait3A_712 : memref<1x80x128xf32, #tpu.memory_space<hbm>> -> memref<80x128xf32, #tpu.memory_space<hbm>>
    %dma_wait3A_714 = arith.constant 0 : i32
    %dma_wait3A_715 = tpu.memref_slice %arg8[%dma_wait3A_706, %add3A_342, %dma_wait3A_714] : memref<3x10240x128xf32, #tpu.memory_space<hbm>> -> memref<1x80x128xf32, #tpu.memory_space<hbm>>
    %dma_wait3A_716 = tpu.memref_squeeze %dma_wait3A_715 : memref<1x80x128xf32, #tpu.memory_space<hbm>> -> memref<80x128xf32, #tpu.memory_space<hbm>>
    %dma_wait3A_717 = arith.constant 0 : i32
    %dma_wait3A_718 = arith.constant 0 : i32
    %dma_wait3A_719 = tpu.memref_slice %arg11[%dma_wait3A_704, %dma_wait3A_705, %dma_wait3A_717, %dma_wait3A_718] : memref<4x3x80x128xf32, #tpu.memory_space<vmem>> -> memref<1x1x80x128xf32, #tpu.memory_space<vmem>>
    %dma_wait3A_720 = tpu.memref_squeeze %dma_wait3A_719 : memref<1x1x80x128xf32, #tpu.memory_space<vmem>> -> memref<80x128xf32, #tpu.memory_space<vmem>>
    tpu.wait_dma2 semaphore(%arg13 : memref<!tpu.dma_semaphore, #tpu.memory_space<semaphore_mem>>) src(%dma_wait3A_720 : memref<80x128xf32, #tpu.memory_space<vmem>>) dst(%dma_wait3A_716 : memref<80x128xf32, #tpu.memory_space<hbm>>)
    %dma_wait3A_721 = arith.constant 0 : i32
    %dma_wait3A_722 = arith.constant 2 : i32
    %dma_wait3A_723 = arith.constant 2 : i32
    %dma_wait3A_724 = arith.constant 0 : i32
    %dma_wait3A_725 = arith.constant 0 : i32
    %dma_wait3A_726 = tpu.memref_slice %arg11[%dma_wait3A_721, %dma_wait3A_722, %dma_wait3A_724, %dma_wait3A_725] : memref<4x3x80x128xf32, #tpu.memory_space<vmem>> -> memref<1x1x80x128xf32, #tpu.memory_space<vmem>>
    %dma_wait3A_727 = tpu.memref_squeeze %dma_wait3A_726 : memref<1x1x80x128xf32, #tpu.memory_space<vmem>> -> memref<80x128xf32, #tpu.memory_space<vmem>>
    %dma_wait3A_728 = arith.constant 0 : i32
    %dma_wait3A_729 = tpu.memref_slice %arg8[%dma_wait3A_723, %add3A_363, %dma_wait3A_728] : memref<3x10240x128xf32, #tpu.memory_space<hbm>> -> memref<1x80x128xf32, #tpu.memory_space<hbm>>
    %dma_wait3A_730 = tpu.memref_squeeze %dma_wait3A_729 : memref<1x80x128xf32, #tpu.memory_space<hbm>> -> memref<80x128xf32, #tpu.memory_space<hbm>>
    %dma_wait3A_731 = arith.constant 0 : i32
    %dma_wait3A_732 = tpu.memref_slice %arg8[%dma_wait3A_723, %add3A_363, %dma_wait3A_731] : memref<3x10240x128xf32, #tpu.memory_space<hbm>> -> memref<1x80x128xf32, #tpu.memory_space<hbm>>
    %dma_wait3A_733 = tpu.memref_squeeze %dma_wait3A_732 : memref<1x80x128xf32, #tpu.memory_space<hbm>> -> memref<80x128xf32, #tpu.memory_space<hbm>>
    %dma_wait3A_734 = arith.constant 0 : i32
    %dma_wait3A_735 = arith.constant 0 : i32
    %dma_wait3A_736 = tpu.memref_slice %arg11[%dma_wait3A_721, %dma_wait3A_722, %dma_wait3A_734, %dma_wait3A_735] : memref<4x3x80x128xf32, #tpu.memory_space<vmem>> -> memref<1x1x80x128xf32, #tpu.memory_space<vmem>>
    %dma_wait3A_737 = tpu.memref_squeeze %dma_wait3A_736 : memref<1x1x80x128xf32, #tpu.memory_space<vmem>> -> memref<80x128xf32, #tpu.memory_space<vmem>>
    tpu.wait_dma2 semaphore(%arg13 : memref<!tpu.dma_semaphore, #tpu.memory_space<semaphore_mem>>) src(%dma_wait3A_737 : memref<80x128xf32, #tpu.memory_space<vmem>>) dst(%dma_wait3A_733 : memref<80x128xf32, #tpu.memory_space<hbm>>)
    %dma_wait3A_738 = arith.constant 1 : i32
    %dma_wait3A_739 = arith.constant 0 : i32
    %dma_wait3A_740 = arith.constant 0 : i32
    %dma_wait3A_741 = arith.constant 0 : i32
    %dma_wait3A_742 = arith.constant 0 : i32
    %dma_wait3A_743 = tpu.memref_slice %arg11[%dma_wait3A_738, %dma_wait3A_739, %dma_wait3A_741, %dma_wait3A_742] : memref<4x3x80x128xf32, #tpu.memory_space<vmem>> -> memref<1x1x80x128xf32, #tpu.memory_space<vmem>>
    %dma_wait3A_744 = tpu.memref_squeeze %dma_wait3A_743 : memref<1x1x80x128xf32, #tpu.memory_space<vmem>> -> memref<80x128xf32, #tpu.memory_space<vmem>>
    %dma_wait3A_745 = arith.constant 0 : i32
    %dma_wait3A_746 = tpu.memref_slice %arg8[%dma_wait3A_740, %add3A_423, %dma_wait3A_745] : memref<3x10240x128xf32, #tpu.memory_space<hbm>> -> memref<1x80x128xf32, #tpu.memory_space<hbm>>
    %dma_wait3A_747 = tpu.memref_squeeze %dma_wait3A_746 : memref<1x80x128xf32, #tpu.memory_space<hbm>> -> memref<80x128xf32, #tpu.memory_space<hbm>>
    %dma_wait3A_748 = arith.constant 0 : i32
    %dma_wait3A_749 = tpu.memref_slice %arg8[%dma_wait3A_740, %add3A_423, %dma_wait3A_748] : memref<3x10240x128xf32, #tpu.memory_space<hbm>> -> memref<1x80x128xf32, #tpu.memory_space<hbm>>
    %dma_wait3A_750 = tpu.memref_squeeze %dma_wait3A_749 : memref<1x80x128xf32, #tpu.memory_space<hbm>> -> memref<80x128xf32, #tpu.memory_space<hbm>>
    %dma_wait3A_751 = arith.constant 0 : i32
    %dma_wait3A_752 = arith.constant 0 : i32
    %dma_wait3A_753 = tpu.memref_slice %arg11[%dma_wait3A_738, %dma_wait3A_739, %dma_wait3A_751, %dma_wait3A_752] : memref<4x3x80x128xf32, #tpu.memory_space<vmem>> -> memref<1x1x80x128xf32, #tpu.memory_space<vmem>>
    %dma_wait3A_754 = tpu.memref_squeeze %dma_wait3A_753 : memref<1x1x80x128xf32, #tpu.memory_space<vmem>> -> memref<80x128xf32, #tpu.memory_space<vmem>>
    tpu.wait_dma2 semaphore(%arg13 : memref<!tpu.dma_semaphore, #tpu.memory_space<semaphore_mem>>) src(%dma_wait3A_754 : memref<80x128xf32, #tpu.memory_space<vmem>>) dst(%dma_wait3A_750 : memref<80x128xf32, #tpu.memory_space<hbm>>)
    %dma_wait3A_755 = arith.constant 1 : i32
    %dma_wait3A_756 = arith.constant 1 : i32
    %dma_wait3A_757 = arith.constant 1 : i32
    %dma_wait3A_758 = arith.constant 0 : i32
    %dma_wait3A_759 = arith.constant 0 : i32
    %dma_wait3A_760 = tpu.memref_slice %arg11[%dma_wait3A_755, %dma_wait3A_756, %dma_wait3A_758, %dma_wait3A_759] : memref<4x3x80x128xf32, #tpu.memory_space<vmem>> -> memref<1x1x80x128xf32, #tpu.memory_space<vmem>>
    %dma_wait3A_761 = tpu.memref_squeeze %dma_wait3A_760 : memref<1x1x80x128xf32, #tpu.memory_space<vmem>> -> memref<80x128xf32, #tpu.memory_space<vmem>>
    %dma_wait3A_762 = arith.constant 0 : i32
    %dma_wait3A_763 = tpu.memref_slice %arg8[%dma_wait3A_757, %add3A_444, %dma_wait3A_762] : memref<3x10240x128xf32, #tpu.memory_space<hbm>> -> memref<1x80x128xf32, #tpu.memory_space<hbm>>
    %dma_wait3A_764 = tpu.memref_squeeze %dma_wait3A_763 : memref<1x80x128xf32, #tpu.memory_space<hbm>> -> memref<80x128xf32, #tpu.memory_space<hbm>>
    %dma_wait3A_765 = arith.constant 0 : i32
    %dma_wait3A_766 = tpu.memref_slice %arg8[%dma_wait3A_757, %add3A_444, %dma_wait3A_765] : memref<3x10240x128xf32, #tpu.memory_space<hbm>> -> memref<1x80x128xf32, #tpu.memory_space<hbm>>
    %dma_wait3A_767 = tpu.memref_squeeze %dma_wait3A_766 : memref<1x80x128xf32, #tpu.memory_space<hbm>> -> memref<80x128xf32, #tpu.memory_space<hbm>>
    %dma_wait3A_768 = arith.constant 0 : i32
    %dma_wait3A_769 = arith.constant 0 : i32
    %dma_wait3A_770 = tpu.memref_slice %arg11[%dma_wait3A_755, %dma_wait3A_756, %dma_wait3A_768, %dma_wait3A_769] : memref<4x3x80x128xf32, #tpu.memory_space<vmem>> -> memref<1x1x80x128xf32, #tpu.memory_space<vmem>>
    %dma_wait3A_771 = tpu.memref_squeeze %dma_wait3A_770 : memref<1x1x80x128xf32, #tpu.memory_space<vmem>> -> memref<80x128xf32, #tpu.memory_space<vmem>>
    tpu.wait_dma2 semaphore(%arg13 : memref<!tpu.dma_semaphore, #tpu.memory_space<semaphore_mem>>) src(%dma_wait3A_771 : memref<80x128xf32, #tpu.memory_space<vmem>>) dst(%dma_wait3A_767 : memref<80x128xf32, #tpu.memory_space<hbm>>)
    %dma_wait3A_772 = arith.constant 1 : i32
    %dma_wait3A_773 = arith.constant 2 : i32
    %dma_wait3A_774 = arith.constant 2 : i32
    %dma_wait3A_775 = arith.constant 0 : i32
    %dma_wait3A_776 = arith.constant 0 : i32
    %dma_wait3A_777 = tpu.memref_slice %arg11[%dma_wait3A_772, %dma_wait3A_773, %dma_wait3A_775, %dma_wait3A_776] : memref<4x3x80x128xf32, #tpu.memory_space<vmem>> -> memref<1x1x80x128xf32, #tpu.memory_space<vmem>>
    %dma_wait3A_778 = tpu.memref_squeeze %dma_wait3A_777 : memref<1x1x80x128xf32, #tpu.memory_space<vmem>> -> memref<80x128xf32, #tpu.memory_space<vmem>>
    %dma_wait3A_779 = arith.constant 0 : i32
    %dma_wait3A_780 = tpu.memref_slice %arg8[%dma_wait3A_774, %add3A_465, %dma_wait3A_779] : memref<3x10240x128xf32, #tpu.memory_space<hbm>> -> memref<1x80x128xf32, #tpu.memory_space<hbm>>
    %dma_wait3A_781 = tpu.memref_squeeze %dma_wait3A_780 : memref<1x80x128xf32, #tpu.memory_space<hbm>> -> memref<80x128xf32, #tpu.memory_space<hbm>>
    %dma_wait3A_782 = arith.constant 0 : i32
    %dma_wait3A_783 = tpu.memref_slice %arg8[%dma_wait3A_774, %add3A_465, %dma_wait3A_782] : memref<3x10240x128xf32, #tpu.memory_space<hbm>> -> memref<1x80x128xf32, #tpu.memory_space<hbm>>
    %dma_wait3A_784 = tpu.memref_squeeze %dma_wait3A_783 : memref<1x80x128xf32, #tpu.memory_space<hbm>> -> memref<80x128xf32, #tpu.memory_space<hbm>>
    %dma_wait3A_785 = arith.constant 0 : i32
    %dma_wait3A_786 = arith.constant 0 : i32
    %dma_wait3A_787 = tpu.memref_slice %arg11[%dma_wait3A_772, %dma_wait3A_773, %dma_wait3A_785, %dma_wait3A_786] : memref<4x3x80x128xf32, #tpu.memory_space<vmem>> -> memref<1x1x80x128xf32, #tpu.memory_space<vmem>>
    %dma_wait3A_788 = tpu.memref_squeeze %dma_wait3A_787 : memref<1x1x80x128xf32, #tpu.memory_space<vmem>> -> memref<80x128xf32, #tpu.memory_space<vmem>>
    tpu.wait_dma2 semaphore(%arg13 : memref<!tpu.dma_semaphore, #tpu.memory_space<semaphore_mem>>) src(%dma_wait3A_788 : memref<80x128xf32, #tpu.memory_space<vmem>>) dst(%dma_wait3A_784 : memref<80x128xf32, #tpu.memory_space<hbm>>)
    %dma_wait3A_789 = arith.constant 2 : i32
    %dma_wait3A_790 = arith.constant 0 : i32
    %dma_wait3A_791 = arith.constant 0 : i32
    %dma_wait3A_792 = arith.constant 0 : i32
    %dma_wait3A_793 = arith.constant 0 : i32
    %dma_wait3A_794 = tpu.memref_slice %arg11[%dma_wait3A_789, %dma_wait3A_790, %dma_wait3A_792, %dma_wait3A_793] : memref<4x3x80x128xf32, #tpu.memory_space<vmem>> -> memref<1x1x80x128xf32, #tpu.memory_space<vmem>>
    %dma_wait3A_795 = tpu.memref_squeeze %dma_wait3A_794 : memref<1x1x80x128xf32, #tpu.memory_space<vmem>> -> memref<80x128xf32, #tpu.memory_space<vmem>>
    %dma_wait3A_796 = arith.constant 0 : i32
    %dma_wait3A_797 = tpu.memref_slice %arg8[%dma_wait3A_791, %add3A_525, %dma_wait3A_796] : memref<3x10240x128xf32, #tpu.memory_space<hbm>> -> memref<1x80x128xf32, #tpu.memory_space<hbm>>
    %dma_wait3A_798 = tpu.memref_squeeze %dma_wait3A_797 : memref<1x80x128xf32, #tpu.memory_space<hbm>> -> memref<80x128xf32, #tpu.memory_space<hbm>>
    %dma_wait3A_799 = arith.constant 0 : i32
    %dma_wait3A_800 = tpu.memref_slice %arg8[%dma_wait3A_791, %add3A_525, %dma_wait3A_799] : memref<3x10240x128xf32, #tpu.memory_space<hbm>> -> memref<1x80x128xf32, #tpu.memory_space<hbm>>
    %dma_wait3A_801 = tpu.memref_squeeze %dma_wait3A_800 : memref<1x80x128xf32, #tpu.memory_space<hbm>> -> memref<80x128xf32, #tpu.memory_space<hbm>>
    %dma_wait3A_802 = arith.constant 0 : i32
    %dma_wait3A_803 = arith.constant 0 : i32
    %dma_wait3A_804 = tpu.memref_slice %arg11[%dma_wait3A_789, %dma_wait3A_790, %dma_wait3A_802, %dma_wait3A_803] : memref<4x3x80x128xf32, #tpu.memory_space<vmem>> -> memref<1x1x80x128xf32, #tpu.memory_space<vmem>>
    %dma_wait3A_805 = tpu.memref_squeeze %dma_wait3A_804 : memref<1x1x80x128xf32, #tpu.memory_space<vmem>> -> memref<80x128xf32, #tpu.memory_space<vmem>>
    tpu.wait_dma2 semaphore(%arg13 : memref<!tpu.dma_semaphore, #tpu.memory_space<semaphore_mem>>) src(%dma_wait3A_805 : memref<80x128xf32, #tpu.memory_space<vmem>>) dst(%dma_wait3A_801 : memref<80x128xf32, #tpu.memory_space<hbm>>)
    %dma_wait3A_806 = arith.constant 2 : i32
    %dma_wait3A_807 = arith.constant 1 : i32
    %dma_wait3A_808 = arith.constant 1 : i32
    %dma_wait3A_809 = arith.constant 0 : i32
    %dma_wait3A_810 = arith.constant 0 : i32
    %dma_wait3A_811 = tpu.memref_slice %arg11[%dma_wait3A_806, %dma_wait3A_807, %dma_wait3A_809, %dma_wait3A_810] : memref<4x3x80x128xf32, #tpu.memory_space<vmem>> -> memref<1x1x80x128xf32, #tpu.memory_space<vmem>>
    %dma_wait3A_812 = tpu.memref_squeeze %dma_wait3A_811 : memref<1x1x80x128xf32, #tpu.memory_space<vmem>> -> memref<80x128xf32, #tpu.memory_space<vmem>>
    %dma_wait3A_813 = arith.constant 0 : i32
    %dma_wait3A_814 = tpu.memref_slice %arg8[%dma_wait3A_808, %add3A_546, %dma_wait3A_813] : memref<3x10240x128xf32, #tpu.memory_space<hbm>> -> memref<1x80x128xf32, #tpu.memory_space<hbm>>
    %dma_wait3A_815 = tpu.memref_squeeze %dma_wait3A_814 : memref<1x80x128xf32, #tpu.memory_space<hbm>> -> memref<80x128xf32, #tpu.memory_space<hbm>>
    %dma_wait3A_816 = arith.constant 0 : i32
    %dma_wait3A_817 = tpu.memref_slice %arg8[%dma_wait3A_808, %add3A_546, %dma_wait3A_816] : memref<3x10240x128xf32, #tpu.memory_space<hbm>> -> memref<1x80x128xf32, #tpu.memory_space<hbm>>
    %dma_wait3A_818 = tpu.memref_squeeze %dma_wait3A_817 : memref<1x80x128xf32, #tpu.memory_space<hbm>> -> memref<80x128xf32, #tpu.memory_space<hbm>>
    %dma_wait3A_819 = arith.constant 0 : i32
    %dma_wait3A_820 = arith.constant 0 : i32
    %dma_wait3A_821 = tpu.memref_slice %arg11[%dma_wait3A_806, %dma_wait3A_807, %dma_wait3A_819, %dma_wait3A_820] : memref<4x3x80x128xf32, #tpu.memory_space<vmem>> -> memref<1x1x80x128xf32, #tpu.memory_space<vmem>>
    %dma_wait3A_822 = tpu.memref_squeeze %dma_wait3A_821 : memref<1x1x80x128xf32, #tpu.memory_space<vmem>> -> memref<80x128xf32, #tpu.memory_space<vmem>>
    tpu.wait_dma2 semaphore(%arg13 : memref<!tpu.dma_semaphore, #tpu.memory_space<semaphore_mem>>) src(%dma_wait3A_822 : memref<80x128xf32, #tpu.memory_space<vmem>>) dst(%dma_wait3A_818 : memref<80x128xf32, #tpu.memory_space<hbm>>)
    %dma_wait3A_823 = arith.constant 2 : i32
    %dma_wait3A_824 = arith.constant 2 : i32
    %dma_wait3A_825 = arith.constant 2 : i32
    %dma_wait3A_826 = arith.constant 0 : i32
    %dma_wait3A_827 = arith.constant 0 : i32
    %dma_wait3A_828 = tpu.memref_slice %arg11[%dma_wait3A_823, %dma_wait3A_824, %dma_wait3A_826, %dma_wait3A_827] : memref<4x3x80x128xf32, #tpu.memory_space<vmem>> -> memref<1x1x80x128xf32, #tpu.memory_space<vmem>>
    %dma_wait3A_829 = tpu.memref_squeeze %dma_wait3A_828 : memref<1x1x80x128xf32, #tpu.memory_space<vmem>> -> memref<80x128xf32, #tpu.memory_space<vmem>>
    %dma_wait3A_830 = arith.constant 0 : i32
    %dma_wait3A_831 = tpu.memref_slice %arg8[%dma_wait3A_825, %add3A_567, %dma_wait3A_830] : memref<3x10240x128xf32, #tpu.memory_space<hbm>> -> memref<1x80x128xf32, #tpu.memory_space<hbm>>
    %dma_wait3A_832 = tpu.memref_squeeze %dma_wait3A_831 : memref<1x80x128xf32, #tpu.memory_space<hbm>> -> memref<80x128xf32, #tpu.memory_space<hbm>>
    %dma_wait3A_833 = arith.constant 0 : i32
    %dma_wait3A_834 = tpu.memref_slice %arg8[%dma_wait3A_825, %add3A_567, %dma_wait3A_833] : memref<3x10240x128xf32, #tpu.memory_space<hbm>> -> memref<1x80x128xf32, #tpu.memory_space<hbm>>
    %dma_wait3A_835 = tpu.memref_squeeze %dma_wait3A_834 : memref<1x80x128xf32, #tpu.memory_space<hbm>> -> memref<80x128xf32, #tpu.memory_space<hbm>>
    %dma_wait3A_836 = arith.constant 0 : i32
    %dma_wait3A_837 = arith.constant 0 : i32
    %dma_wait3A_838 = tpu.memref_slice %arg11[%dma_wait3A_823, %dma_wait3A_824, %dma_wait3A_836, %dma_wait3A_837] : memref<4x3x80x128xf32, #tpu.memory_space<vmem>> -> memref<1x1x80x128xf32, #tpu.memory_space<vmem>>
    %dma_wait3A_839 = tpu.memref_squeeze %dma_wait3A_838 : memref<1x1x80x128xf32, #tpu.memory_space<vmem>> -> memref<80x128xf32, #tpu.memory_space<vmem>>
    tpu.wait_dma2 semaphore(%arg13 : memref<!tpu.dma_semaphore, #tpu.memory_space<semaphore_mem>>) src(%dma_wait3A_839 : memref<80x128xf32, #tpu.memory_space<vmem>>) dst(%dma_wait3A_835 : memref<80x128xf32, #tpu.memory_space<hbm>>)
    %dma_wait3A_840 = arith.constant 3 : i32
    %dma_wait3A_841 = arith.constant 0 : i32
    %dma_wait3A_842 = arith.constant 0 : i32
    %dma_wait3A_843 = arith.constant 0 : i32
    %dma_wait3A_844 = arith.constant 0 : i32
    %dma_wait3A_845 = tpu.memref_slice %arg11[%dma_wait3A_840, %dma_wait3A_841, %dma_wait3A_843, %dma_wait3A_844] : memref<4x3x80x128xf32, #tpu.memory_space<vmem>> -> memref<1x1x80x128xf32, #tpu.memory_space<vmem>>
    %dma_wait3A_846 = tpu.memref_squeeze %dma_wait3A_845 : memref<1x1x80x128xf32, #tpu.memory_space<vmem>> -> memref<80x128xf32, #tpu.memory_space<vmem>>
    %dma_wait3A_847 = arith.constant 0 : i32
    %dma_wait3A_848 = tpu.memref_slice %arg8[%dma_wait3A_842, %add3A_627, %dma_wait3A_847] : memref<3x10240x128xf32, #tpu.memory_space<hbm>> -> memref<1x80x128xf32, #tpu.memory_space<hbm>>
    %dma_wait3A_849 = tpu.memref_squeeze %dma_wait3A_848 : memref<1x80x128xf32, #tpu.memory_space<hbm>> -> memref<80x128xf32, #tpu.memory_space<hbm>>
    %dma_wait3A_850 = arith.constant 0 : i32
    %dma_wait3A_851 = tpu.memref_slice %arg8[%dma_wait3A_842, %add3A_627, %dma_wait3A_850] : memref<3x10240x128xf32, #tpu.memory_space<hbm>> -> memref<1x80x128xf32, #tpu.memory_space<hbm>>
    %dma_wait3A_852 = tpu.memref_squeeze %dma_wait3A_851 : memref<1x80x128xf32, #tpu.memory_space<hbm>> -> memref<80x128xf32, #tpu.memory_space<hbm>>
    %dma_wait3A_853 = arith.constant 0 : i32
    %dma_wait3A_854 = arith.constant 0 : i32
    %dma_wait3A_855 = tpu.memref_slice %arg11[%dma_wait3A_840, %dma_wait3A_841, %dma_wait3A_853, %dma_wait3A_854] : memref<4x3x80x128xf32, #tpu.memory_space<vmem>> -> memref<1x1x80x128xf32, #tpu.memory_space<vmem>>
    %dma_wait3A_856 = tpu.memref_squeeze %dma_wait3A_855 : memref<1x1x80x128xf32, #tpu.memory_space<vmem>> -> memref<80x128xf32, #tpu.memory_space<vmem>>
    tpu.wait_dma2 semaphore(%arg13 : memref<!tpu.dma_semaphore, #tpu.memory_space<semaphore_mem>>) src(%dma_wait3A_856 : memref<80x128xf32, #tpu.memory_space<vmem>>) dst(%dma_wait3A_852 : memref<80x128xf32, #tpu.memory_space<hbm>>)
    %dma_wait3A_857 = arith.constant 3 : i32
    %dma_wait3A_858 = arith.constant 1 : i32
    %dma_wait3A_859 = arith.constant 1 : i32
    %dma_wait3A_860 = arith.constant 0 : i32
    %dma_wait3A_861 = arith.constant 0 : i32
    %dma_wait3A_862 = tpu.memref_slice %arg11[%dma_wait3A_857, %dma_wait3A_858, %dma_wait3A_860, %dma_wait3A_861] : memref<4x3x80x128xf32, #tpu.memory_space<vmem>> -> memref<1x1x80x128xf32, #tpu.memory_space<vmem>>
    %dma_wait3A_863 = tpu.memref_squeeze %dma_wait3A_862 : memref<1x1x80x128xf32, #tpu.memory_space<vmem>> -> memref<80x128xf32, #tpu.memory_space<vmem>>
    %dma_wait3A_864 = arith.constant 0 : i32
    %dma_wait3A_865 = tpu.memref_slice %arg8[%dma_wait3A_859, %add3A_648, %dma_wait3A_864] : memref<3x10240x128xf32, #tpu.memory_space<hbm>> -> memref<1x80x128xf32, #tpu.memory_space<hbm>>
    %dma_wait3A_866 = tpu.memref_squeeze %dma_wait3A_865 : memref<1x80x128xf32, #tpu.memory_space<hbm>> -> memref<80x128xf32, #tpu.memory_space<hbm>>
    %dma_wait3A_867 = arith.constant 0 : i32
    %dma_wait3A_868 = tpu.memref_slice %arg8[%dma_wait3A_859, %add3A_648, %dma_wait3A_867] : memref<3x10240x128xf32, #tpu.memory_space<hbm>> -> memref<1x80x128xf32, #tpu.memory_space<hbm>>
    %dma_wait3A_869 = tpu.memref_squeeze %dma_wait3A_868 : memref<1x80x128xf32, #tpu.memory_space<hbm>> -> memref<80x128xf32, #tpu.memory_space<hbm>>
    %dma_wait3A_870 = arith.constant 0 : i32
    %dma_wait3A_871 = arith.constant 0 : i32
    %dma_wait3A_872 = tpu.memref_slice %arg11[%dma_wait3A_857, %dma_wait3A_858, %dma_wait3A_870, %dma_wait3A_871] : memref<4x3x80x128xf32, #tpu.memory_space<vmem>> -> memref<1x1x80x128xf32, #tpu.memory_space<vmem>>
    %dma_wait3A_873 = tpu.memref_squeeze %dma_wait3A_872 : memref<1x1x80x128xf32, #tpu.memory_space<vmem>> -> memref<80x128xf32, #tpu.memory_space<vmem>>
    tpu.wait_dma2 semaphore(%arg13 : memref<!tpu.dma_semaphore, #tpu.memory_space<semaphore_mem>>) src(%dma_wait3A_873 : memref<80x128xf32, #tpu.memory_space<vmem>>) dst(%dma_wait3A_869 : memref<80x128xf32, #tpu.memory_space<hbm>>)
    %dma_wait3A_874 = arith.constant 3 : i32
    %dma_wait3A_875 = arith.constant 2 : i32
    %dma_wait3A_876 = arith.constant 2 : i32
    %dma_wait3A_877 = arith.constant 0 : i32
    %dma_wait3A_878 = arith.constant 0 : i32
    %dma_wait3A_879 = tpu.memref_slice %arg11[%dma_wait3A_874, %dma_wait3A_875, %dma_wait3A_877, %dma_wait3A_878] : memref<4x3x80x128xf32, #tpu.memory_space<vmem>> -> memref<1x1x80x128xf32, #tpu.memory_space<vmem>>
    %dma_wait3A_880 = tpu.memref_squeeze %dma_wait3A_879 : memref<1x1x80x128xf32, #tpu.memory_space<vmem>> -> memref<80x128xf32, #tpu.memory_space<vmem>>
    %dma_wait3A_881 = arith.constant 0 : i32
    %dma_wait3A_882 = tpu.memref_slice %arg8[%dma_wait3A_876, %add3A_669, %dma_wait3A_881] : memref<3x10240x128xf32, #tpu.memory_space<hbm>> -> memref<1x80x128xf32, #tpu.memory_space<hbm>>
    %dma_wait3A_883 = tpu.memref_squeeze %dma_wait3A_882 : memref<1x80x128xf32, #tpu.memory_space<hbm>> -> memref<80x128xf32, #tpu.memory_space<hbm>>
    %dma_wait3A_884 = arith.constant 0 : i32
    %dma_wait3A_885 = tpu.memref_slice %arg8[%dma_wait3A_876, %add3A_669, %dma_wait3A_884] : memref<3x10240x128xf32, #tpu.memory_space<hbm>> -> memref<1x80x128xf32, #tpu.memory_space<hbm>>
    %dma_wait3A_886 = tpu.memref_squeeze %dma_wait3A_885 : memref<1x80x128xf32, #tpu.memory_space<hbm>> -> memref<80x128xf32, #tpu.memory_space<hbm>>
    %dma_wait3A_887 = arith.constant 0 : i32
    %dma_wait3A_888 = arith.constant 0 : i32
    %dma_wait3A_889 = tpu.memref_slice %arg11[%dma_wait3A_874, %dma_wait3A_875, %dma_wait3A_887, %dma_wait3A_888] : memref<4x3x80x128xf32, #tpu.memory_space<vmem>> -> memref<1x1x80x128xf32, #tpu.memory_space<vmem>>
    %dma_wait3A_890 = tpu.memref_squeeze %dma_wait3A_889 : memref<1x1x80x128xf32, #tpu.memory_space<vmem>> -> memref<80x128xf32, #tpu.memory_space<vmem>>
    tpu.wait_dma2 semaphore(%arg13 : memref<!tpu.dma_semaphore, #tpu.memory_space<semaphore_mem>>) src(%dma_wait3A_890 : memref<80x128xf32, #tpu.memory_space<vmem>>) dst(%dma_wait3A_886 : memref<80x128xf32, #tpu.memory_space<hbm>>)
    return
  }
}

module attributes {stable_mosaic.version = 14 : i64} {
  func.func @_tr_body(%arg0: i32, %arg1: memref<64x8192xf32, #tpu.memory_space<vmem>>, %arg2: memref<4096x128xf32, #tpu.memory_space<vmem>>) attributes {dimension_semantics = [#tpu.dimension_semantics<arbitrary>], iteration_bounds = array<i64: 13>, scalar_prefetch = 0 : i64, scratch_operands = 0 : i64, tpu.core_type = #tpu.core_type<tc>, window_params = [{transform_indices = @transform_0, window_bounds = array<i64: 64, 8192>}, {transform_indices = @transform_1, window_bounds = array<i64: 4096, 128>}]} {
    %get3A = arith.constant 0 : index
    %get3A_0 = arith.constant 0 : index
    %get3A_1 = vector.load %arg1[%get3A, %get3A_0] : memref<64x8192xf32, #tpu.memory_space<vmem>>, vector<64x8192xf32>
    %transpose3A = tpu.transpose %get3A_1, [1, 0] : vector<64x8192xf32> -> vector<8192x64xf32>
    %slice3A = vector.extract_strided_slice %transpose3A {offsets = [0, 0], sizes = [4096, 64], strides = [1, 1]} : vector<8192x64xf32> to vector<4096x64xf32>
    %slice3A_2 = vector.extract_strided_slice %transpose3A {offsets = [4096, 0], sizes = [4096, 64], strides = [1, 1]} : vector<8192x64xf32> to vector<4096x64xf32>
    %concatenate3A = tpu.concatenate %slice3A, %slice3A_2 in 1 : vector<4096x64xf32>, vector<4096x64xf32> -> vector<4096x128xf32>
    %swap3A = arith.constant 0 : index
    %swap3A_3 = arith.constant 0 : index
    %swap3A_4 = vector.load %arg2[%swap3A, %swap3A_3] : memref<4096x128xf32, #tpu.memory_space<vmem>>, vector<4096x128xf32>
    tpu.vector_store %arg2[%swap3A, %swap3A_3], %concatenate3A {strides = array<i32>} : memref<4096x128xf32, #tpu.memory_space<vmem>>, vector<4096x128xf32>,
    return
  }
  func.func @transform_0(%arg0: i32) -> (i32, i32) {
    %c0_i32 = arith.constant 0 : i32
    %c0_i32_0 = arith.constant 0 : i32
    return %c0_i32, %arg0 : i32, i32
  }
  func.func @transform_1(%arg0: i32) -> (i32, i32) {
    %c0_i32 = arith.constant 0 : i32
    %c0_i32_0 = arith.constant 0 : i32
    return %arg0, %c0_i32 : i32, i32
  }
}

module attributes {stable_mosaic.version = 14 : i64} {
  func.func @_tr_body(%arg0: i32, %arg1: memref<64x8192xf32, #tpu.memory_space<vmem>>, %arg2: memref<4096x128xf32, #tpu.memory_space<vmem>>) attributes {dimension_semantics = [#tpu.dimension_semantics<arbitrary>], iteration_bounds = array<i64: 10>, scalar_prefetch = 0 : i64, scratch_operands = 0 : i64, tpu.core_type = #tpu.core_type<tc>, window_params = [{transform_indices = @transform_0, window_bounds = array<i64: 64, 8192>}, {transform_indices = @transform_1, window_bounds = array<i64: 4096, 128>}]} {
    %get3A = arith.constant 0 : index
    %get3A_0 = arith.constant 0 : index
    %get3A_1 = vector.load %arg1[%get3A, %get3A_0] : memref<64x8192xf32, #tpu.memory_space<vmem>>, vector<64x8192xf32>
    %transpose3A = tpu.transpose %get3A_1, [1, 0] : vector<64x8192xf32> -> vector<8192x64xf32>
    %slice3A = vector.extract_strided_slice %transpose3A {offsets = [0, 0], sizes = [4096, 64], strides = [1, 1]} : vector<8192x64xf32> to vector<4096x64xf32>
    %slice3A_2 = vector.extract_strided_slice %transpose3A {offsets = [4096, 0], sizes = [4096, 64], strides = [1, 1]} : vector<8192x64xf32> to vector<4096x64xf32>
    %concatenate3A = tpu.concatenate %slice3A, %slice3A_2 in 1 : vector<4096x64xf32>, vector<4096x64xf32> -> vector<4096x128xf32>
    %swap3A = arith.constant 0 : index
    %swap3A_3 = arith.constant 0 : index
    %swap3A_4 = vector.load %arg2[%swap3A, %swap3A_3] : memref<4096x128xf32, #tpu.memory_space<vmem>>, vector<4096x128xf32>
    tpu.vector_store %arg2[%swap3A, %swap3A_3], %concatenate3A {strides = array<i32>} : memref<4096x128xf32, #tpu.memory_space<vmem>>, vector<4096x128xf32>,
    return
  }
  func.func @transform_0(%arg0: i32) -> (i32, i32) {
    %c0_i32 = arith.constant 0 : i32
    %c0_i32_0 = arith.constant 0 : i32
    return %c0_i32, %arg0 : i32, i32
  }
  func.func @transform_1(%arg0: i32) -> (i32, i32) {
    %c0_i32 = arith.constant 0 : i32
    %c0_i32_0 = arith.constant 0 : i32
    return %arg0, %c0_i32 : i32, i32
  }
}

module attributes {stable_mosaic.version = 14 : i64} {
  func.func @_tr_body(%arg0: i32, %arg1: memref<64x8192xf32, #tpu.memory_space<vmem>>, %arg2: memref<4096x128xf32, #tpu.memory_space<vmem>>) attributes {dimension_semantics = [#tpu.dimension_semantics<arbitrary>], iteration_bounds = array<i64: 7>, scalar_prefetch = 0 : i64, scratch_operands = 0 : i64, tpu.core_type = #tpu.core_type<tc>, window_params = [{transform_indices = @transform_0, window_bounds = array<i64: 64, 8192>}, {transform_indices = @transform_1, window_bounds = array<i64: 4096, 128>}]} {
    %get3A = arith.constant 0 : index
    %get3A_0 = arith.constant 0 : index
    %get3A_1 = vector.load %arg1[%get3A, %get3A_0] : memref<64x8192xf32, #tpu.memory_space<vmem>>, vector<64x8192xf32>
    %transpose3A = tpu.transpose %get3A_1, [1, 0] : vector<64x8192xf32> -> vector<8192x64xf32>
    %slice3A = vector.extract_strided_slice %transpose3A {offsets = [0, 0], sizes = [4096, 64], strides = [1, 1]} : vector<8192x64xf32> to vector<4096x64xf32>
    %slice3A_2 = vector.extract_strided_slice %transpose3A {offsets = [4096, 0], sizes = [4096, 64], strides = [1, 1]} : vector<8192x64xf32> to vector<4096x64xf32>
    %concatenate3A = tpu.concatenate %slice3A, %slice3A_2 in 1 : vector<4096x64xf32>, vector<4096x64xf32> -> vector<4096x128xf32>
    %swap3A = arith.constant 0 : index
    %swap3A_3 = arith.constant 0 : index
    %swap3A_4 = vector.load %arg2[%swap3A, %swap3A_3] : memref<4096x128xf32, #tpu.memory_space<vmem>>, vector<4096x128xf32>
    tpu.vector_store %arg2[%swap3A, %swap3A_3], %concatenate3A {strides = array<i32>} : memref<4096x128xf32, #tpu.memory_space<vmem>>, vector<4096x128xf32>,
    return
  }
  func.func @transform_0(%arg0: i32) -> (i32, i32) {
    %c0_i32 = arith.constant 0 : i32
    %c0_i32_0 = arith.constant 0 : i32
    return %c0_i32, %arg0 : i32, i32
  }
  func.func @transform_1(%arg0: i32) -> (i32, i32) {
    %c0_i32 = arith.constant 0 : i32
    %c0_i32_0 = arith.constant 0 : i32
    return %arg0, %c0_i32 : i32, i32
  }
}

module attributes {stable_mosaic.version = 14 : i64} {
  func.func @_cid_body(%arg0: memref<1024xi32, #tpu.memory_space<smem>>, %arg1: memref<1024xi32, #tpu.memory_space<vmem>>, %arg2: memref<64x1000001xf32, #tpu.memory_space<any>>, %arg3: memref<1024x64xf32, #tpu.memory_space<vmem>>, %arg4: memref<1024x64x128xf32, #tpu.memory_space<vmem>>, %arg5: memref<!tpu.dma_semaphore, #tpu.memory_space<semaphore_mem>>) attributes {dimension_semantics = [], scalar_prefetch = 0 : i64, scratch_operands = 2 : i64, tpu.core_type = #tpu.core_type<tc>} {
    %scan3A = arith.constant 0 : i32
    %scan3A_0 = arith.constant 256 : i32
    %scan3A_1 = arith.addi %scan3A, %scan3A_0 : i32
    %scan3A_2 = arith.constant 1 : i32
    scf.for %scan3A_165 = %scan3A to %scan3A_1 step %scan3A_2  : i32 {
      %mul3A_166 = arith.constant 4 : i32
      %mul3A_167 = arith.muli %mul3A_166, %scan3A_165 : i32
      %add3A_168 = arith.constant 0 : i32
      %add3A_169 = arith.addi %mul3A_167, %add3A_168 : i32
      %get3A_170 = arith.index_cast %add3A_169 : i32 to index
      %get3A_171 = memref.load %arg0[%get3A_170] : memref<1024xi32, #tpu.memory_space<smem>>
      %jit3A_172 = arith.constant 128 : i32
      %div3A = arith.divsi %get3A_171, %jit3A_172 : i32
      %sign3A = arith.constant 0 : i32
      %sign3A_173 = arith.cmpi sgt, %get3A_171, %sign3A : i32
      %sign3A_174 = arith.extui %sign3A_173 : i1 to i32
      %sign3A_175 = arith.constant 0 : i32
      %sign3A_176 = arith.cmpi slt, %get3A_171, %sign3A_175 : i32
      %sign3A_177 = arith.extui %sign3A_176 : i1 to i32
      %sign3A_178 = arith.subi %sign3A_174, %sign3A_177 : i32
      %sign3A_179 = arith.constant 0 : i32
      %sign3A_180 = arith.cmpi sgt, %jit3A_172, %sign3A_179 : i32
      %sign3A_181 = arith.extui %sign3A_180 : i1 to i32
      %sign3A_182 = arith.constant 0 : i32
      %sign3A_183 = arith.cmpi slt, %jit3A_172, %sign3A_182 : i32
      %sign3A_184 = arith.extui %sign3A_183 : i1 to i32
      %sign3A_185 = arith.subi %sign3A_181, %sign3A_184 : i32
      %ne3A_186 = arith.cmpi ne, %sign3A_178, %sign3A_185 : i32
      %rem3A_187 = arith.remsi %get3A_171, %jit3A_172 : i32
      %ne3A_188 = arith.constant 0 : i32
      %ne3A_189 = arith.cmpi ne, %rem3A_187, %ne3A_188 : i32
      %and3A_190 = arith.andi %ne3A_186, %ne3A_189 : i1
      %sub3A = arith.constant 1 : i32
      %sub3A_191 = arith.subi %div3A, %sub3A : i32
      %select_n3A_192 = arith.select %and3A_190, %sub3A_191, %div3A : i32
      %mul3A_193 = arith.constant 128 : i32
      %mul3A_194 = arith.muli %select_n3A_192, %mul3A_193 : i32
      %multiple_of3A = tpu.assume_multiple %mul3A_194, 128 : i32
      %mul3A_195 = arith.constant 4 : i32
      %mul3A_196 = arith.muli %mul3A_195, %scan3A_165 : i32
      %add3A_197 = arith.constant 0 : i32
      %add3A_198 = arith.addi %mul3A_196, %add3A_197 : i32
      %dma_start3A = arith.constant 0 : i32
      %dma_start3A_199 = arith.constant 0 : i32
      %dma_start3A_200 = tpu.memref_slice %arg4[%add3A_198, %dma_start3A, %dma_start3A_199] : memref<1024x64x128xf32, #tpu.memory_space<vmem>> -> memref<1x64x128xf32, #tpu.memory_space<vmem>>
      %dma_start3A_201 = tpu.memref_squeeze %dma_start3A_200 : memref<1x64x128xf32, #tpu.memory_space<vmem>> -> memref<64x128xf32, #tpu.memory_space<vmem>>
      %dma_start3A_202 = arith.constant 0 : i32
      %dma_start3A_203 = tpu.memref_slice %arg2[%dma_start3A_202, %multiple_of3A] : memref<64x1000001xf32, #tpu.memory_space<any>> -> memref<64x128xf32, #tpu.memory_space<any>>
      tpu.enqueue_dma source(%dma_start3A_203 : memref<64x128xf32, #tpu.memory_space<any>>) target(%dma_start3A_201 : memref<64x128xf32, #tpu.memory_space<vmem>>) target_semaphore(%arg5 : memref<!tpu.dma_semaphore, #tpu.memory_space<semaphore_mem>>)
      %mul3A_204 = arith.constant 4 : i32
      %mul3A_205 = arith.muli %mul3A_204, %scan3A_165 : i32
      %add3A_206 = arith.constant 1 : i32
      %add3A_207 = arith.addi %mul3A_205, %add3A_206 : i32
      %get3A_208 = arith.index_cast %add3A_207 : i32 to index
      %get3A_209 = memref.load %arg0[%get3A_208] : memref<1024xi32, #tpu.memory_space<smem>>
      %jit3A_210 = arith.constant 128 : i32
      %div3A_211 = arith.divsi %get3A_209, %jit3A_210 : i32
      %sign3A_212 = arith.constant 0 : i32
      %sign3A_213 = arith.cmpi sgt, %get3A_209, %sign3A_212 : i32
      %sign3A_214 = arith.extui %sign3A_213 : i1 to i32
      %sign3A_215 = arith.constant 0 : i32
      %sign3A_216 = arith.cmpi slt, %get3A_209, %sign3A_215 : i32
      %sign3A_217 = arith.extui %sign3A_216 : i1 to i32
      %sign3A_218 = arith.subi %sign3A_214, %sign3A_217 : i32
      %sign3A_219 = arith.constant 0 : i32
      %sign3A_220 = arith.cmpi sgt, %jit3A_210, %sign3A_219 : i32
      %sign3A_221 = arith.extui %sign3A_220 : i1 to i32
      %sign3A_222 = arith.constant 0 : i32
      %sign3A_223 = arith.cmpi slt, %jit3A_210, %sign3A_222 : i32
      %sign3A_224 = arith.extui %sign3A_223 : i1 to i32
      %sign3A_225 = arith.subi %sign3A_221, %sign3A_224 : i32
      %ne3A_226 = arith.cmpi ne, %sign3A_218, %sign3A_225 : i32
      %rem3A_227 = arith.remsi %get3A_209, %jit3A_210 : i32
      %ne3A_228 = arith.constant 0 : i32
      %ne3A_229 = arith.cmpi ne, %rem3A_227, %ne3A_228 : i32
      %and3A_230 = arith.andi %ne3A_226, %ne3A_229 : i1
      %sub3A_231 = arith.constant 1 : i32
      %sub3A_232 = arith.subi %div3A_211, %sub3A_231 : i32
      %select_n3A_233 = arith.select %and3A_230, %sub3A_232, %div3A_211 : i32
      %mul3A_234 = arith.constant 128 : i32
      %mul3A_235 = arith.muli %select_n3A_233, %mul3A_234 : i32
      %multiple_of3A_236 = tpu.assume_multiple %mul3A_235, 128 : i32
      %mul3A_237 = arith.constant 4 : i32
      %mul3A_238 = arith.muli %mul3A_237, %scan3A_165 : i32
      %add3A_239 = arith.constant 1 : i32
      %add3A_240 = arith.addi %mul3A_238, %add3A_239 : i32
      %dma_start3A_241 = arith.constant 0 : i32
      %dma_start3A_242 = arith.constant 0 : i32
      %dma_start3A_243 = tpu.memref_slice %arg4[%add3A_240, %dma_start3A_241, %dma_start3A_242] : memref<1024x64x128xf32, #tpu.memory_space<vmem>> -> memref<1x64x128xf32, #tpu.memory_space<vmem>>
      %dma_start3A_244 = tpu.memref_squeeze %dma_start3A_243 : memref<1x64x128xf32, #tpu.memory_space<vmem>> -> memref<64x128xf32, #tpu.memory_space<vmem>>
      %dma_start3A_245 = arith.constant 0 : i32
      %dma_start3A_246 = tpu.memref_slice %arg2[%dma_start3A_245, %multiple_of3A_236] : memref<64x1000001xf32, #tpu.memory_space<any>> -> memref<64x128xf32, #tpu.memory_space<any>>
      tpu.enqueue_dma source(%dma_start3A_246 : memref<64x128xf32, #tpu.memory_space<any>>) target(%dma_start3A_244 : memref<64x128xf32, #tpu.memory_space<vmem>>) target_semaphore(%arg5 : memref<!tpu.dma_semaphore, #tpu.memory_space<semaphore_mem>>)
      %mul3A_247 = arith.constant 4 : i32
      %mul3A_248 = arith.muli %mul3A_247, %scan3A_165 : i32
      %add3A_249 = arith.constant 2 : i32
      %add3A_250 = arith.addi %mul3A_248, %add3A_249 : i32
      %get3A_251 = arith.index_cast %add3A_250 : i32 to index
      %get3A_252 = memref.load %arg0[%get3A_251] : memref<1024xi32, #tpu.memory_space<smem>>
      %jit3A_253 = arith.constant 128 : i32
      %div3A_254 = arith.divsi %get3A_252, %jit3A_253 : i32
      %sign3A_255 = arith.constant 0 : i32
      %sign3A_256 = arith.cmpi sgt, %get3A_252, %sign3A_255 : i32
      %sign3A_257 = arith.extui %sign3A_256 : i1 to i32
      %sign3A_258 = arith.constant 0 : i32
      %sign3A_259 = arith.cmpi slt, %get3A_252, %sign3A_258 : i32
      %sign3A_260 = arith.extui %sign3A_259 : i1 to i32
      %sign3A_261 = arith.subi %sign3A_257, %sign3A_260 : i32
      %sign3A_262 = arith.constant 0 : i32
      %sign3A_263 = arith.cmpi sgt, %jit3A_253, %sign3A_262 : i32
      %sign3A_264 = arith.extui %sign3A_263 : i1 to i32
      %sign3A_265 = arith.constant 0 : i32
      %sign3A_266 = arith.cmpi slt, %jit3A_253, %sign3A_265 : i32
      %sign3A_267 = arith.extui %sign3A_266 : i1 to i32
      %sign3A_268 = arith.subi %sign3A_264, %sign3A_267 : i32
      %ne3A_269 = arith.cmpi ne, %sign3A_261, %sign3A_268 : i32
      %rem3A_270 = arith.remsi %get3A_252, %jit3A_253 : i32
      %ne3A_271 = arith.constant 0 : i32
      %ne3A_272 = arith.cmpi ne, %rem3A_270, %ne3A_271 : i32
      %and3A_273 = arith.andi %ne3A_269, %ne3A_272 : i1
      %sub3A_274 = arith.constant 1 : i32
      %sub3A_275 = arith.subi %div3A_254, %sub3A_274 : i32
      %select_n3A_276 = arith.select %and3A_273, %sub3A_275, %div3A_254 : i32
      %mul3A_277 = arith.constant 128 : i32
      %mul3A_278 = arith.muli %select_n3A_276, %mul3A_277 : i32
      %multiple_of3A_279 = tpu.assume_multiple %mul3A_278, 128 : i32
      %mul3A_280 = arith.constant 4 : i32
      %mul3A_281 = arith.muli %mul3A_280, %scan3A_165 : i32
      %add3A_282 = arith.constant 2 : i32
      %add3A_283 = arith.addi %mul3A_281, %add3A_282 : i32
      %dma_start3A_284 = arith.constant 0 : i32
      %dma_start3A_285 = arith.constant 0 : i32
      %dma_start3A_286 = tpu.memref_slice %arg4[%add3A_283, %dma_start3A_284, %dma_start3A_285] : memref<1024x64x128xf32, #tpu.memory_space<vmem>> -> memref<1x64x128xf32, #tpu.memory_space<vmem>>
      %dma_start3A_287 = tpu.memref_squeeze %dma_start3A_286 : memref<1x64x128xf32, #tpu.memory_space<vmem>> -> memref<64x128xf32, #tpu.memory_space<vmem>>
      %dma_start3A_288 = arith.constant 0 : i32
      %dma_start3A_289 = tpu.memref_slice %arg2[%dma_start3A_288, %multiple_of3A_279] : memref<64x1000001xf32, #tpu.memory_space<any>> -> memref<64x128xf32, #tpu.memory_space<any>>
      tpu.enqueue_dma source(%dma_start3A_289 : memref<64x128xf32, #tpu.memory_space<any>>) target(%dma_start3A_287 : memref<64x128xf32, #tpu.memory_space<vmem>>) target_semaphore(%arg5 : memref<!tpu.dma_semaphore, #tpu.memory_space<semaphore_mem>>)
      %mul3A_290 = arith.constant 4 : i32
      %mul3A_291 = arith.muli %mul3A_290, %scan3A_165 : i32
      %add3A_292 = arith.constant 3 : i32
      %add3A_293 = arith.addi %mul3A_291, %add3A_292 : i32
      %get3A_294 = arith.index_cast %add3A_293 : i32 to index
      %get3A_295 = memref.load %arg0[%get3A_294] : memref<1024xi32, #tpu.memory_space<smem>>
      %jit3A_296 = arith.constant 128 : i32
      %div3A_297 = arith.divsi %get3A_295, %jit3A_296 : i32
      %sign3A_298 = arith.constant 0 : i32
      %sign3A_299 = arith.cmpi sgt, %get3A_295, %sign3A_298 : i32
      %sign3A_300 = arith.extui %sign3A_299 : i1 to i32
      %sign3A_301 = arith.constant 0 : i32
      %sign3A_302 = arith.cmpi slt, %get3A_295, %sign3A_301 : i32
      %sign3A_303 = arith.extui %sign3A_302 : i1 to i32
      %sign3A_304 = arith.subi %sign3A_300, %sign3A_303 : i32
      %sign3A_305 = arith.constant 0 : i32
      %sign3A_306 = arith.cmpi sgt, %jit3A_296, %sign3A_305 : i32
      %sign3A_307 = arith.extui %sign3A_306 : i1 to i32
      %sign3A_308 = arith.constant 0 : i32
      %sign3A_309 = arith.cmpi slt, %jit3A_296, %sign3A_308 : i32
      %sign3A_310 = arith.extui %sign3A_309 : i1 to i32
      %sign3A_311 = arith.subi %sign3A_307, %sign3A_310 : i32
      %ne3A_312 = arith.cmpi ne, %sign3A_304, %sign3A_311 : i32
      %rem3A_313 = arith.remsi %get3A_295, %jit3A_296 : i32
      %ne3A_314 = arith.constant 0 : i32
      %ne3A_315 = arith.cmpi ne, %rem3A_313, %ne3A_314 : i32
      %and3A_316 = arith.andi %ne3A_312, %ne3A_315 : i1
      %sub3A_317 = arith.constant 1 : i32
      %sub3A_318 = arith.subi %div3A_297, %sub3A_317 : i32
      %select_n3A_319 = arith.select %and3A_316, %sub3A_318, %div3A_297 : i32
      %mul3A_320 = arith.constant 128 : i32
      %mul3A_321 = arith.muli %select_n3A_319, %mul3A_320 : i32
      %multiple_of3A_322 = tpu.assume_multiple %mul3A_321, 128 : i32
      %mul3A_323 = arith.constant 4 : i32
      %mul3A_324 = arith.muli %mul3A_323, %scan3A_165 : i32
      %add3A_325 = arith.constant 3 : i32
      %add3A_326 = arith.addi %mul3A_324, %add3A_325 : i32
      %dma_start3A_327 = arith.constant 0 : i32
      %dma_start3A_328 = arith.constant 0 : i32
      %dma_start3A_329 = tpu.memref_slice %arg4[%add3A_326, %dma_start3A_327, %dma_start3A_328] : memref<1024x64x128xf32, #tpu.memory_space<vmem>> -> memref<1x64x128xf32, #tpu.memory_space<vmem>>
      %dma_start3A_330 = tpu.memref_squeeze %dma_start3A_329 : memref<1x64x128xf32, #tpu.memory_space<vmem>> -> memref<64x128xf32, #tpu.memory_space<vmem>>
      %dma_start3A_331 = arith.constant 0 : i32
      %dma_start3A_332 = tpu.memref_slice %arg2[%dma_start3A_331, %multiple_of3A_322] : memref<64x1000001xf32, #tpu.memory_space<any>> -> memref<64x128xf32, #tpu.memory_space<any>>
      tpu.enqueue_dma source(%dma_start3A_332 : memref<64x128xf32, #tpu.memory_space<any>>) target(%dma_start3A_330 : memref<64x128xf32, #tpu.memory_space<vmem>>) target_semaphore(%arg5 : memref<!tpu.dma_semaphore, #tpu.memory_space<semaphore_mem>>)
    }
    %scan3A_3 = arith.constant 256 : i32
    tpu.wait_dma2 semaphore(%arg5 : memref<!tpu.dma_semaphore, #tpu.memory_space<semaphore_mem>>) src(%arg4 : memref<1024x64x128xf32, #tpu.memory_space<vmem>>) dst(%arg4 : memref<1024x64x128xf32, #tpu.memory_space<vmem>>)
    %get3A = arith.constant 0 : index
    %get3A_4 = vector.load %arg1[%get3A] : memref<1024xi32, #tpu.memory_space<vmem>>, vector<1024xi32>
    %jit3A = arith.constant 128 : i32
    %eq3A = arith.constant 0 : i32
    %eq3A_5 = arith.cmpi eq, %jit3A, %eq3A : i32
    %jit3A_6 = arith.constant 1 : i32
    %select_n3A = arith.select %eq3A_5, %jit3A_6, %jit3A : i32
    %rem3A = vector.broadcast %select_n3A : i32 to vector<1024xi32>
    %rem3A_7 = arith.remsi %get3A_4, %rem3A : vector<1024xi32>
    %ne3A = arith.constant 0 : i32
    %ne3A_8 = vector.broadcast %ne3A : i32 to vector<1024xi32>
    %ne3A_9 = arith.cmpi ne, %rem3A_7, %ne3A_8 : vector<1024xi32>
    %lt3A = arith.constant 0 : i32
    %lt3A_10 = vector.broadcast %lt3A : i32 to vector<1024xi32>
    %lt3A_11 = arith.cmpi slt, %rem3A_7, %lt3A_10 : vector<1024xi32>
    %lt3A_12 = arith.constant 0 : i32
    %lt3A_13 = arith.cmpi slt, %select_n3A, %lt3A_12 : i32
    %ne3A_14 = vector.broadcast %lt3A_13 : i1 to vector<1024xi1>
    %ne3A_15 = vector.broadcast %ne3A_14 : vector<1024xi1> to vector<1024xi1>
    %ne3A_16 = arith.xori %lt3A_11, %ne3A_15 : vector<1024xi1>
    %and3A = arith.andi %ne3A_16, %ne3A_9 : vector<1024xi1>
    %add3A = vector.broadcast %select_n3A : i32 to vector<1024xi32>
    %add3A_17 = arith.addi %rem3A_7, %add3A : vector<1024xi32>
    %select_n3A_18 = arith.select %and3A, %add3A_17, %rem3A_7 : vector<1024xi1>, vector<1024xi32>
    %iota3A = tpu.iota {dimensions = array<i32: 1>} : vector<1x128xi32>
    %slice3A = vector.extract_strided_slice %select_n3A_18 {offsets = [0], sizes = [128], strides = [1]} : vector<1024xi32> to vector<128xi32>
    %broadcast_in_dim3A = vector.shape_cast %slice3A : vector<128xi32> to vector<128x1xi32>
    %eq3A_19 = vector.broadcast %broadcast_in_dim3A : vector<128x1xi32> to vector<128x128xi32>
    %eq3A_20 = vector.broadcast %iota3A : vector<1x128xi32> to vector<128x128xi32>
    %eq3A_21 = arith.cmpi eq, %eq3A_19, %eq3A_20 : vector<128x128xi32>
    %convert_element_type3A = arith.extui %eq3A_21 : vector<128x128xi1> to vector<128x128xi32>
    %convert_element_type3A_22 = arith.sitofp %convert_element_type3A : vector<128x128xi32> to vector<128x128xf32>
    %get3A_23 = arith.constant 0 : index
    %get3A_24 = arith.constant 0 : index
    %get3A_25 = arith.constant 0 : index
    %get3A_26 = vector.load %arg4[%get3A_23, %get3A_24, %get3A_25] : memref<1024x64x128xf32, #tpu.memory_space<vmem>>, vector<128x64x128xf32>
    %broadcast_in_dim3A_27 = vector.shape_cast %convert_element_type3A_22 : vector<128x128xf32> to vector<128x1x128xf32>
    %mul3A = vector.broadcast %broadcast_in_dim3A_27 : vector<128x1x128xf32> to vector<128x64x128xf32>
    %mul3A_28 = arith.mulf %get3A_26, %mul3A : vector<128x64x128xf32>
    %reduce_sum3A = arith.constant dense<0.000000e+00> : vector<128x64xf32>
    %reduce_sum3A_29 = vector.multi_reduction <add>, %mul3A_28, %reduce_sum3A [2] : vector<128x64x128xf32> to vector<128x64xf32>
    %swap3A = arith.constant 0 : index
    %swap3A_30 = arith.constant 0 : index
    %swap3A_31 = vector.load %arg3[%swap3A, %swap3A_30] : memref<1024x64xf32, #tpu.memory_space<vmem>>, vector<128x64xf32>
    tpu.vector_store %arg3[%swap3A, %swap3A_30], %reduce_sum3A_29 {strides = array<i32>} : memref<1024x64xf32, #tpu.memory_space<vmem>>, vector<128x64xf32>,
    %slice3A_32 = vector.extract_strided_slice %select_n3A_18 {offsets = [128], sizes = [128], strides = [1]} : vector<1024xi32> to vector<128xi32>
    %broadcast_in_dim3A_33 = vector.shape_cast %slice3A_32 : vector<128xi32> to vector<128x1xi32>
    %eq3A_34 = vector.broadcast %broadcast_in_dim3A_33 : vector<128x1xi32> to vector<128x128xi32>
    %eq3A_35 = vector.broadcast %iota3A : vector<1x128xi32> to vector<128x128xi32>
    %eq3A_36 = arith.cmpi eq, %eq3A_34, %eq3A_35 : vector<128x128xi32>
    %convert_element_type3A_37 = arith.extui %eq3A_36 : vector<128x128xi1> to vector<128x128xi32>
    %convert_element_type3A_38 = arith.sitofp %convert_element_type3A_37 : vector<128x128xi32> to vector<128x128xf32>
    %get3A_39 = arith.constant 128 : index
    %get3A_40 = arith.constant 0 : index
    %get3A_41 = arith.constant 0 : index
    %get3A_42 = vector.load %arg4[%get3A_39, %get3A_40, %get3A_41] : memref<1024x64x128xf32, #tpu.memory_space<vmem>>, vector<128x64x128xf32>
    %broadcast_in_dim3A_43 = vector.shape_cast %convert_element_type3A_38 : vector<128x128xf32> to vector<128x1x128xf32>
    %mul3A_44 = vector.broadcast %broadcast_in_dim3A_43 : vector<128x1x128xf32> to vector<128x64x128xf32>
    %mul3A_45 = arith.mulf %get3A_42, %mul3A_44 : vector<128x64x128xf32>
    %reduce_sum3A_46 = arith.constant dense<0.000000e+00> : vector<128x64xf32>
    %reduce_sum3A_47 = vector.multi_reduction <add>, %mul3A_45, %reduce_sum3A_46 [2] : vector<128x64x128xf32> to vector<128x64xf32>
    %swap3A_48 = arith.constant 128 : index
    %swap3A_49 = arith.constant 0 : index
    %swap3A_50 = vector.load %arg3[%swap3A_48, %swap3A_49] : memref<1024x64xf32, #tpu.memory_space<vmem>>, vector<128x64xf32>
    tpu.vector_store %arg3[%swap3A_48, %swap3A_49], %reduce_sum3A_47 {strides = array<i32>} : memref<1024x64xf32, #tpu.memory_space<vmem>>, vector<128x64xf32>,
    %slice3A_51 = vector.extract_strided_slice %select_n3A_18 {offsets = [256], sizes = [128], strides = [1]} : vector<1024xi32> to vector<128xi32>
    %broadcast_in_dim3A_52 = vector.shape_cast %slice3A_51 : vector<128xi32> to vector<128x1xi32>
    %eq3A_53 = vector.broadcast %broadcast_in_dim3A_52 : vector<128x1xi32> to vector<128x128xi32>
    %eq3A_54 = vector.broadcast %iota3A : vector<1x128xi32> to vector<128x128xi32>
    %eq3A_55 = arith.cmpi eq, %eq3A_53, %eq3A_54 : vector<128x128xi32>
    %convert_element_type3A_56 = arith.extui %eq3A_55 : vector<128x128xi1> to vector<128x128xi32>
    %convert_element_type3A_57 = arith.sitofp %convert_element_type3A_56 : vector<128x128xi32> to vector<128x128xf32>
    %get3A_58 = arith.constant 256 : index
    %get3A_59 = arith.constant 0 : index
    %get3A_60 = arith.constant 0 : index
    %get3A_61 = vector.load %arg4[%get3A_58, %get3A_59, %get3A_60] : memref<1024x64x128xf32, #tpu.memory_space<vmem>>, vector<128x64x128xf32>
    %broadcast_in_dim3A_62 = vector.shape_cast %convert_element_type3A_57 : vector<128x128xf32> to vector<128x1x128xf32>
    %mul3A_63 = vector.broadcast %broadcast_in_dim3A_62 : vector<128x1x128xf32> to vector<128x64x128xf32>
    %mul3A_64 = arith.mulf %get3A_61, %mul3A_63 : vector<128x64x128xf32>
    %reduce_sum3A_65 = arith.constant dense<0.000000e+00> : vector<128x64xf32>
    %reduce_sum3A_66 = vector.multi_reduction <add>, %mul3A_64, %reduce_sum3A_65 [2] : vector<128x64x128xf32> to vector<128x64xf32>
    %swap3A_67 = arith.constant 256 : index
    %swap3A_68 = arith.constant 0 : index
    %swap3A_69 = vector.load %arg3[%swap3A_67, %swap3A_68] : memref<1024x64xf32, #tpu.memory_space<vmem>>, vector<128x64xf32>
    tpu.vector_store %arg3[%swap3A_67, %swap3A_68], %reduce_sum3A_66 {strides = array<i32>} : memref<1024x64xf32, #tpu.memory_space<vmem>>, vector<128x64xf32>,
    %slice3A_70 = vector.extract_strided_slice %select_n3A_18 {offsets = [384], sizes = [128], strides = [1]} : vector<1024xi32> to vector<128xi32>
    %broadcast_in_dim3A_71 = vector.shape_cast %slice3A_70 : vector<128xi32> to vector<128x1xi32>
    %eq3A_72 = vector.broadcast %broadcast_in_dim3A_71 : vector<128x1xi32> to vector<128x128xi32>
    %eq3A_73 = vector.broadcast %iota3A : vector<1x128xi32> to vector<128x128xi32>
    %eq3A_74 = arith.cmpi eq, %eq3A_72, %eq3A_73 : vector<128x128xi32>
    %convert_element_type3A_75 = arith.extui %eq3A_74 : vector<128x128xi1> to vector<128x128xi32>
    %convert_element_type3A_76 = arith.sitofp %convert_element_type3A_75 : vector<128x128xi32> to vector<128x128xf32>
    %get3A_77 = arith.constant 384 : index
    %get3A_78 = arith.constant 0 : index
    %get3A_79 = arith.constant 0 : index
    %get3A_80 = vector.load %arg4[%get3A_77, %get3A_78, %get3A_79] : memref<1024x64x128xf32, #tpu.memory_space<vmem>>, vector<128x64x128xf32>
    %broadcast_in_dim3A_81 = vector.shape_cast %convert_element_type3A_76 : vector<128x128xf32> to vector<128x1x128xf32>
    %mul3A_82 = vector.broadcast %broadcast_in_dim3A_81 : vector<128x1x128xf32> to vector<128x64x128xf32>
    %mul3A_83 = arith.mulf %get3A_80, %mul3A_82 : vector<128x64x128xf32>
    %reduce_sum3A_84 = arith.constant dense<0.000000e+00> : vector<128x64xf32>
    %reduce_sum3A_85 = vector.multi_reduction <add>, %mul3A_83, %reduce_sum3A_84 [2] : vector<128x64x128xf32> to vector<128x64xf32>
    %swap3A_86 = arith.constant 384 : index
    %swap3A_87 = arith.constant 0 : index
    %swap3A_88 = vector.load %arg3[%swap3A_86, %swap3A_87] : memref<1024x64xf32, #tpu.memory_space<vmem>>, vector<128x64xf32>
    tpu.vector_store %arg3[%swap3A_86, %swap3A_87], %reduce_sum3A_85 {strides = array<i32>} : memref<1024x64xf32, #tpu.memory_space<vmem>>, vector<128x64xf32>,
    %slice3A_89 = vector.extract_strided_slice %select_n3A_18 {offsets = [512], sizes = [128], strides = [1]} : vector<1024xi32> to vector<128xi32>
    %broadcast_in_dim3A_90 = vector.shape_cast %slice3A_89 : vector<128xi32> to vector<128x1xi32>
    %eq3A_91 = vector.broadcast %broadcast_in_dim3A_90 : vector<128x1xi32> to vector<128x128xi32>
    %eq3A_92 = vector.broadcast %iota3A : vector<1x128xi32> to vector<128x128xi32>
    %eq3A_93 = arith.cmpi eq, %eq3A_91, %eq3A_92 : vector<128x128xi32>
    %convert_element_type3A_94 = arith.extui %eq3A_93 : vector<128x128xi1> to vector<128x128xi32>
    %convert_element_type3A_95 = arith.sitofp %convert_element_type3A_94 : vector<128x128xi32> to vector<128x128xf32>
    %get3A_96 = arith.constant 512 : index
    %get3A_97 = arith.constant 0 : index
    %get3A_98 = arith.constant 0 : index
    %get3A_99 = vector.load %arg4[%get3A_96, %get3A_97, %get3A_98] : memref<1024x64x128xf32, #tpu.memory_space<vmem>>, vector<128x64x128xf32>
    %broadcast_in_dim3A_100 = vector.shape_cast %convert_element_type3A_95 : vector<128x128xf32> to vector<128x1x128xf32>
    %mul3A_101 = vector.broadcast %broadcast_in_dim3A_100 : vector<128x1x128xf32> to vector<128x64x128xf32>
    %mul3A_102 = arith.mulf %get3A_99, %mul3A_101 : vector<128x64x128xf32>
    %reduce_sum3A_103 = arith.constant dense<0.000000e+00> : vector<128x64xf32>
    %reduce_sum3A_104 = vector.multi_reduction <add>, %mul3A_102, %reduce_sum3A_103 [2] : vector<128x64x128xf32> to vector<128x64xf32>
    %swap3A_105 = arith.constant 512 : index
    %swap3A_106 = arith.constant 0 : index
    %swap3A_107 = vector.load %arg3[%swap3A_105, %swap3A_106] : memref<1024x64xf32, #tpu.memory_space<vmem>>, vector<128x64xf32>
    tpu.vector_store %arg3[%swap3A_105, %swap3A_106], %reduce_sum3A_104 {strides = array<i32>} : memref<1024x64xf32, #tpu.memory_space<vmem>>, vector<128x64xf32>,
    %slice3A_108 = vector.extract_strided_slice %select_n3A_18 {offsets = [640], sizes = [128], strides = [1]} : vector<1024xi32> to vector<128xi32>
    %broadcast_in_dim3A_109 = vector.shape_cast %slice3A_108 : vector<128xi32> to vector<128x1xi32>
    %eq3A_110 = vector.broadcast %broadcast_in_dim3A_109 : vector<128x1xi32> to vector<128x128xi32>
    %eq3A_111 = vector.broadcast %iota3A : vector<1x128xi32> to vector<128x128xi32>
    %eq3A_112 = arith.cmpi eq, %eq3A_110, %eq3A_111 : vector<128x128xi32>
    %convert_element_type3A_113 = arith.extui %eq3A_112 : vector<128x128xi1> to vector<128x128xi32>
    %convert_element_type3A_114 = arith.sitofp %convert_element_type3A_113 : vector<128x128xi32> to vector<128x128xf32>
    %get3A_115 = arith.constant 640 : index
    %get3A_116 = arith.constant 0 : index
    %get3A_117 = arith.constant 0 : index
    %get3A_118 = vector.load %arg4[%get3A_115, %get3A_116, %get3A_117] : memref<1024x64x128xf32, #tpu.memory_space<vmem>>, vector<128x64x128xf32>
    %broadcast_in_dim3A_119 = vector.shape_cast %convert_element_type3A_114 : vector<128x128xf32> to vector<128x1x128xf32>
    %mul3A_120 = vector.broadcast %broadcast_in_dim3A_119 : vector<128x1x128xf32> to vector<128x64x128xf32>
    %mul3A_121 = arith.mulf %get3A_118, %mul3A_120 : vector<128x64x128xf32>
    %reduce_sum3A_122 = arith.constant dense<0.000000e+00> : vector<128x64xf32>
    %reduce_sum3A_123 = vector.multi_reduction <add>, %mul3A_121, %reduce_sum3A_122 [2] : vector<128x64x128xf32> to vector<128x64xf32>
    %swap3A_124 = arith.constant 640 : index
    %swap3A_125 = arith.constant 0 : index
    %swap3A_126 = vector.load %arg3[%swap3A_124, %swap3A_125] : memref<1024x64xf32, #tpu.memory_space<vmem>>, vector<128x64xf32>
    tpu.vector_store %arg3[%swap3A_124, %swap3A_125], %reduce_sum3A_123 {strides = array<i32>} : memref<1024x64xf32, #tpu.memory_space<vmem>>, vector<128x64xf32>,
    %slice3A_127 = vector.extract_strided_slice %select_n3A_18 {offsets = [768], sizes = [128], strides = [1]} : vector<1024xi32> to vector<128xi32>
    %broadcast_in_dim3A_128 = vector.shape_cast %slice3A_127 : vector<128xi32> to vector<128x1xi32>
    %eq3A_129 = vector.broadcast %broadcast_in_dim3A_128 : vector<128x1xi32> to vector<128x128xi32>
    %eq3A_130 = vector.broadcast %iota3A : vector<1x128xi32> to vector<128x128xi32>
    %eq3A_131 = arith.cmpi eq, %eq3A_129, %eq3A_130 : vector<128x128xi32>
    %convert_element_type3A_132 = arith.extui %eq3A_131 : vector<128x128xi1> to vector<128x128xi32>
    %convert_element_type3A_133 = arith.sitofp %convert_element_type3A_132 : vector<128x128xi32> to vector<128x128xf32>
    %get3A_134 = arith.constant 768 : index
    %get3A_135 = arith.constant 0 : index
    %get3A_136 = arith.constant 0 : index
    %get3A_137 = vector.load %arg4[%get3A_134, %get3A_135, %get3A_136] : memref<1024x64x128xf32, #tpu.memory_space<vmem>>, vector<128x64x128xf32>
    %broadcast_in_dim3A_138 = vector.shape_cast %convert_element_type3A_133 : vector<128x128xf32> to vector<128x1x128xf32>
    %mul3A_139 = vector.broadcast %broadcast_in_dim3A_138 : vector<128x1x128xf32> to vector<128x64x128xf32>
    %mul3A_140 = arith.mulf %get3A_137, %mul3A_139 : vector<128x64x128xf32>
    %reduce_sum3A_141 = arith.constant dense<0.000000e+00> : vector<128x64xf32>
    %reduce_sum3A_142 = vector.multi_reduction <add>, %mul3A_140, %reduce_sum3A_141 [2] : vector<128x64x128xf32> to vector<128x64xf32>
    %swap3A_143 = arith.constant 768 : index
    %swap3A_144 = arith.constant 0 : index
    %swap3A_145 = vector.load %arg3[%swap3A_143, %swap3A_144] : memref<1024x64xf32, #tpu.memory_space<vmem>>, vector<128x64xf32>
    tpu.vector_store %arg3[%swap3A_143, %swap3A_144], %reduce_sum3A_142 {strides = array<i32>} : memref<1024x64xf32, #tpu.memory_space<vmem>>, vector<128x64xf32>,
    %slice3A_146 = vector.extract_strided_slice %select_n3A_18 {offsets = [896], sizes = [128], strides = [1]} : vector<1024xi32> to vector<128xi32>
    %broadcast_in_dim3A_147 = vector.shape_cast %slice3A_146 : vector<128xi32> to vector<128x1xi32>
    %eq3A_148 = vector.broadcast %broadcast_in_dim3A_147 : vector<128x1xi32> to vector<128x128xi32>
    %eq3A_149 = vector.broadcast %iota3A : vector<1x128xi32> to vector<128x128xi32>
    %eq3A_150 = arith.cmpi eq, %eq3A_148, %eq3A_149 : vector<128x128xi32>
    %convert_element_type3A_151 = arith.extui %eq3A_150 : vector<128x128xi1> to vector<128x128xi32>
    %convert_element_type3A_152 = arith.sitofp %convert_element_type3A_151 : vector<128x128xi32> to vector<128x128xf32>
    %get3A_153 = arith.constant 896 : index
    %get3A_154 = arith.constant 0 : index
    %get3A_155 = arith.constant 0 : index
    %get3A_156 = vector.load %arg4[%get3A_153, %get3A_154, %get3A_155] : memref<1024x64x128xf32, #tpu.memory_space<vmem>>, vector<128x64x128xf32>
    %broadcast_in_dim3A_157 = vector.shape_cast %convert_element_type3A_152 : vector<128x128xf32> to vector<128x1x128xf32>
    %mul3A_158 = vector.broadcast %broadcast_in_dim3A_157 : vector<128x1x128xf32> to vector<128x64x128xf32>
    %mul3A_159 = arith.mulf %get3A_156, %mul3A_158 : vector<128x64x128xf32>
    %reduce_sum3A_160 = arith.constant dense<0.000000e+00> : vector<128x64xf32>
    %reduce_sum3A_161 = vector.multi_reduction <add>, %mul3A_159, %reduce_sum3A_160 [2] : vector<128x64x128xf32> to vector<128x64xf32>
    %swap3A_162 = arith.constant 896 : index
    %swap3A_163 = arith.constant 0 : index
    %swap3A_164 = vector.load %arg3[%swap3A_162, %swap3A_163] : memref<1024x64xf32, #tpu.memory_space<vmem>>, vector<128x64xf32>
    tpu.vector_store %arg3[%swap3A_162, %swap3A_163], %reduce_sum3A_161 {strides = array<i32>} : memref<1024x64xf32, #tpu.memory_space<vmem>>, vector<128x64xf32>,
    return
  }
}

module attributes {stable_mosaic.version = 14 : i64} {
  func.func @_mm_body(%arg0: i32, %arg1: memref<1024x64xf32, #tpu.memory_space<vmem>>, %arg2: memref<2x1024x128xf32, #tpu.memory_space<vmem>>, %arg3: memref<3x2048x128xf32, #tpu.memory_space<vmem>>, %arg4: memref<2x1024xi32, #tpu.memory_space<vmem>>, %arg5: memref<3x2048xi32, #tpu.memory_space<vmem>>, %arg6: memref<12x1024xi32, #tpu.memory_space<vmem>>, %arg7: memref<12x2048xi32, #tpu.memory_space<vmem>>, %arg8: memref<5x64xf32, #tpu.memory_space<vmem>>, %arg9: memref<5x64xf32, #tpu.memory_space<vmem>>, %arg10: memref<113x64xf32, #tpu.memory_space<vmem>>, %arg11: memref<1002x64xf32, #tpu.memory_space<vmem>>, %arg12: memref<3x64xf32, #tpu.memory_space<vmem>>, %arg13: memref<5x64xf32, #tpu.memory_space<vmem>>, %arg14: memref<32x64xf32, #tpu.memory_space<vmem>>, %arg15: memref<13x64xf32, #tpu.memory_space<vmem>>, %arg16: memref<11x64xf32, #tpu.memory_space<vmem>>, %arg17: memref<33x64xf32, #tpu.memory_space<vmem>>, %arg18: memref<65x64xf32, #tpu.memory_space<vmem>>, %arg19: memref<257x64xf32, #tpu.memory_space<vmem>>, %arg20: memref<2048x1024xf32, #tpu.memory_space<vmem>>, %arg21: memref<1024x960xbf16, #tpu.memory_space<vmem>>, %arg22: memref<2048x960xbf16, #tpu.memory_space<vmem>>) attributes {dimension_semantics = [#tpu.dimension_semantics<arbitrary>], iteration_bounds = array<i64: 5>, scalar_prefetch = 0 : i64, scratch_operands = 2 : i64, tpu.core_type = #tpu.core_type<tc>, window_params = [{pipeline_mode = #tpu.pipeline_mode<synchronous>, transform_indices = @transform_0, window_bounds = array<i64: 1024, 64>}, {pipeline_mode = #tpu.pipeline_mode<synchronous>, transform_indices = @transform_1, window_bounds = array<i64: 2, 1024, 128>}, {transform_indices = @transform_2, window_bounds = array<i64: 3, 2048, 128>}, {pipeline_mode = #tpu.pipeline_mode<synchronous>, transform_indices = @transform_3, window_bounds = array<i64: 2, 1024>}, {transform_indices = @transform_4, window_bounds = array<i64: 3, 2048>}, {pipeline_mode = #tpu.pipeline_mode<synchronous>, transform_indices = @transform_5, window_bounds = array<i64: 12, 1024>}, {transform_indices = @transform_6, window_bounds = array<i64: 12, 2048>}, {pipeline_mode = #tpu.pipeline_mode<synchronous>, transform_indices = @transform_7, window_bounds = array<i64: 5, 64>}, {pipeline_mode = #tpu.pipeline_mode<synchronous>, transform_indices = @transform_8, window_bounds = array<i64: 5, 64>}, {pipeline_mode = #tpu.pipeline_mode<synchronous>, transform_indices = @transform_9, window_bounds = array<i64: 113, 64>}, {pipeline_mode = #tpu.pipeline_mode<synchronous>, transform_indices = @transform_10, window_bounds = array<i64: 1002, 64>}, {pipeline_mode = #tpu.pipeline_mode<synchronous>, transform_indices = @transform_11, window_bounds = array<i64: 3, 64>}, {pipeline_mode = #tpu.pipeline_mode<synchronous>, transform_indices = @transform_12, window_bounds = array<i64: 5, 64>}, {pipeline_mode = #tpu.pipeline_mode<synchronous>, transform_indices = @transform_13, window_bounds = array<i64: 32, 64>}, {pipeline_mode = #tpu.pipeline_mode<synchronous>, transform_indices = @transform_14, window_bounds = array<i64: 13, 64>}, {pipeline_mode = #tpu.pipeline_mode<synchronous>, transform_indices = @transform_15, window_bounds = array<i64: 11, 64>}, {pipeline_mode = #tpu.pipeline_mode<synchronous>, transform_indices = @transform_16, window_bounds = array<i64: 33, 64>}, {pipeline_mode = #tpu.pipeline_mode<synchronous>, transform_indices = @transform_17, window_bounds = array<i64: 65, 64>}, {pipeline_mode = #tpu.pipeline_mode<synchronous>, transform_indices = @transform_18, window_bounds = array<i64: 257, 64>}, {transform_indices = @transform_19, window_bounds = array<i64: 2048, 1024>}]} {
    %eq3A = arith.constant 0 : i32
    %eq3A_0 = arith.cmpi eq, %arg0, %eq3A : i32
    %convert_element_type3A = arith.extui %eq3A_0 : i1 to i32
    %cond3A = arith.constant 0 : i32
    %cond3A_1 = arith.cmpi ne, %convert_element_type3A, %cond3A : i32
    scf.if %cond3A_1 {
      %get3A_334 = arith.constant 0 : index
      %get3A_335 = arith.constant 0 : index
      %get3A_336 = vector.load %arg1[%get3A_334, %get3A_335] : memref<1024x64xf32, #tpu.memory_space<vmem>>, vector<1024x64xf32>
      %convert_element_type3A_337 = arith.truncf %get3A_336 : vector<1024x64xf32> to vector<1024x64xbf16>
      %swap3A_338 = arith.constant 0 : index
      %swap3A_339 = arith.constant 0 : index
      %swap3A_340 = vector.load %arg21[%swap3A_338, %swap3A_339] : memref<1024x960xbf16, #tpu.memory_space<vmem>>, vector<1024x64xbf16>
      tpu.vector_store %arg21[%swap3A_338, %swap3A_339], %convert_element_type3A_337 {strides = array<i32>} : memref<1024x960xbf16, #tpu.memory_space<vmem>>, vector<1024x64xbf16>,
      %get3A_341 = arith.constant 0 : index
      %get3A_342 = arith.constant 0 : index
      %get3A_343 = arith.constant 0 : index
      %get3A_344 = vector.load %arg2[%get3A_341, %get3A_342, %get3A_343] : memref<2x1024x128xf32, #tpu.memory_space<vmem>>, vector<1x1024x128xf32>
      %get3A_345 = vector.shape_cast %get3A_344 : vector<1x1024x128xf32> to vector<1024x128xf32>
      %get3A_346 = arith.constant 0 : index
      %get3A_347 = arith.constant 0 : index
      %get3A_348 = vector.load %arg4[%get3A_346, %get3A_347] : memref<2x1024xi32, #tpu.memory_space<vmem>>, vector<1x1024xi32>
      %get3A_349 = vector.shape_cast %get3A_348 : vector<1x1024xi32> to vector<1024xi32>
      %iota3A_350 = tpu.iota {dimensions = array<i32: 1>} : vector<1024x64xi32>
      %mul3A_351 = arith.constant 0 : i32
      %mul3A_352 = vector.broadcast %mul3A_351 : i32 to vector<1024x64xi32>
      %mul3A_353 = arith.muli %iota3A_350, %mul3A_352 : vector<1024x64xi32>
      %add3A_354 = arith.constant 1 : i32
      %add3A_355 = vector.broadcast %add3A_354 : i32 to vector<1024x64xi32>
      %add3A_356 = arith.addi %mul3A_353, %add3A_355 : vector<1024x64xi32>
      %broadcast_in_dim3A_357 = vector.shape_cast %get3A_349 : vector<1024xi32> to vector<1024x1xi32>
      %eq3A_358 = vector.broadcast %broadcast_in_dim3A_357 : vector<1024x1xi32> to vector<1024x64xi32>
      %eq3A_359 = arith.cmpi eq, %eq3A_358, %add3A_356 : vector<1024x64xi32>
      %slice3A_360 = vector.extract_strided_slice %get3A_345 {offsets = [0, 64], sizes = [1024, 64], strides = [1, 1]} : vector<1024x128xf32> to vector<1024x64xf32>
      %slice3A_361 = vector.extract_strided_slice %get3A_345 {offsets = [0, 0], sizes = [1024, 64], strides = [1, 1]} : vector<1024x128xf32> to vector<1024x64xf32>
      %select_n3A_362 = arith.select %eq3A_359, %slice3A_360, %slice3A_361 : vector<1024x64xi1>, vector<1024x64xf32>
      %convert_element_type3A_363 = arith.truncf %select_n3A_362 : vector<1024x64xf32> to vector<1024x64xbf16>
      %swap3A_364 = arith.constant 0 : index
      %swap3A_365 = arith.constant 64 : index
      %swap3A_366 = vector.load %arg21[%swap3A_364, %swap3A_365] : memref<1024x960xbf16, #tpu.memory_space<vmem>>, vector<1024x64xbf16>
      tpu.vector_store %arg21[%swap3A_364, %swap3A_365], %convert_element_type3A_363 {strides = array<i32>} : memref<1024x960xbf16, #tpu.memory_space<vmem>>, vector<1024x64xbf16>,
      %get3A_367 = arith.constant 1 : index
      %get3A_368 = arith.constant 0 : index
      %get3A_369 = arith.constant 0 : index
      %get3A_370 = vector.load %arg2[%get3A_367, %get3A_368, %get3A_369] : memref<2x1024x128xf32, #tpu.memory_space<vmem>>, vector<1x1024x128xf32>
      %get3A_371 = vector.shape_cast %get3A_370 : vector<1x1024x128xf32> to vector<1024x128xf32>
      %get3A_372 = arith.constant 1 : index
      %get3A_373 = arith.constant 0 : index
      %get3A_374 = vector.load %arg4[%get3A_372, %get3A_373] : memref<2x1024xi32, #tpu.memory_space<vmem>>, vector<1x1024xi32>
      %get3A_375 = vector.shape_cast %get3A_374 : vector<1x1024xi32> to vector<1024xi32>
      %iota3A_376 = tpu.iota {dimensions = array<i32: 1>} : vector<1024x64xi32>
      %mul3A_377 = arith.constant 0 : i32
      %mul3A_378 = vector.broadcast %mul3A_377 : i32 to vector<1024x64xi32>
      %mul3A_379 = arith.muli %iota3A_376, %mul3A_378 : vector<1024x64xi32>
      %add3A_380 = arith.constant 1 : i32
      %add3A_381 = vector.broadcast %add3A_380 : i32 to vector<1024x64xi32>
      %add3A_382 = arith.addi %mul3A_379, %add3A_381 : vector<1024x64xi32>
      %broadcast_in_dim3A_383 = vector.shape_cast %get3A_375 : vector<1024xi32> to vector<1024x1xi32>
      %eq3A_384 = vector.broadcast %broadcast_in_dim3A_383 : vector<1024x1xi32> to vector<1024x64xi32>
      %eq3A_385 = arith.cmpi eq, %eq3A_384, %add3A_382 : vector<1024x64xi32>
      %slice3A_386 = vector.extract_strided_slice %get3A_371 {offsets = [0, 64], sizes = [1024, 64], strides = [1, 1]} : vector<1024x128xf32> to vector<1024x64xf32>
      %slice3A_387 = vector.extract_strided_slice %get3A_371 {offsets = [0, 0], sizes = [1024, 64], strides = [1, 1]} : vector<1024x128xf32> to vector<1024x64xf32>
      %select_n3A_388 = arith.select %eq3A_385, %slice3A_386, %slice3A_387 : vector<1024x64xi1>, vector<1024x64xf32>
      %convert_element_type3A_389 = arith.truncf %select_n3A_388 : vector<1024x64xf32> to vector<1024x64xbf16>
      %swap3A_390 = arith.constant 0 : index
      %swap3A_391 = arith.constant 128 : index
      %swap3A_392 = vector.load %arg21[%swap3A_390, %swap3A_391] : memref<1024x960xbf16, #tpu.memory_space<vmem>>, vector<1024x64xbf16>
      tpu.vector_store %arg21[%swap3A_390, %swap3A_391], %convert_element_type3A_389 {strides = array<i32>} : memref<1024x960xbf16, #tpu.memory_space<vmem>>, vector<1024x64xbf16>,
      %get3A_393 = arith.constant 0 : index
      %get3A_394 = arith.constant 0 : index
      %get3A_395 = vector.load %arg6[%get3A_393, %get3A_394] : memref<12x1024xi32, #tpu.memory_space<vmem>>, vector<1x1024xi32>
      %get3A_396 = vector.shape_cast %get3A_395 : vector<1x1024xi32> to vector<1024xi32>
      %broadcast_in_dim3A_397 = vector.shape_cast %get3A_396 : vector<1024xi32> to vector<1024x1xi32>
      %iota3A_398 = tpu.iota {dimensions = array<i32: 1>} : vector<1024x5xi32>
      %eq3A_399 = vector.broadcast %broadcast_in_dim3A_397 : vector<1024x1xi32> to vector<1024x5xi32>
      %eq3A_400 = arith.cmpi eq, %eq3A_399, %iota3A_398 : vector<1024x5xi32>
      %convert_element_type3A_401 = arith.extui %eq3A_400 : vector<1024x5xi1> to vector<1024x5xi32>
      %convert_element_type3A_402 = arith.sitofp %convert_element_type3A_401 : vector<1024x5xi32> to vector<1024x5xf32>
      %convert_element_type3A_403 = arith.truncf %convert_element_type3A_402 : vector<1024x5xf32> to vector<1024x5xbf16>
      %get3A_404 = arith.constant 0 : index
      %get3A_405 = arith.constant 0 : index
      %get3A_406 = vector.load %arg8[%get3A_404, %get3A_405] : memref<5x64xf32, #tpu.memory_space<vmem>>, vector<5x64xf32>
      %convert_element_type3A_407 = arith.truncf %get3A_406 : vector<5x64xf32> to vector<5x64xbf16>
      %dot_general3A_408 = arith.constant dense<0.000000e+00> : vector<1024x64xf32>
      %dot_general3A_409 = tpu.matmul %convert_element_type3A_403, %convert_element_type3A_407, %dot_general3A_408 {dimension_numbers = #tpu.dot_dimension_numbers<[1], [0], [0], [1], [0, 0, 1, 1], [], []>, transpose_lhs_hint = false} : vector<1024x5xbf16>, vector<5x64xbf16>, vector<1024x64xf32> -> vector<1024x64xf32>
      %convert_element_type3A_410 = arith.truncf %dot_general3A_409 : vector<1024x64xf32> to vector<1024x64xbf16>
      %swap3A_411 = arith.constant 0 : index
      %swap3A_412 = arith.constant 192 : index
      %swap3A_413 = vector.load %arg21[%swap3A_411, %swap3A_412] : memref<1024x960xbf16, #tpu.memory_space<vmem>>, vector<1024x64xbf16>
      tpu.vector_store %arg21[%swap3A_411, %swap3A_412], %convert_element_type3A_410 {strides = array<i32>} : memref<1024x960xbf16, #tpu.memory_space<vmem>>, vector<1024x64xbf16>,
      %get3A_414 = arith.constant 1 : index
      %get3A_415 = arith.constant 0 : index
      %get3A_416 = vector.load %arg6[%get3A_414, %get3A_415] : memref<12x1024xi32, #tpu.memory_space<vmem>>, vector<1x1024xi32>
      %get3A_417 = vector.shape_cast %get3A_416 : vector<1x1024xi32> to vector<1024xi32>
      %broadcast_in_dim3A_418 = vector.shape_cast %get3A_417 : vector<1024xi32> to vector<1024x1xi32>
      %iota3A_419 = tpu.iota {dimensions = array<i32: 1>} : vector<1024x5xi32>
      %eq3A_420 = vector.broadcast %broadcast_in_dim3A_418 : vector<1024x1xi32> to vector<1024x5xi32>
      %eq3A_421 = arith.cmpi eq, %eq3A_420, %iota3A_419 : vector<1024x5xi32>
      %convert_element_type3A_422 = arith.extui %eq3A_421 : vector<1024x5xi1> to vector<1024x5xi32>
      %convert_element_type3A_423 = arith.sitofp %convert_element_type3A_422 : vector<1024x5xi32> to vector<1024x5xf32>
      %convert_element_type3A_424 = arith.truncf %convert_element_type3A_423 : vector<1024x5xf32> to vector<1024x5xbf16>
      %get3A_425 = arith.constant 0 : index
      %get3A_426 = arith.constant 0 : index
      %get3A_427 = vector.load %arg9[%get3A_425, %get3A_426] : memref<5x64xf32, #tpu.memory_space<vmem>>, vector<5x64xf32>
      %convert_element_type3A_428 = arith.truncf %get3A_427 : vector<5x64xf32> to vector<5x64xbf16>
      %dot_general3A_429 = arith.constant dense<0.000000e+00> : vector<1024x64xf32>
      %dot_general3A_430 = tpu.matmul %convert_element_type3A_424, %convert_element_type3A_428, %dot_general3A_429 {dimension_numbers = #tpu.dot_dimension_numbers<[1], [0], [0], [1], [0, 0, 1, 1], [], []>, transpose_lhs_hint = false} : vector<1024x5xbf16>, vector<5x64xbf16>, vector<1024x64xf32> -> vector<1024x64xf32>
      %convert_element_type3A_431 = arith.truncf %dot_general3A_430 : vector<1024x64xf32> to vector<1024x64xbf16>
      %swap3A_432 = arith.constant 0 : index
      %swap3A_433 = arith.constant 256 : index
      %swap3A_434 = vector.load %arg21[%swap3A_432, %swap3A_433] : memref<1024x960xbf16, #tpu.memory_space<vmem>>, vector<1024x64xbf16>
      tpu.vector_store %arg21[%swap3A_432, %swap3A_433], %convert_element_type3A_431 {strides = array<i32>} : memref<1024x960xbf16, #tpu.memory_space<vmem>>, vector<1024x64xbf16>,
      %get3A_435 = arith.constant 2 : index
      %get3A_436 = arith.constant 0 : index
      %get3A_437 = vector.load %arg6[%get3A_435, %get3A_436] : memref<12x1024xi32, #tpu.memory_space<vmem>>, vector<1x1024xi32>
      %get3A_438 = vector.shape_cast %get3A_437 : vector<1x1024xi32> to vector<1024xi32>
      %broadcast_in_dim3A_439 = vector.shape_cast %get3A_438 : vector<1024xi32> to vector<1024x1xi32>
      %iota3A_440 = tpu.iota {dimensions = array<i32: 1>} : vector<1024x113xi32>
      %eq3A_441 = vector.broadcast %broadcast_in_dim3A_439 : vector<1024x1xi32> to vector<1024x113xi32>
      %eq3A_442 = arith.cmpi eq, %eq3A_441, %iota3A_440 : vector<1024x113xi32>
      %convert_element_type3A_443 = arith.extui %eq3A_442 : vector<1024x113xi1> to vector<1024x113xi32>
      %convert_element_type3A_444 = arith.sitofp %convert_element_type3A_443 : vector<1024x113xi32> to vector<1024x113xf32>
      %convert_element_type3A_445 = arith.truncf %convert_element_type3A_444 : vector<1024x113xf32> to vector<1024x113xbf16>
      %get3A_446 = arith.constant 0 : index
      %get3A_447 = arith.constant 0 : index
      %get3A_448 = vector.load %arg10[%get3A_446, %get3A_447] : memref<113x64xf32, #tpu.memory_space<vmem>>, vector<113x64xf32>
      %convert_element_type3A_449 = arith.truncf %get3A_448 : vector<113x64xf32> to vector<113x64xbf16>
      %dot_general3A_450 = arith.constant dense<0.000000e+00> : vector<1024x64xf32>
      %dot_general3A_451 = tpu.matmul %convert_element_type3A_445, %convert_element_type3A_449, %dot_general3A_450 {dimension_numbers = #tpu.dot_dimension_numbers<[1], [0], [0], [1], [0, 0, 1, 1], [], []>, transpose_lhs_hint = false} : vector<1024x113xbf16>, vector<113x64xbf16>, vector<1024x64xf32> -> vector<1024x64xf32>
      %convert_element_type3A_452 = arith.truncf %dot_general3A_451 : vector<1024x64xf32> to vector<1024x64xbf16>
      %swap3A_453 = arith.constant 0 : index
      %swap3A_454 = arith.constant 320 : index
      %swap3A_455 = vector.load %arg21[%swap3A_453, %swap3A_454] : memref<1024x960xbf16, #tpu.memory_space<vmem>>, vector<1024x64xbf16>
      tpu.vector_store %arg21[%swap3A_453, %swap3A_454], %convert_element_type3A_452 {strides = array<i32>} : memref<1024x960xbf16, #tpu.memory_space<vmem>>, vector<1024x64xbf16>,
      %get3A_456 = arith.constant 3 : index
      %get3A_457 = arith.constant 0 : index
      %get3A_458 = vector.load %arg6[%get3A_456, %get3A_457] : memref<12x1024xi32, #tpu.memory_space<vmem>>, vector<1x1024xi32>
      %get3A_459 = vector.shape_cast %get3A_458 : vector<1x1024xi32> to vector<1024xi32>
      %broadcast_in_dim3A_460 = vector.shape_cast %get3A_459 : vector<1024xi32> to vector<1024x1xi32>
      %iota3A_461 = tpu.iota {dimensions = array<i32: 1>} : vector<1024x1002xi32>
      %eq3A_462 = vector.broadcast %broadcast_in_dim3A_460 : vector<1024x1xi32> to vector<1024x1002xi32>
      %eq3A_463 = arith.cmpi eq, %eq3A_462, %iota3A_461 : vector<1024x1002xi32>
      %convert_element_type3A_464 = arith.extui %eq3A_463 : vector<1024x1002xi1> to vector<1024x1002xi32>
      %convert_element_type3A_465 = arith.sitofp %convert_element_type3A_464 : vector<1024x1002xi32> to vector<1024x1002xf32>
      %convert_element_type3A_466 = arith.truncf %convert_element_type3A_465 : vector<1024x1002xf32> to vector<1024x1002xbf16>
      %get3A_467 = arith.constant 0 : index
      %get3A_468 = arith.constant 0 : index
      %get3A_469 = vector.load %arg11[%get3A_467, %get3A_468] : memref<1002x64xf32, #tpu.memory_space<vmem>>, vector<1002x64xf32>
      %convert_element_type3A_470 = arith.truncf %get3A_469 : vector<1002x64xf32> to vector<1002x64xbf16>
      %dot_general3A_471 = arith.constant dense<0.000000e+00> : vector<1024x64xf32>
      %dot_general3A_472 = tpu.matmul %convert_element_type3A_466, %convert_element_type3A_470, %dot_general3A_471 {dimension_numbers = #tpu.dot_dimension_numbers<[1], [0], [0], [1], [0, 0, 1, 1], [], []>, transpose_lhs_hint = false} : vector<1024x1002xbf16>, vector<1002x64xbf16>, vector<1024x64xf32> -> vector<1024x64xf32>
      %convert_element_type3A_473 = arith.truncf %dot_general3A_472 : vector<1024x64xf32> to vector<1024x64xbf16>
      %swap3A_474 = arith.constant 0 : index
      %swap3A_475 = arith.constant 384 : index
      %swap3A_476 = vector.load %arg21[%swap3A_474, %swap3A_475] : memref<1024x960xbf16, #tpu.memory_space<vmem>>, vector<1024x64xbf16>
      tpu.vector_store %arg21[%swap3A_474, %swap3A_475], %convert_element_type3A_473 {strides = array<i32>} : memref<1024x960xbf16, #tpu.memory_space<vmem>>, vector<1024x64xbf16>,
      %get3A_477 = arith.constant 4 : index
      %get3A_478 = arith.constant 0 : index
      %get3A_479 = vector.load %arg6[%get3A_477, %get3A_478] : memref<12x1024xi32, #tpu.memory_space<vmem>>, vector<1x1024xi32>
      %get3A_480 = vector.shape_cast %get3A_479 : vector<1x1024xi32> to vector<1024xi32>
      %broadcast_in_dim3A_481 = vector.shape_cast %get3A_480 : vector<1024xi32> to vector<1024x1xi32>
      %iota3A_482 = tpu.iota {dimensions = array<i32: 1>} : vector<1024x3xi32>
      %eq3A_483 = vector.broadcast %broadcast_in_dim3A_481 : vector<1024x1xi32> to vector<1024x3xi32>
      %eq3A_484 = arith.cmpi eq, %eq3A_483, %iota3A_482 : vector<1024x3xi32>
      %convert_element_type3A_485 = arith.extui %eq3A_484 : vector<1024x3xi1> to vector<1024x3xi32>
      %convert_element_type3A_486 = arith.sitofp %convert_element_type3A_485 : vector<1024x3xi32> to vector<1024x3xf32>
      %convert_element_type3A_487 = arith.truncf %convert_element_type3A_486 : vector<1024x3xf32> to vector<1024x3xbf16>
      %get3A_488 = arith.constant 0 : index
      %get3A_489 = arith.constant 0 : index
      %get3A_490 = vector.load %arg12[%get3A_488, %get3A_489] : memref<3x64xf32, #tpu.memory_space<vmem>>, vector<3x64xf32>
      %convert_element_type3A_491 = arith.truncf %get3A_490 : vector<3x64xf32> to vector<3x64xbf16>
      %dot_general3A_492 = arith.constant dense<0.000000e+00> : vector<1024x64xf32>
      %dot_general3A_493 = tpu.matmul %convert_element_type3A_487, %convert_element_type3A_491, %dot_general3A_492 {dimension_numbers = #tpu.dot_dimension_numbers<[1], [0], [0], [1], [0, 0, 1, 1], [], []>, transpose_lhs_hint = false} : vector<1024x3xbf16>, vector<3x64xbf16>, vector<1024x64xf32> -> vector<1024x64xf32>
      %convert_element_type3A_494 = arith.truncf %dot_general3A_493 : vector<1024x64xf32> to vector<1024x64xbf16>
      %swap3A_495 = arith.constant 0 : index
      %swap3A_496 = arith.constant 448 : index
      %swap3A_497 = vector.load %arg21[%swap3A_495, %swap3A_496] : memref<1024x960xbf16, #tpu.memory_space<vmem>>, vector<1024x64xbf16>
      tpu.vector_store %arg21[%swap3A_495, %swap3A_496], %convert_element_type3A_494 {strides = array<i32>} : memref<1024x960xbf16, #tpu.memory_space<vmem>>, vector<1024x64xbf16>,
      %get3A_498 = arith.constant 5 : index
      %get3A_499 = arith.constant 0 : index
      %get3A_500 = vector.load %arg6[%get3A_498, %get3A_499] : memref<12x1024xi32, #tpu.memory_space<vmem>>, vector<1x1024xi32>
      %get3A_501 = vector.shape_cast %get3A_500 : vector<1x1024xi32> to vector<1024xi32>
      %broadcast_in_dim3A_502 = vector.shape_cast %get3A_501 : vector<1024xi32> to vector<1024x1xi32>
      %iota3A_503 = tpu.iota {dimensions = array<i32: 1>} : vector<1024x5xi32>
      %eq3A_504 = vector.broadcast %broadcast_in_dim3A_502 : vector<1024x1xi32> to vector<1024x5xi32>
      %eq3A_505 = arith.cmpi eq, %eq3A_504, %iota3A_503 : vector<1024x5xi32>
      %convert_element_type3A_506 = arith.extui %eq3A_505 : vector<1024x5xi1> to vector<1024x5xi32>
      %convert_element_type3A_507 = arith.sitofp %convert_element_type3A_506 : vector<1024x5xi32> to vector<1024x5xf32>
      %convert_element_type3A_508 = arith.truncf %convert_element_type3A_507 : vector<1024x5xf32> to vector<1024x5xbf16>
      %get3A_509 = arith.constant 0 : index
      %get3A_510 = arith.constant 0 : index
      %get3A_511 = vector.load %arg13[%get3A_509, %get3A_510] : memref<5x64xf32, #tpu.memory_space<vmem>>, vector<5x64xf32>
      %convert_element_type3A_512 = arith.truncf %get3A_511 : vector<5x64xf32> to vector<5x64xbf16>
      %dot_general3A_513 = arith.constant dense<0.000000e+00> : vector<1024x64xf32>
      %dot_general3A_514 = tpu.matmul %convert_element_type3A_508, %convert_element_type3A_512, %dot_general3A_513 {dimension_numbers = #tpu.dot_dimension_numbers<[1], [0], [0], [1], [0, 0, 1, 1], [], []>, transpose_lhs_hint = false} : vector<1024x5xbf16>, vector<5x64xbf16>, vector<1024x64xf32> -> vector<1024x64xf32>
      %convert_element_type3A_515 = arith.truncf %dot_general3A_514 : vector<1024x64xf32> to vector<1024x64xbf16>
      %swap3A_516 = arith.constant 0 : index
      %swap3A_517 = arith.constant 512 : index
      %swap3A_518 = vector.load %arg21[%swap3A_516, %swap3A_517] : memref<1024x960xbf16, #tpu.memory_space<vmem>>, vector<1024x64xbf16>
      tpu.vector_store %arg21[%swap3A_516, %swap3A_517], %convert_element_type3A_515 {strides = array<i32>} : memref<1024x960xbf16, #tpu.memory_space<vmem>>, vector<1024x64xbf16>,
      %get3A_519 = arith.constant 6 : index
      %get3A_520 = arith.constant 0 : index
      %get3A_521 = vector.load %arg6[%get3A_519, %get3A_520] : memref<12x1024xi32, #tpu.memory_space<vmem>>, vector<1x1024xi32>
      %get3A_522 = vector.shape_cast %get3A_521 : vector<1x1024xi32> to vector<1024xi32>
      %broadcast_in_dim3A_523 = vector.shape_cast %get3A_522 : vector<1024xi32> to vector<1024x1xi32>
      %iota3A_524 = tpu.iota {dimensions = array<i32: 1>} : vector<1024x32xi32>
      %eq3A_525 = vector.broadcast %broadcast_in_dim3A_523 : vector<1024x1xi32> to vector<1024x32xi32>
      %eq3A_526 = arith.cmpi eq, %eq3A_525, %iota3A_524 : vector<1024x32xi32>
      %convert_element_type3A_527 = arith.extui %eq3A_526 : vector<1024x32xi1> to vector<1024x32xi32>
      %convert_element_type3A_528 = arith.sitofp %convert_element_type3A_527 : vector<1024x32xi32> to vector<1024x32xf32>
      %convert_element_type3A_529 = arith.truncf %convert_element_type3A_528 : vector<1024x32xf32> to vector<1024x32xbf16>
      %get3A_530 = arith.constant 0 : index
      %get3A_531 = arith.constant 0 : index
      %get3A_532 = vector.load %arg14[%get3A_530, %get3A_531] : memref<32x64xf32, #tpu.memory_space<vmem>>, vector<32x64xf32>
      %convert_element_type3A_533 = arith.truncf %get3A_532 : vector<32x64xf32> to vector<32x64xbf16>
      %dot_general3A_534 = arith.constant dense<0.000000e+00> : vector<1024x64xf32>
      %dot_general3A_535 = tpu.matmul %convert_element_type3A_529, %convert_element_type3A_533, %dot_general3A_534 {dimension_numbers = #tpu.dot_dimension_numbers<[1], [0], [0], [1], [0, 0, 1, 1], [], []>, transpose_lhs_hint = false} : vector<1024x32xbf16>, vector<32x64xbf16>, vector<1024x64xf32> -> vector<1024x64xf32>
      %convert_element_type3A_536 = arith.truncf %dot_general3A_535 : vector<1024x64xf32> to vector<1024x64xbf16>
      %swap3A_537 = arith.constant 0 : index
      %swap3A_538 = arith.constant 576 : index
      %swap3A_539 = vector.load %arg21[%swap3A_537, %swap3A_538] : memref<1024x960xbf16, #tpu.memory_space<vmem>>, vector<1024x64xbf16>
      tpu.vector_store %arg21[%swap3A_537, %swap3A_538], %convert_element_type3A_536 {strides = array<i32>} : memref<1024x960xbf16, #tpu.memory_space<vmem>>, vector<1024x64xbf16>,
      %get3A_540 = arith.constant 7 : index
      %get3A_541 = arith.constant 0 : index
      %get3A_542 = vector.load %arg6[%get3A_540, %get3A_541] : memref<12x1024xi32, #tpu.memory_space<vmem>>, vector<1x1024xi32>
      %get3A_543 = vector.shape_cast %get3A_542 : vector<1x1024xi32> to vector<1024xi32>
      %broadcast_in_dim3A_544 = vector.shape_cast %get3A_543 : vector<1024xi32> to vector<1024x1xi32>
      %iota3A_545 = tpu.iota {dimensions = array<i32: 1>} : vector<1024x13xi32>
      %eq3A_546 = vector.broadcast %broadcast_in_dim3A_544 : vector<1024x1xi32> to vector<1024x13xi32>
      %eq3A_547 = arith.cmpi eq, %eq3A_546, %iota3A_545 : vector<1024x13xi32>
      %convert_element_type3A_548 = arith.extui %eq3A_547 : vector<1024x13xi1> to vector<1024x13xi32>
      %convert_element_type3A_549 = arith.sitofp %convert_element_type3A_548 : vector<1024x13xi32> to vector<1024x13xf32>
      %convert_element_type3A_550 = arith.truncf %convert_element_type3A_549 : vector<1024x13xf32> to vector<1024x13xbf16>
      %get3A_551 = arith.constant 0 : index
      %get3A_552 = arith.constant 0 : index
      %get3A_553 = vector.load %arg15[%get3A_551, %get3A_552] : memref<13x64xf32, #tpu.memory_space<vmem>>, vector<13x64xf32>
      %convert_element_type3A_554 = arith.truncf %get3A_553 : vector<13x64xf32> to vector<13x64xbf16>
      %dot_general3A_555 = arith.constant dense<0.000000e+00> : vector<1024x64xf32>
      %dot_general3A_556 = tpu.matmul %convert_element_type3A_550, %convert_element_type3A_554, %dot_general3A_555 {dimension_numbers = #tpu.dot_dimension_numbers<[1], [0], [0], [1], [0, 0, 1, 1], [], []>, transpose_lhs_hint = false} : vector<1024x13xbf16>, vector<13x64xbf16>, vector<1024x64xf32> -> vector<1024x64xf32>
      %convert_element_type3A_557 = arith.truncf %dot_general3A_556 : vector<1024x64xf32> to vector<1024x64xbf16>
      %swap3A_558 = arith.constant 0 : index
      %swap3A_559 = arith.constant 640 : index
      %swap3A_560 = vector.load %arg21[%swap3A_558, %swap3A_559] : memref<1024x960xbf16, #tpu.memory_space<vmem>>, vector<1024x64xbf16>
      tpu.vector_store %arg21[%swap3A_558, %swap3A_559], %convert_element_type3A_557 {strides = array<i32>} : memref<1024x960xbf16, #tpu.memory_space<vmem>>, vector<1024x64xbf16>,
      %get3A_561 = arith.constant 8 : index
      %get3A_562 = arith.constant 0 : index
      %get3A_563 = vector.load %arg6[%get3A_561, %get3A_562] : memref<12x1024xi32, #tpu.memory_space<vmem>>, vector<1x1024xi32>
      %get3A_564 = vector.shape_cast %get3A_563 : vector<1x1024xi32> to vector<1024xi32>
      %broadcast_in_dim3A_565 = vector.shape_cast %get3A_564 : vector<1024xi32> to vector<1024x1xi32>
      %iota3A_566 = tpu.iota {dimensions = array<i32: 1>} : vector<1024x11xi32>
      %eq3A_567 = vector.broadcast %broadcast_in_dim3A_565 : vector<1024x1xi32> to vector<1024x11xi32>
      %eq3A_568 = arith.cmpi eq, %eq3A_567, %iota3A_566 : vector<1024x11xi32>
      %convert_element_type3A_569 = arith.extui %eq3A_568 : vector<1024x11xi1> to vector<1024x11xi32>
      %convert_element_type3A_570 = arith.sitofp %convert_element_type3A_569 : vector<1024x11xi32> to vector<1024x11xf32>
      %convert_element_type3A_571 = arith.truncf %convert_element_type3A_570 : vector<1024x11xf32> to vector<1024x11xbf16>
      %get3A_572 = arith.constant 0 : index
      %get3A_573 = arith.constant 0 : index
      %get3A_574 = vector.load %arg16[%get3A_572, %get3A_573] : memref<11x64xf32, #tpu.memory_space<vmem>>, vector<11x64xf32>
      %convert_element_type3A_575 = arith.truncf %get3A_574 : vector<11x64xf32> to vector<11x64xbf16>
      %dot_general3A_576 = arith.constant dense<0.000000e+00> : vector<1024x64xf32>
      %dot_general3A_577 = tpu.matmul %convert_element_type3A_571, %convert_element_type3A_575, %dot_general3A_576 {dimension_numbers = #tpu.dot_dimension_numbers<[1], [0], [0], [1], [0, 0, 1, 1], [], []>, transpose_lhs_hint = false} : vector<1024x11xbf16>, vector<11x64xbf16>, vector<1024x64xf32> -> vector<1024x64xf32>
      %convert_element_type3A_578 = arith.truncf %dot_general3A_577 : vector<1024x64xf32> to vector<1024x64xbf16>
      %swap3A_579 = arith.constant 0 : index
      %swap3A_580 = arith.constant 704 : index
      %swap3A_581 = vector.load %arg21[%swap3A_579, %swap3A_580] : memref<1024x960xbf16, #tpu.memory_space<vmem>>, vector<1024x64xbf16>
      tpu.vector_store %arg21[%swap3A_579, %swap3A_580], %convert_element_type3A_578 {strides = array<i32>} : memref<1024x960xbf16, #tpu.memory_space<vmem>>, vector<1024x64xbf16>,
      %get3A_582 = arith.constant 9 : index
      %get3A_583 = arith.constant 0 : index
      %get3A_584 = vector.load %arg6[%get3A_582, %get3A_583] : memref<12x1024xi32, #tpu.memory_space<vmem>>, vector<1x1024xi32>
      %get3A_585 = vector.shape_cast %get3A_584 : vector<1x1024xi32> to vector<1024xi32>
      %broadcast_in_dim3A_586 = vector.shape_cast %get3A_585 : vector<1024xi32> to vector<1024x1xi32>
      %iota3A_587 = tpu.iota {dimensions = array<i32: 1>} : vector<1024x33xi32>
      %eq3A_588 = vector.broadcast %broadcast_in_dim3A_586 : vector<1024x1xi32> to vector<1024x33xi32>
      %eq3A_589 = arith.cmpi eq, %eq3A_588, %iota3A_587 : vector<1024x33xi32>
      %convert_element_type3A_590 = arith.extui %eq3A_589 : vector<1024x33xi1> to vector<1024x33xi32>
      %convert_element_type3A_591 = arith.sitofp %convert_element_type3A_590 : vector<1024x33xi32> to vector<1024x33xf32>
      %convert_element_type3A_592 = arith.truncf %convert_element_type3A_591 : vector<1024x33xf32> to vector<1024x33xbf16>
      %get3A_593 = arith.constant 0 : index
      %get3A_594 = arith.constant 0 : index
      %get3A_595 = vector.load %arg17[%get3A_593, %get3A_594] : memref<33x64xf32, #tpu.memory_space<vmem>>, vector<33x64xf32>
      %convert_element_type3A_596 = arith.truncf %get3A_595 : vector<33x64xf32> to vector<33x64xbf16>
      %dot_general3A_597 = arith.constant dense<0.000000e+00> : vector<1024x64xf32>
      %dot_general3A_598 = tpu.matmul %convert_element_type3A_592, %convert_element_type3A_596, %dot_general3A_597 {dimension_numbers = #tpu.dot_dimension_numbers<[1], [0], [0], [1], [0, 0, 1, 1], [], []>, transpose_lhs_hint = false} : vector<1024x33xbf16>, vector<33x64xbf16>, vector<1024x64xf32> -> vector<1024x64xf32>
      %convert_element_type3A_599 = arith.truncf %dot_general3A_598 : vector<1024x64xf32> to vector<1024x64xbf16>
      %swap3A_600 = arith.constant 0 : index
      %swap3A_601 = arith.constant 768 : index
      %swap3A_602 = vector.load %arg21[%swap3A_600, %swap3A_601] : memref<1024x960xbf16, #tpu.memory_space<vmem>>, vector<1024x64xbf16>
      tpu.vector_store %arg21[%swap3A_600, %swap3A_601], %convert_element_type3A_599 {strides = array<i32>} : memref<1024x960xbf16, #tpu.memory_space<vmem>>, vector<1024x64xbf16>,
      %get3A_603 = arith.constant 10 : index
      %get3A_604 = arith.constant 0 : index
      %get3A_605 = vector.load %arg6[%get3A_603, %get3A_604] : memref<12x1024xi32, #tpu.memory_space<vmem>>, vector<1x1024xi32>
      %get3A_606 = vector.shape_cast %get3A_605 : vector<1x1024xi32> to vector<1024xi32>
      %broadcast_in_dim3A_607 = vector.shape_cast %get3A_606 : vector<1024xi32> to vector<1024x1xi32>
      %iota3A_608 = tpu.iota {dimensions = array<i32: 1>} : vector<1024x65xi32>
      %eq3A_609 = vector.broadcast %broadcast_in_dim3A_607 : vector<1024x1xi32> to vector<1024x65xi32>
      %eq3A_610 = arith.cmpi eq, %eq3A_609, %iota3A_608 : vector<1024x65xi32>
      %convert_element_type3A_611 = arith.extui %eq3A_610 : vector<1024x65xi1> to vector<1024x65xi32>
      %convert_element_type3A_612 = arith.sitofp %convert_element_type3A_611 : vector<1024x65xi32> to vector<1024x65xf32>
      %convert_element_type3A_613 = arith.truncf %convert_element_type3A_612 : vector<1024x65xf32> to vector<1024x65xbf16>
      %get3A_614 = arith.constant 0 : index
      %get3A_615 = arith.constant 0 : index
      %get3A_616 = vector.load %arg18[%get3A_614, %get3A_615] : memref<65x64xf32, #tpu.memory_space<vmem>>, vector<65x64xf32>
      %convert_element_type3A_617 = arith.truncf %get3A_616 : vector<65x64xf32> to vector<65x64xbf16>
      %dot_general3A_618 = arith.constant dense<0.000000e+00> : vector<1024x64xf32>
      %dot_general3A_619 = tpu.matmul %convert_element_type3A_613, %convert_element_type3A_617, %dot_general3A_618 {dimension_numbers = #tpu.dot_dimension_numbers<[1], [0], [0], [1], [0, 0, 1, 1], [], []>, transpose_lhs_hint = false} : vector<1024x65xbf16>, vector<65x64xbf16>, vector<1024x64xf32> -> vector<1024x64xf32>
      %convert_element_type3A_620 = arith.truncf %dot_general3A_619 : vector<1024x64xf32> to vector<1024x64xbf16>
      %swap3A_621 = arith.constant 0 : index
      %swap3A_622 = arith.constant 832 : index
      %swap3A_623 = vector.load %arg21[%swap3A_621, %swap3A_622] : memref<1024x960xbf16, #tpu.memory_space<vmem>>, vector<1024x64xbf16>
      tpu.vector_store %arg21[%swap3A_621, %swap3A_622], %convert_element_type3A_620 {strides = array<i32>} : memref<1024x960xbf16, #tpu.memory_space<vmem>>, vector<1024x64xbf16>,
      %get3A_624 = arith.constant 11 : index
      %get3A_625 = arith.constant 0 : index
      %get3A_626 = vector.load %arg6[%get3A_624, %get3A_625] : memref<12x1024xi32, #tpu.memory_space<vmem>>, vector<1x1024xi32>
      %get3A_627 = vector.shape_cast %get3A_626 : vector<1x1024xi32> to vector<1024xi32>
      %broadcast_in_dim3A_628 = vector.shape_cast %get3A_627 : vector<1024xi32> to vector<1024x1xi32>
      %iota3A_629 = tpu.iota {dimensions = array<i32: 1>} : vector<1024x257xi32>
      %eq3A_630 = vector.broadcast %broadcast_in_dim3A_628 : vector<1024x1xi32> to vector<1024x257xi32>
      %eq3A_631 = arith.cmpi eq, %eq3A_630, %iota3A_629 : vector<1024x257xi32>
      %convert_element_type3A_632 = arith.extui %eq3A_631 : vector<1024x257xi1> to vector<1024x257xi32>
      %convert_element_type3A_633 = arith.sitofp %convert_element_type3A_632 : vector<1024x257xi32> to vector<1024x257xf32>
      %convert_element_type3A_634 = arith.truncf %convert_element_type3A_633 : vector<1024x257xf32> to vector<1024x257xbf16>
      %get3A_635 = arith.constant 0 : index
      %get3A_636 = arith.constant 0 : index
      %get3A_637 = vector.load %arg19[%get3A_635, %get3A_636] : memref<257x64xf32, #tpu.memory_space<vmem>>, vector<257x64xf32>
      %convert_element_type3A_638 = arith.truncf %get3A_637 : vector<257x64xf32> to vector<257x64xbf16>
      %dot_general3A_639 = arith.constant dense<0.000000e+00> : vector<1024x64xf32>
      %dot_general3A_640 = tpu.matmul %convert_element_type3A_634, %convert_element_type3A_638, %dot_general3A_639 {dimension_numbers = #tpu.dot_dimension_numbers<[1], [0], [0], [1], [0, 0, 1, 1], [], []>, transpose_lhs_hint = false} : vector<1024x257xbf16>, vector<257x64xbf16>, vector<1024x64xf32> -> vector<1024x64xf32>
      %convert_element_type3A_641 = arith.truncf %dot_general3A_640 : vector<1024x64xf32> to vector<1024x64xbf16>
      %swap3A_642 = arith.constant 0 : index
      %swap3A_643 = arith.constant 896 : index
      %swap3A_644 = vector.load %arg21[%swap3A_642, %swap3A_643] : memref<1024x960xbf16, #tpu.memory_space<vmem>>, vector<1024x64xbf16>
      tpu.vector_store %arg21[%swap3A_642, %swap3A_643], %convert_element_type3A_641 {strides = array<i32>} : memref<1024x960xbf16, #tpu.memory_space<vmem>>, vector<1024x64xbf16>,
    } else {
    }
    %get3A = arith.constant 0 : index
    %get3A_2 = arith.constant 0 : index
    %get3A_3 = arith.constant 0 : index
    %get3A_4 = vector.load %arg3[%get3A, %get3A_2, %get3A_3] : memref<3x2048x128xf32, #tpu.memory_space<vmem>>, vector<1x2048x128xf32>
    %get3A_5 = vector.shape_cast %get3A_4 : vector<1x2048x128xf32> to vector<2048x128xf32>
    %get3A_6 = arith.constant 0 : index
    %get3A_7 = arith.constant 0 : index
    %get3A_8 = vector.load %arg5[%get3A_6, %get3A_7] : memref<3x2048xi32, #tpu.memory_space<vmem>>, vector<1x2048xi32>
    %get3A_9 = vector.shape_cast %get3A_8 : vector<1x2048xi32> to vector<2048xi32>
    %iota3A = tpu.iota {dimensions = array<i32: 1>} : vector<2048x64xi32>
    %mul3A = arith.constant 0 : i32
    %mul3A_10 = vector.broadcast %mul3A : i32 to vector<2048x64xi32>
    %mul3A_11 = arith.muli %iota3A, %mul3A_10 : vector<2048x64xi32>
    %add3A = arith.constant 1 : i32
    %add3A_12 = vector.broadcast %add3A : i32 to vector<2048x64xi32>
    %add3A_13 = arith.addi %mul3A_11, %add3A_12 : vector<2048x64xi32>
    %broadcast_in_dim3A = vector.shape_cast %get3A_9 : vector<2048xi32> to vector<2048x1xi32>
    %eq3A_14 = vector.broadcast %broadcast_in_dim3A : vector<2048x1xi32> to vector<2048x64xi32>
    %eq3A_15 = arith.cmpi eq, %eq3A_14, %add3A_13 : vector<2048x64xi32>
    %slice3A = vector.extract_strided_slice %get3A_5 {offsets = [0, 64], sizes = [2048, 64], strides = [1, 1]} : vector<2048x128xf32> to vector<2048x64xf32>
    %slice3A_16 = vector.extract_strided_slice %get3A_5 {offsets = [0, 0], sizes = [2048, 64], strides = [1, 1]} : vector<2048x128xf32> to vector<2048x64xf32>
    %select_n3A = arith.select %eq3A_15, %slice3A, %slice3A_16 : vector<2048x64xi1>, vector<2048x64xf32>
    %convert_element_type3A_17 = arith.truncf %select_n3A : vector<2048x64xf32> to vector<2048x64xbf16>
    %swap3A = arith.constant 0 : index
    %swap3A_18 = arith.constant 0 : index
    %swap3A_19 = vector.load %arg22[%swap3A, %swap3A_18] : memref<2048x960xbf16, #tpu.memory_space<vmem>>, vector<2048x64xbf16>
    tpu.vector_store %arg22[%swap3A, %swap3A_18], %convert_element_type3A_17 {strides = array<i32>} : memref<2048x960xbf16, #tpu.memory_space<vmem>>, vector<2048x64xbf16>,
    %get3A_20 = arith.constant 1 : index
    %get3A_21 = arith.constant 0 : index
    %get3A_22 = arith.constant 0 : index
    %get3A_23 = vector.load %arg3[%get3A_20, %get3A_21, %get3A_22] : memref<3x2048x128xf32, #tpu.memory_space<vmem>>, vector<1x2048x128xf32>
    %get3A_24 = vector.shape_cast %get3A_23 : vector<1x2048x128xf32> to vector<2048x128xf32>
    %get3A_25 = arith.constant 1 : index
    %get3A_26 = arith.constant 0 : index
    %get3A_27 = vector.load %arg5[%get3A_25, %get3A_26] : memref<3x2048xi32, #tpu.memory_space<vmem>>, vector<1x2048xi32>
    %get3A_28 = vector.shape_cast %get3A_27 : vector<1x2048xi32> to vector<2048xi32>
    %iota3A_29 = tpu.iota {dimensions = array<i32: 1>} : vector<2048x64xi32>
    %mul3A_30 = arith.constant 0 : i32
    %mul3A_31 = vector.broadcast %mul3A_30 : i32 to vector<2048x64xi32>
    %mul3A_32 = arith.muli %iota3A_29, %mul3A_31 : vector<2048x64xi32>
    %add3A_33 = arith.constant 1 : i32
    %add3A_34 = vector.broadcast %add3A_33 : i32 to vector<2048x64xi32>
    %add3A_35 = arith.addi %mul3A_32, %add3A_34 : vector<2048x64xi32>
    %broadcast_in_dim3A_36 = vector.shape_cast %get3A_28 : vector<2048xi32> to vector<2048x1xi32>
    %eq3A_37 = vector.broadcast %broadcast_in_dim3A_36 : vector<2048x1xi32> to vector<2048x64xi32>
    %eq3A_38 = arith.cmpi eq, %eq3A_37, %add3A_35 : vector<2048x64xi32>
    %slice3A_39 = vector.extract_strided_slice %get3A_24 {offsets = [0, 64], sizes = [2048, 64], strides = [1, 1]} : vector<2048x128xf32> to vector<2048x64xf32>
    %slice3A_40 = vector.extract_strided_slice %get3A_24 {offsets = [0, 0], sizes = [2048, 64], strides = [1, 1]} : vector<2048x128xf32> to vector<2048x64xf32>
    %select_n3A_41 = arith.select %eq3A_38, %slice3A_39, %slice3A_40 : vector<2048x64xi1>, vector<2048x64xf32>
    %convert_element_type3A_42 = arith.truncf %select_n3A_41 : vector<2048x64xf32> to vector<2048x64xbf16>
    %swap3A_43 = arith.constant 0 : index
    %swap3A_44 = arith.constant 64 : index
    %swap3A_45 = vector.load %arg22[%swap3A_43, %swap3A_44] : memref<2048x960xbf16, #tpu.memory_space<vmem>>, vector<2048x64xbf16>
    tpu.vector_store %arg22[%swap3A_43, %swap3A_44], %convert_element_type3A_42 {strides = array<i32>} : memref<2048x960xbf16, #tpu.memory_space<vmem>>, vector<2048x64xbf16>,
    %get3A_46 = arith.constant 2 : index
    %get3A_47 = arith.constant 0 : index
    %get3A_48 = arith.constant 0 : index
    %get3A_49 = vector.load %arg3[%get3A_46, %get3A_47, %get3A_48] : memref<3x2048x128xf32, #tpu.memory_space<vmem>>, vector<1x2048x128xf32>
    %get3A_50 = vector.shape_cast %get3A_49 : vector<1x2048x128xf32> to vector<2048x128xf32>
    %get3A_51 = arith.constant 2 : index
    %get3A_52 = arith.constant 0 : index
    %get3A_53 = vector.load %arg5[%get3A_51, %get3A_52] : memref<3x2048xi32, #tpu.memory_space<vmem>>, vector<1x2048xi32>
    %get3A_54 = vector.shape_cast %get3A_53 : vector<1x2048xi32> to vector<2048xi32>
    %iota3A_55 = tpu.iota {dimensions = array<i32: 1>} : vector<2048x64xi32>
    %mul3A_56 = arith.constant 0 : i32
    %mul3A_57 = vector.broadcast %mul3A_56 : i32 to vector<2048x64xi32>
    %mul3A_58 = arith.muli %iota3A_55, %mul3A_57 : vector<2048x64xi32>
    %add3A_59 = arith.constant 1 : i32
    %add3A_60 = vector.broadcast %add3A_59 : i32 to vector<2048x64xi32>
    %add3A_61 = arith.addi %mul3A_58, %add3A_60 : vector<2048x64xi32>
    %broadcast_in_dim3A_62 = vector.shape_cast %get3A_54 : vector<2048xi32> to vector<2048x1xi32>
    %eq3A_63 = vector.broadcast %broadcast_in_dim3A_62 : vector<2048x1xi32> to vector<2048x64xi32>
    %eq3A_64 = arith.cmpi eq, %eq3A_63, %add3A_61 : vector<2048x64xi32>
    %slice3A_65 = vector.extract_strided_slice %get3A_50 {offsets = [0, 64], sizes = [2048, 64], strides = [1, 1]} : vector<2048x128xf32> to vector<2048x64xf32>
    %slice3A_66 = vector.extract_strided_slice %get3A_50 {offsets = [0, 0], sizes = [2048, 64], strides = [1, 1]} : vector<2048x128xf32> to vector<2048x64xf32>
    %select_n3A_67 = arith.select %eq3A_64, %slice3A_65, %slice3A_66 : vector<2048x64xi1>, vector<2048x64xf32>
    %convert_element_type3A_68 = arith.truncf %select_n3A_67 : vector<2048x64xf32> to vector<2048x64xbf16>
    %swap3A_69 = arith.constant 0 : index
    %swap3A_70 = arith.constant 128 : index
    %swap3A_71 = vector.load %arg22[%swap3A_69, %swap3A_70] : memref<2048x960xbf16, #tpu.memory_space<vmem>>, vector<2048x64xbf16>
    tpu.vector_store %arg22[%swap3A_69, %swap3A_70], %convert_element_type3A_68 {strides = array<i32>} : memref<2048x960xbf16, #tpu.memory_space<vmem>>, vector<2048x64xbf16>,
    %get3A_72 = arith.constant 0 : index
    %get3A_73 = arith.constant 0 : index
    %get3A_74 = vector.load %arg7[%get3A_72, %get3A_73] : memref<12x2048xi32, #tpu.memory_space<vmem>>, vector<1x2048xi32>
    %get3A_75 = vector.shape_cast %get3A_74 : vector<1x2048xi32> to vector<2048xi32>
    %broadcast_in_dim3A_76 = vector.shape_cast %get3A_75 : vector<2048xi32> to vector<2048x1xi32>
    %iota3A_77 = tpu.iota {dimensions = array<i32: 1>} : vector<2048x5xi32>
    %eq3A_78 = vector.broadcast %broadcast_in_dim3A_76 : vector<2048x1xi32> to vector<2048x5xi32>
    %eq3A_79 = arith.cmpi eq, %eq3A_78, %iota3A_77 : vector<2048x5xi32>
    %convert_element_type3A_80 = arith.extui %eq3A_79 : vector<2048x5xi1> to vector<2048x5xi32>
    %convert_element_type3A_81 = arith.sitofp %convert_element_type3A_80 : vector<2048x5xi32> to vector<2048x5xf32>
    %convert_element_type3A_82 = arith.truncf %convert_element_type3A_81 : vector<2048x5xf32> to vector<2048x5xbf16>
    %get3A_83 = arith.constant 0 : index
    %get3A_84 = arith.constant 0 : index
    %get3A_85 = vector.load %arg8[%get3A_83, %get3A_84] : memref<5x64xf32, #tpu.memory_space<vmem>>, vector<5x64xf32>
    %convert_element_type3A_86 = arith.truncf %get3A_85 : vector<5x64xf32> to vector<5x64xbf16>
    %dot_general3A = arith.constant dense<0.000000e+00> : vector<2048x64xf32>
    %dot_general3A_87 = tpu.matmul %convert_element_type3A_82, %convert_element_type3A_86, %dot_general3A {dimension_numbers = #tpu.dot_dimension_numbers<[1], [0], [0], [1], [0, 0, 1, 1], [], []>, transpose_lhs_hint = false} : vector<2048x5xbf16>, vector<5x64xbf16>, vector<2048x64xf32> -> vector<2048x64xf32>
    %convert_element_type3A_88 = arith.truncf %dot_general3A_87 : vector<2048x64xf32> to vector<2048x64xbf16>
    %swap3A_89 = arith.constant 0 : index
    %swap3A_90 = arith.constant 192 : index
    %swap3A_91 = vector.load %arg22[%swap3A_89, %swap3A_90] : memref<2048x960xbf16, #tpu.memory_space<vmem>>, vector<2048x64xbf16>
    tpu.vector_store %arg22[%swap3A_89, %swap3A_90], %convert_element_type3A_88 {strides = array<i32>} : memref<2048x960xbf16, #tpu.memory_space<vmem>>, vector<2048x64xbf16>,
    %get3A_92 = arith.constant 1 : index
    %get3A_93 = arith.constant 0 : index
    %get3A_94 = vector.load %arg7[%get3A_92, %get3A_93] : memref<12x2048xi32, #tpu.memory_space<vmem>>, vector<1x2048xi32>
    %get3A_95 = vector.shape_cast %get3A_94 : vector<1x2048xi32> to vector<2048xi32>
    %broadcast_in_dim3A_96 = vector.shape_cast %get3A_95 : vector<2048xi32> to vector<2048x1xi32>
    %iota3A_97 = tpu.iota {dimensions = array<i32: 1>} : vector<2048x5xi32>
    %eq3A_98 = vector.broadcast %broadcast_in_dim3A_96 : vector<2048x1xi32> to vector<2048x5xi32>
    %eq3A_99 = arith.cmpi eq, %eq3A_98, %iota3A_97 : vector<2048x5xi32>
    %convert_element_type3A_100 = arith.extui %eq3A_99 : vector<2048x5xi1> to vector<2048x5xi32>
    %convert_element_type3A_101 = arith.sitofp %convert_element_type3A_100 : vector<2048x5xi32> to vector<2048x5xf32>
    %convert_element_type3A_102 = arith.truncf %convert_element_type3A_101 : vector<2048x5xf32> to vector<2048x5xbf16>
    %get3A_103 = arith.constant 0 : index
    %get3A_104 = arith.constant 0 : index
    %get3A_105 = vector.load %arg9[%get3A_103, %get3A_104] : memref<5x64xf32, #tpu.memory_space<vmem>>, vector<5x64xf32>
    %convert_element_type3A_106 = arith.truncf %get3A_105 : vector<5x64xf32> to vector<5x64xbf16>
    %dot_general3A_107 = arith.constant dense<0.000000e+00> : vector<2048x64xf32>
    %dot_general3A_108 = tpu.matmul %convert_element_type3A_102, %convert_element_type3A_106, %dot_general3A_107 {dimension_numbers = #tpu.dot_dimension_numbers<[1], [0], [0], [1], [0, 0, 1, 1], [], []>, transpose_lhs_hint = false} : vector<2048x5xbf16>, vector<5x64xbf16>, vector<2048x64xf32> -> vector<2048x64xf32>
    %convert_element_type3A_109 = arith.truncf %dot_general3A_108 : vector<2048x64xf32> to vector<2048x64xbf16>
    %swap3A_110 = arith.constant 0 : index
    %swap3A_111 = arith.constant 256 : index
    %swap3A_112 = vector.load %arg22[%swap3A_110, %swap3A_111] : memref<2048x960xbf16, #tpu.memory_space<vmem>>, vector<2048x64xbf16>
    tpu.vector_store %arg22[%swap3A_110, %swap3A_111], %convert_element_type3A_109 {strides = array<i32>} : memref<2048x960xbf16, #tpu.memory_space<vmem>>, vector<2048x64xbf16>,
    %get3A_113 = arith.constant 2 : index
    %get3A_114 = arith.constant 0 : index
    %get3A_115 = vector.load %arg7[%get3A_113, %get3A_114] : memref<12x2048xi32, #tpu.memory_space<vmem>>, vector<1x2048xi32>
    %get3A_116 = vector.shape_cast %get3A_115 : vector<1x2048xi32> to vector<2048xi32>
    %broadcast_in_dim3A_117 = vector.shape_cast %get3A_116 : vector<2048xi32> to vector<2048x1xi32>
    %iota3A_118 = tpu.iota {dimensions = array<i32: 1>} : vector<2048x113xi32>
    %eq3A_119 = vector.broadcast %broadcast_in_dim3A_117 : vector<2048x1xi32> to vector<2048x113xi32>
    %eq3A_120 = arith.cmpi eq, %eq3A_119, %iota3A_118 : vector<2048x113xi32>
    %convert_element_type3A_121 = arith.extui %eq3A_120 : vector<2048x113xi1> to vector<2048x113xi32>
    %convert_element_type3A_122 = arith.sitofp %convert_element_type3A_121 : vector<2048x113xi32> to vector<2048x113xf32>
    %convert_element_type3A_123 = arith.truncf %convert_element_type3A_122 : vector<2048x113xf32> to vector<2048x113xbf16>
    %get3A_124 = arith.constant 0 : index
    %get3A_125 = arith.constant 0 : index
    %get3A_126 = vector.load %arg10[%get3A_124, %get3A_125] : memref<113x64xf32, #tpu.memory_space<vmem>>, vector<113x64xf32>
    %convert_element_type3A_127 = arith.truncf %get3A_126 : vector<113x64xf32> to vector<113x64xbf16>
    %dot_general3A_128 = arith.constant dense<0.000000e+00> : vector<2048x64xf32>
    %dot_general3A_129 = tpu.matmul %convert_element_type3A_123, %convert_element_type3A_127, %dot_general3A_128 {dimension_numbers = #tpu.dot_dimension_numbers<[1], [0], [0], [1], [0, 0, 1, 1], [], []>, transpose_lhs_hint = false} : vector<2048x113xbf16>, vector<113x64xbf16>, vector<2048x64xf32> -> vector<2048x64xf32>
    %convert_element_type3A_130 = arith.truncf %dot_general3A_129 : vector<2048x64xf32> to vector<2048x64xbf16>
    %swap3A_131 = arith.constant 0 : index
    %swap3A_132 = arith.constant 320 : index
    %swap3A_133 = vector.load %arg22[%swap3A_131, %swap3A_132] : memref<2048x960xbf16, #tpu.memory_space<vmem>>, vector<2048x64xbf16>
    tpu.vector_store %arg22[%swap3A_131, %swap3A_132], %convert_element_type3A_130 {strides = array<i32>} : memref<2048x960xbf16, #tpu.memory_space<vmem>>, vector<2048x64xbf16>,
    %get3A_134 = arith.constant 3 : index
    %get3A_135 = arith.constant 0 : index
    %get3A_136 = vector.load %arg7[%get3A_134, %get3A_135] : memref<12x2048xi32, #tpu.memory_space<vmem>>, vector<1x2048xi32>
    %get3A_137 = vector.shape_cast %get3A_136 : vector<1x2048xi32> to vector<2048xi32>
    %broadcast_in_dim3A_138 = vector.shape_cast %get3A_137 : vector<2048xi32> to vector<2048x1xi32>
    %iota3A_139 = tpu.iota {dimensions = array<i32: 1>} : vector<2048x1002xi32>
    %eq3A_140 = vector.broadcast %broadcast_in_dim3A_138 : vector<2048x1xi32> to vector<2048x1002xi32>
    %eq3A_141 = arith.cmpi eq, %eq3A_140, %iota3A_139 : vector<2048x1002xi32>
    %convert_element_type3A_142 = arith.extui %eq3A_141 : vector<2048x1002xi1> to vector<2048x1002xi32>
    %convert_element_type3A_143 = arith.sitofp %convert_element_type3A_142 : vector<2048x1002xi32> to vector<2048x1002xf32>
    %convert_element_type3A_144 = arith.truncf %convert_element_type3A_143 : vector<2048x1002xf32> to vector<2048x1002xbf16>
    %get3A_145 = arith.constant 0 : index
    %get3A_146 = arith.constant 0 : index
    %get3A_147 = vector.load %arg11[%get3A_145, %get3A_146] : memref<1002x64xf32, #tpu.memory_space<vmem>>, vector<1002x64xf32>
    %convert_element_type3A_148 = arith.truncf %get3A_147 : vector<1002x64xf32> to vector<1002x64xbf16>
    %dot_general3A_149 = arith.constant dense<0.000000e+00> : vector<2048x64xf32>
    %dot_general3A_150 = tpu.matmul %convert_element_type3A_144, %convert_element_type3A_148, %dot_general3A_149 {dimension_numbers = #tpu.dot_dimension_numbers<[1], [0], [0], [1], [0, 0, 1, 1], [], []>, transpose_lhs_hint = false} : vector<2048x1002xbf16>, vector<1002x64xbf16>, vector<2048x64xf32> -> vector<2048x64xf32>
    %convert_element_type3A_151 = arith.truncf %dot_general3A_150 : vector<2048x64xf32> to vector<2048x64xbf16>
    %swap3A_152 = arith.constant 0 : index
    %swap3A_153 = arith.constant 384 : index
    %swap3A_154 = vector.load %arg22[%swap3A_152, %swap3A_153] : memref<2048x960xbf16, #tpu.memory_space<vmem>>, vector<2048x64xbf16>
    tpu.vector_store %arg22[%swap3A_152, %swap3A_153], %convert_element_type3A_151 {strides = array<i32>} : memref<2048x960xbf16, #tpu.memory_space<vmem>>, vector<2048x64xbf16>,
    %get3A_155 = arith.constant 4 : index
    %get3A_156 = arith.constant 0 : index
    %get3A_157 = vector.load %arg7[%get3A_155, %get3A_156] : memref<12x2048xi32, #tpu.memory_space<vmem>>, vector<1x2048xi32>
    %get3A_158 = vector.shape_cast %get3A_157 : vector<1x2048xi32> to vector<2048xi32>
    %broadcast_in_dim3A_159 = vector.shape_cast %get3A_158 : vector<2048xi32> to vector<2048x1xi32>
    %iota3A_160 = tpu.iota {dimensions = array<i32: 1>} : vector<2048x3xi32>
    %eq3A_161 = vector.broadcast %broadcast_in_dim3A_159 : vector<2048x1xi32> to vector<2048x3xi32>
    %eq3A_162 = arith.cmpi eq, %eq3A_161, %iota3A_160 : vector<2048x3xi32>
    %convert_element_type3A_163 = arith.extui %eq3A_162 : vector<2048x3xi1> to vector<2048x3xi32>
    %convert_element_type3A_164 = arith.sitofp %convert_element_type3A_163 : vector<2048x3xi32> to vector<2048x3xf32>
    %convert_element_type3A_165 = arith.truncf %convert_element_type3A_164 : vector<2048x3xf32> to vector<2048x3xbf16>
    %get3A_166 = arith.constant 0 : index
    %get3A_167 = arith.constant 0 : index
    %get3A_168 = vector.load %arg12[%get3A_166, %get3A_167] : memref<3x64xf32, #tpu.memory_space<vmem>>, vector<3x64xf32>
    %convert_element_type3A_169 = arith.truncf %get3A_168 : vector<3x64xf32> to vector<3x64xbf16>
    %dot_general3A_170 = arith.constant dense<0.000000e+00> : vector<2048x64xf32>
    %dot_general3A_171 = tpu.matmul %convert_element_type3A_165, %convert_element_type3A_169, %dot_general3A_170 {dimension_numbers = #tpu.dot_dimension_numbers<[1], [0], [0], [1], [0, 0, 1, 1], [], []>, transpose_lhs_hint = false} : vector<2048x3xbf16>, vector<3x64xbf16>, vector<2048x64xf32> -> vector<2048x64xf32>
    %convert_element_type3A_172 = arith.truncf %dot_general3A_171 : vector<2048x64xf32> to vector<2048x64xbf16>
    %swap3A_173 = arith.constant 0 : index
    %swap3A_174 = arith.constant 448 : index
    %swap3A_175 = vector.load %arg22[%swap3A_173, %swap3A_174] : memref<2048x960xbf16, #tpu.memory_space<vmem>>, vector<2048x64xbf16>
    tpu.vector_store %arg22[%swap3A_173, %swap3A_174], %convert_element_type3A_172 {strides = array<i32>} : memref<2048x960xbf16, #tpu.memory_space<vmem>>, vector<2048x64xbf16>,
    %get3A_176 = arith.constant 5 : index
    %get3A_177 = arith.constant 0 : index
    %get3A_178 = vector.load %arg7[%get3A_176, %get3A_177] : memref<12x2048xi32, #tpu.memory_space<vmem>>, vector<1x2048xi32>
    %get3A_179 = vector.shape_cast %get3A_178 : vector<1x2048xi32> to vector<2048xi32>
    %broadcast_in_dim3A_180 = vector.shape_cast %get3A_179 : vector<2048xi32> to vector<2048x1xi32>
    %iota3A_181 = tpu.iota {dimensions = array<i32: 1>} : vector<2048x5xi32>
    %eq3A_182 = vector.broadcast %broadcast_in_dim3A_180 : vector<2048x1xi32> to vector<2048x5xi32>
    %eq3A_183 = arith.cmpi eq, %eq3A_182, %iota3A_181 : vector<2048x5xi32>
    %convert_element_type3A_184 = arith.extui %eq3A_183 : vector<2048x5xi1> to vector<2048x5xi32>
    %convert_element_type3A_185 = arith.sitofp %convert_element_type3A_184 : vector<2048x5xi32> to vector<2048x5xf32>
    %convert_element_type3A_186 = arith.truncf %convert_element_type3A_185 : vector<2048x5xf32> to vector<2048x5xbf16>
    %get3A_187 = arith.constant 0 : index
    %get3A_188 = arith.constant 0 : index
    %get3A_189 = vector.load %arg13[%get3A_187, %get3A_188] : memref<5x64xf32, #tpu.memory_space<vmem>>, vector<5x64xf32>
    %convert_element_type3A_190 = arith.truncf %get3A_189 : vector<5x64xf32> to vector<5x64xbf16>
    %dot_general3A_191 = arith.constant dense<0.000000e+00> : vector<2048x64xf32>
    %dot_general3A_192 = tpu.matmul %convert_element_type3A_186, %convert_element_type3A_190, %dot_general3A_191 {dimension_numbers = #tpu.dot_dimension_numbers<[1], [0], [0], [1], [0, 0, 1, 1], [], []>, transpose_lhs_hint = false} : vector<2048x5xbf16>, vector<5x64xbf16>, vector<2048x64xf32> -> vector<2048x64xf32>
    %convert_element_type3A_193 = arith.truncf %dot_general3A_192 : vector<2048x64xf32> to vector<2048x64xbf16>
    %swap3A_194 = arith.constant 0 : index
    %swap3A_195 = arith.constant 512 : index
    %swap3A_196 = vector.load %arg22[%swap3A_194, %swap3A_195] : memref<2048x960xbf16, #tpu.memory_space<vmem>>, vector<2048x64xbf16>
    tpu.vector_store %arg22[%swap3A_194, %swap3A_195], %convert_element_type3A_193 {strides = array<i32>} : memref<2048x960xbf16, #tpu.memory_space<vmem>>, vector<2048x64xbf16>,
    %get3A_197 = arith.constant 6 : index
    %get3A_198 = arith.constant 0 : index
    %get3A_199 = vector.load %arg7[%get3A_197, %get3A_198] : memref<12x2048xi32, #tpu.memory_space<vmem>>, vector<1x2048xi32>
    %get3A_200 = vector.shape_cast %get3A_199 : vector<1x2048xi32> to vector<2048xi32>
    %broadcast_in_dim3A_201 = vector.shape_cast %get3A_200 : vector<2048xi32> to vector<2048x1xi32>
    %iota3A_202 = tpu.iota {dimensions = array<i32: 1>} : vector<2048x32xi32>
    %eq3A_203 = vector.broadcast %broadcast_in_dim3A_201 : vector<2048x1xi32> to vector<2048x32xi32>
    %eq3A_204 = arith.cmpi eq, %eq3A_203, %iota3A_202 : vector<2048x32xi32>
    %convert_element_type3A_205 = arith.extui %eq3A_204 : vector<2048x32xi1> to vector<2048x32xi32>
    %convert_element_type3A_206 = arith.sitofp %convert_element_type3A_205 : vector<2048x32xi32> to vector<2048x32xf32>
    %convert_element_type3A_207 = arith.truncf %convert_element_type3A_206 : vector<2048x32xf32> to vector<2048x32xbf16>
    %get3A_208 = arith.constant 0 : index
    %get3A_209 = arith.constant 0 : index
    %get3A_210 = vector.load %arg14[%get3A_208, %get3A_209] : memref<32x64xf32, #tpu.memory_space<vmem>>, vector<32x64xf32>
    %convert_element_type3A_211 = arith.truncf %get3A_210 : vector<32x64xf32> to vector<32x64xbf16>
    %dot_general3A_212 = arith.constant dense<0.000000e+00> : vector<2048x64xf32>
    %dot_general3A_213 = tpu.matmul %convert_element_type3A_207, %convert_element_type3A_211, %dot_general3A_212 {dimension_numbers = #tpu.dot_dimension_numbers<[1], [0], [0], [1], [0, 0, 1, 1], [], []>, transpose_lhs_hint = false} : vector<2048x32xbf16>, vector<32x64xbf16>, vector<2048x64xf32> -> vector<2048x64xf32>
    %convert_element_type3A_214 = arith.truncf %dot_general3A_213 : vector<2048x64xf32> to vector<2048x64xbf16>
    %swap3A_215 = arith.constant 0 : index
    %swap3A_216 = arith.constant 576 : index
    %swap3A_217 = vector.load %arg22[%swap3A_215, %swap3A_216] : memref<2048x960xbf16, #tpu.memory_space<vmem>>, vector<2048x64xbf16>
    tpu.vector_store %arg22[%swap3A_215, %swap3A_216], %convert_element_type3A_214 {strides = array<i32>} : memref<2048x960xbf16, #tpu.memory_space<vmem>>, vector<2048x64xbf16>,
    %get3A_218 = arith.constant 7 : index
    %get3A_219 = arith.constant 0 : index
    %get3A_220 = vector.load %arg7[%get3A_218, %get3A_219] : memref<12x2048xi32, #tpu.memory_space<vmem>>, vector<1x2048xi32>
    %get3A_221 = vector.shape_cast %get3A_220 : vector<1x2048xi32> to vector<2048xi32>
    %broadcast_in_dim3A_222 = vector.shape_cast %get3A_221 : vector<2048xi32> to vector<2048x1xi32>
    %iota3A_223 = tpu.iota {dimensions = array<i32: 1>} : vector<2048x13xi32>
    %eq3A_224 = vector.broadcast %broadcast_in_dim3A_222 : vector<2048x1xi32> to vector<2048x13xi32>
    %eq3A_225 = arith.cmpi eq, %eq3A_224, %iota3A_223 : vector<2048x13xi32>
    %convert_element_type3A_226 = arith.extui %eq3A_225 : vector<2048x13xi1> to vector<2048x13xi32>
    %convert_element_type3A_227 = arith.sitofp %convert_element_type3A_226 : vector<2048x13xi32> to vector<2048x13xf32>
    %convert_element_type3A_228 = arith.truncf %convert_element_type3A_227 : vector<2048x13xf32> to vector<2048x13xbf16>
    %get3A_229 = arith.constant 0 : index
    %get3A_230 = arith.constant 0 : index
    %get3A_231 = vector.load %arg15[%get3A_229, %get3A_230] : memref<13x64xf32, #tpu.memory_space<vmem>>, vector<13x64xf32>
    %convert_element_type3A_232 = arith.truncf %get3A_231 : vector<13x64xf32> to vector<13x64xbf16>
    %dot_general3A_233 = arith.constant dense<0.000000e+00> : vector<2048x64xf32>
    %dot_general3A_234 = tpu.matmul %convert_element_type3A_228, %convert_element_type3A_232, %dot_general3A_233 {dimension_numbers = #tpu.dot_dimension_numbers<[1], [0], [0], [1], [0, 0, 1, 1], [], []>, transpose_lhs_hint = false} : vector<2048x13xbf16>, vector<13x64xbf16>, vector<2048x64xf32> -> vector<2048x64xf32>
    %convert_element_type3A_235 = arith.truncf %dot_general3A_234 : vector<2048x64xf32> to vector<2048x64xbf16>
    %swap3A_236 = arith.constant 0 : index
    %swap3A_237 = arith.constant 640 : index
    %swap3A_238 = vector.load %arg22[%swap3A_236, %swap3A_237] : memref<2048x960xbf16, #tpu.memory_space<vmem>>, vector<2048x64xbf16>
    tpu.vector_store %arg22[%swap3A_236, %swap3A_237], %convert_element_type3A_235 {strides = array<i32>} : memref<2048x960xbf16, #tpu.memory_space<vmem>>, vector<2048x64xbf16>,
    %get3A_239 = arith.constant 8 : index
    %get3A_240 = arith.constant 0 : index
    %get3A_241 = vector.load %arg7[%get3A_239, %get3A_240] : memref<12x2048xi32, #tpu.memory_space<vmem>>, vector<1x2048xi32>
    %get3A_242 = vector.shape_cast %get3A_241 : vector<1x2048xi32> to vector<2048xi32>
    %broadcast_in_dim3A_243 = vector.shape_cast %get3A_242 : vector<2048xi32> to vector<2048x1xi32>
    %iota3A_244 = tpu.iota {dimensions = array<i32: 1>} : vector<2048x11xi32>
    %eq3A_245 = vector.broadcast %broadcast_in_dim3A_243 : vector<2048x1xi32> to vector<2048x11xi32>
    %eq3A_246 = arith.cmpi eq, %eq3A_245, %iota3A_244 : vector<2048x11xi32>
    %convert_element_type3A_247 = arith.extui %eq3A_246 : vector<2048x11xi1> to vector<2048x11xi32>
    %convert_element_type3A_248 = arith.sitofp %convert_element_type3A_247 : vector<2048x11xi32> to vector<2048x11xf32>
    %convert_element_type3A_249 = arith.truncf %convert_element_type3A_248 : vector<2048x11xf32> to vector<2048x11xbf16>
    %get3A_250 = arith.constant 0 : index
    %get3A_251 = arith.constant 0 : index
    %get3A_252 = vector.load %arg16[%get3A_250, %get3A_251] : memref<11x64xf32, #tpu.memory_space<vmem>>, vector<11x64xf32>
    %convert_element_type3A_253 = arith.truncf %get3A_252 : vector<11x64xf32> to vector<11x64xbf16>
    %dot_general3A_254 = arith.constant dense<0.000000e+00> : vector<2048x64xf32>
    %dot_general3A_255 = tpu.matmul %convert_element_type3A_249, %convert_element_type3A_253, %dot_general3A_254 {dimension_numbers = #tpu.dot_dimension_numbers<[1], [0], [0], [1], [0, 0, 1, 1], [], []>, transpose_lhs_hint = false} : vector<2048x11xbf16>, vector<11x64xbf16>, vector<2048x64xf32> -> vector<2048x64xf32>
    %convert_element_type3A_256 = arith.truncf %dot_general3A_255 : vector<2048x64xf32> to vector<2048x64xbf16>
    %swap3A_257 = arith.constant 0 : index
    %swap3A_258 = arith.constant 704 : index
    %swap3A_259 = vector.load %arg22[%swap3A_257, %swap3A_258] : memref<2048x960xbf16, #tpu.memory_space<vmem>>, vector<2048x64xbf16>
    tpu.vector_store %arg22[%swap3A_257, %swap3A_258], %convert_element_type3A_256 {strides = array<i32>} : memref<2048x960xbf16, #tpu.memory_space<vmem>>, vector<2048x64xbf16>,
    %get3A_260 = arith.constant 9 : index
    %get3A_261 = arith.constant 0 : index
    %get3A_262 = vector.load %arg7[%get3A_260, %get3A_261] : memref<12x2048xi32, #tpu.memory_space<vmem>>, vector<1x2048xi32>
    %get3A_263 = vector.shape_cast %get3A_262 : vector<1x2048xi32> to vector<2048xi32>
    %broadcast_in_dim3A_264 = vector.shape_cast %get3A_263 : vector<2048xi32> to vector<2048x1xi32>
    %iota3A_265 = tpu.iota {dimensions = array<i32: 1>} : vector<2048x33xi32>
    %eq3A_266 = vector.broadcast %broadcast_in_dim3A_264 : vector<2048x1xi32> to vector<2048x33xi32>
    %eq3A_267 = arith.cmpi eq, %eq3A_266, %iota3A_265 : vector<2048x33xi32>
    %convert_element_type3A_268 = arith.extui %eq3A_267 : vector<2048x33xi1> to vector<2048x33xi32>
    %convert_element_type3A_269 = arith.sitofp %convert_element_type3A_268 : vector<2048x33xi32> to vector<2048x33xf32>
    %convert_element_type3A_270 = arith.truncf %convert_element_type3A_269 : vector<2048x33xf32> to vector<2048x33xbf16>
    %get3A_271 = arith.constant 0 : index
    %get3A_272 = arith.constant 0 : index
    %get3A_273 = vector.load %arg17[%get3A_271, %get3A_272] : memref<33x64xf32, #tpu.memory_space<vmem>>, vector<33x64xf32>
    %convert_element_type3A_274 = arith.truncf %get3A_273 : vector<33x64xf32> to vector<33x64xbf16>
    %dot_general3A_275 = arith.constant dense<0.000000e+00> : vector<2048x64xf32>
    %dot_general3A_276 = tpu.matmul %convert_element_type3A_270, %convert_element_type3A_274, %dot_general3A_275 {dimension_numbers = #tpu.dot_dimension_numbers<[1], [0], [0], [1], [0, 0, 1, 1], [], []>, transpose_lhs_hint = false} : vector<2048x33xbf16>, vector<33x64xbf16>, vector<2048x64xf32> -> vector<2048x64xf32>
    %convert_element_type3A_277 = arith.truncf %dot_general3A_276 : vector<2048x64xf32> to vector<2048x64xbf16>
    %swap3A_278 = arith.constant 0 : index
    %swap3A_279 = arith.constant 768 : index
    %swap3A_280 = vector.load %arg22[%swap3A_278, %swap3A_279] : memref<2048x960xbf16, #tpu.memory_space<vmem>>, vector<2048x64xbf16>
    tpu.vector_store %arg22[%swap3A_278, %swap3A_279], %convert_element_type3A_277 {strides = array<i32>} : memref<2048x960xbf16, #tpu.memory_space<vmem>>, vector<2048x64xbf16>,
    %get3A_281 = arith.constant 10 : index
    %get3A_282 = arith.constant 0 : index
    %get3A_283 = vector.load %arg7[%get3A_281, %get3A_282] : memref<12x2048xi32, #tpu.memory_space<vmem>>, vector<1x2048xi32>
    %get3A_284 = vector.shape_cast %get3A_283 : vector<1x2048xi32> to vector<2048xi32>
    %broadcast_in_dim3A_285 = vector.shape_cast %get3A_284 : vector<2048xi32> to vector<2048x1xi32>
    %iota3A_286 = tpu.iota {dimensions = array<i32: 1>} : vector<2048x65xi32>
    %eq3A_287 = vector.broadcast %broadcast_in_dim3A_285 : vector<2048x1xi32> to vector<2048x65xi32>
    %eq3A_288 = arith.cmpi eq, %eq3A_287, %iota3A_286 : vector<2048x65xi32>
    %convert_element_type3A_289 = arith.extui %eq3A_288 : vector<2048x65xi1> to vector<2048x65xi32>
    %convert_element_type3A_290 = arith.sitofp %convert_element_type3A_289 : vector<2048x65xi32> to vector<2048x65xf32>
    %convert_element_type3A_291 = arith.truncf %convert_element_type3A_290 : vector<2048x65xf32> to vector<2048x65xbf16>
    %get3A_292 = arith.constant 0 : index
    %get3A_293 = arith.constant 0 : index
    %get3A_294 = vector.load %arg18[%get3A_292, %get3A_293] : memref<65x64xf32, #tpu.memory_space<vmem>>, vector<65x64xf32>
    %convert_element_type3A_295 = arith.truncf %get3A_294 : vector<65x64xf32> to vector<65x64xbf16>
    %dot_general3A_296 = arith.constant dense<0.000000e+00> : vector<2048x64xf32>
    %dot_general3A_297 = tpu.matmul %convert_element_type3A_291, %convert_element_type3A_295, %dot_general3A_296 {dimension_numbers = #tpu.dot_dimension_numbers<[1], [0], [0], [1], [0, 0, 1, 1], [], []>, transpose_lhs_hint = false} : vector<2048x65xbf16>, vector<65x64xbf16>, vector<2048x64xf32> -> vector<2048x64xf32>
    %convert_element_type3A_298 = arith.truncf %dot_general3A_297 : vector<2048x64xf32> to vector<2048x64xbf16>
    %swap3A_299 = arith.constant 0 : index
    %swap3A_300 = arith.constant 832 : index
    %swap3A_301 = vector.load %arg22[%swap3A_299, %swap3A_300] : memref<2048x960xbf16, #tpu.memory_space<vmem>>, vector<2048x64xbf16>
    tpu.vector_store %arg22[%swap3A_299, %swap3A_300], %convert_element_type3A_298 {strides = array<i32>} : memref<2048x960xbf16, #tpu.memory_space<vmem>>, vector<2048x64xbf16>,
    %get3A_302 = arith.constant 11 : index
    %get3A_303 = arith.constant 0 : index
    %get3A_304 = vector.load %arg7[%get3A_302, %get3A_303] : memref<12x2048xi32, #tpu.memory_space<vmem>>, vector<1x2048xi32>
    %get3A_305 = vector.shape_cast %get3A_304 : vector<1x2048xi32> to vector<2048xi32>
    %broadcast_in_dim3A_306 = vector.shape_cast %get3A_305 : vector<2048xi32> to vector<2048x1xi32>
    %iota3A_307 = tpu.iota {dimensions = array<i32: 1>} : vector<2048x257xi32>
    %eq3A_308 = vector.broadcast %broadcast_in_dim3A_306 : vector<2048x1xi32> to vector<2048x257xi32>
    %eq3A_309 = arith.cmpi eq, %eq3A_308, %iota3A_307 : vector<2048x257xi32>
    %convert_element_type3A_310 = arith.extui %eq3A_309 : vector<2048x257xi1> to vector<2048x257xi32>
    %convert_element_type3A_311 = arith.sitofp %convert_element_type3A_310 : vector<2048x257xi32> to vector<2048x257xf32>
    %convert_element_type3A_312 = arith.truncf %convert_element_type3A_311 : vector<2048x257xf32> to vector<2048x257xbf16>
    %get3A_313 = arith.constant 0 : index
    %get3A_314 = arith.constant 0 : index
    %get3A_315 = vector.load %arg19[%get3A_313, %get3A_314] : memref<257x64xf32, #tpu.memory_space<vmem>>, vector<257x64xf32>
    %convert_element_type3A_316 = arith.truncf %get3A_315 : vector<257x64xf32> to vector<257x64xbf16>
    %dot_general3A_317 = arith.constant dense<0.000000e+00> : vector<2048x64xf32>
    %dot_general3A_318 = tpu.matmul %convert_element_type3A_312, %convert_element_type3A_316, %dot_general3A_317 {dimension_numbers = #tpu.dot_dimension_numbers<[1], [0], [0], [1], [0, 0, 1, 1], [], []>, transpose_lhs_hint = false} : vector<2048x257xbf16>, vector<257x64xbf16>, vector<2048x64xf32> -> vector<2048x64xf32>
    %convert_element_type3A_319 = arith.truncf %dot_general3A_318 : vector<2048x64xf32> to vector<2048x64xbf16>
    %swap3A_320 = arith.constant 0 : index
    %swap3A_321 = arith.constant 896 : index
    %swap3A_322 = vector.load %arg22[%swap3A_320, %swap3A_321] : memref<2048x960xbf16, #tpu.memory_space<vmem>>, vector<2048x64xbf16>
    tpu.vector_store %arg22[%swap3A_320, %swap3A_321], %convert_element_type3A_319 {strides = array<i32>} : memref<2048x960xbf16, #tpu.memory_space<vmem>>, vector<2048x64xbf16>,
    %get3A_323 = arith.constant 0 : index
    %get3A_324 = arith.constant 0 : index
    %get3A_325 = vector.load %arg22[%get3A_323, %get3A_324] : memref<2048x960xbf16, #tpu.memory_space<vmem>>, vector<2048x960xbf16>
    %get3A_326 = arith.constant 0 : index
    %get3A_327 = arith.constant 0 : index
    %get3A_328 = vector.load %arg21[%get3A_326, %get3A_327] : memref<1024x960xbf16, #tpu.memory_space<vmem>>, vector<1024x960xbf16>
    %dot_general3A_329 = arith.constant dense<0.000000e+00> : vector<2048x1024xf32>
    %dot_general3A_330 = tpu.matmul %get3A_325, %get3A_328, %dot_general3A_329 {dimension_numbers = #tpu.dot_dimension_numbers<[1], [1], [0], [0], [0, 0, 1, 0], [], []>, transpose_lhs_hint = false} : vector<2048x960xbf16>, vector<1024x960xbf16>, vector<2048x1024xf32> -> vector<2048x1024xf32>
    %swap3A_331 = arith.constant 0 : index
    %swap3A_332 = arith.constant 0 : index
    %swap3A_333 = vector.load %arg20[%swap3A_331, %swap3A_332] : memref<2048x1024xf32, #tpu.memory_space<vmem>>, vector<2048x1024xf32>
    tpu.vector_store %arg20[%swap3A_331, %swap3A_332], %dot_general3A_330 {strides = array<i32>} : memref<2048x1024xf32, #tpu.memory_space<vmem>>, vector<2048x1024xf32>,
    return
  }
  func.func @transform_0(%arg0: i32) -> (i32, i32) {
    %c0_i32 = arith.constant 0 : i32
    %c0_i32_0 = arith.constant 0 : i32
    %c0_i32_1 = arith.constant 0 : i32
    return %c0_i32, %c0_i32_0 : i32, i32
  }
  func.func @transform_1(%arg0: i32) -> (i32, i32, i32) {
    %c0_i32 = arith.constant 0 : i32
    %c0_i32_0 = arith.constant 0 : i32
    %c0_i32_1 = arith.constant 0 : i32
    %c0_i32_2 = arith.constant 0 : i32
    return %c0_i32, %c0_i32_0, %c0_i32_1 : i32, i32, i32
  }
  func.func @transform_2(%arg0: i32) -> (i32, i32, i32) {
    %c0_i32 = arith.constant 0 : i32
    %c0_i32_0 = arith.constant 0 : i32
    %c0_i32_1 = arith.constant 0 : i32
    return %c0_i32, %arg0, %c0_i32_0 : i32, i32, i32
  }
  func.func @transform_3(%arg0: i32) -> (i32, i32) {
    %c0_i32 = arith.constant 0 : i32
    %c0_i32_0 = arith.constant 0 : i32
    %c0_i32_1 = arith.constant 0 : i32
    return %c0_i32, %c0_i32_0 : i32, i32
  }
  func.func @transform_4(%arg0: i32) -> (i32, i32) {
    %c0_i32 = arith.constant 0 : i32
    %c0_i32_0 = arith.constant 0 : i32
    return %c0_i32, %arg0 : i32, i32
  }
  func.func @transform_5(%arg0: i32) -> (i32, i32) {
    %c0_i32 = arith.constant 0 : i32
    %c0_i32_0 = arith.constant 0 : i32
    %c0_i32_1 = arith.constant 0 : i32
    return %c0_i32, %c0_i32_0 : i32, i32
  }
  func.func @transform_6(%arg0: i32) -> (i32, i32) {
    %c0_i32 = arith.constant 0 : i32
    %c0_i32_0 = arith.constant 0 : i32
    return %c0_i32, %arg0 : i32, i32
  }
  func.func @transform_7(%arg0: i32) -> (i32, i32) {
    %c0_i32 = arith.constant 0 : i32
    %c0_i32_0 = arith.constant 0 : i32
    %c0_i32_1 = arith.constant 0 : i32
    return %c0_i32, %c0_i32_0 : i32, i32
  }
  func.func @transform_8(%arg0: i32) -> (i32, i32) {
    %c0_i32 = arith.constant 0 : i32
    %c0_i32_0 = arith.constant 0 : i32
    %c0_i32_1 = arith.constant 0 : i32
    return %c0_i32, %c0_i32_0 : i32, i32
  }
  func.func @transform_9(%arg0: i32) -> (i32, i32) {
    %c0_i32 = arith.constant 0 : i32
    %c0_i32_0 = arith.constant 0 : i32
    %c0_i32_1 = arith.constant 0 : i32
    return %c0_i32, %c0_i32_0 : i32, i32
  }
  func.func @transform_10(%arg0: i32) -> (i32, i32) {
    %c0_i32 = arith.constant 0 : i32
    %c0_i32_0 = arith.constant 0 : i32
    %c0_i32_1 = arith.constant 0 : i32
    return %c0_i32, %c0_i32_0 : i32, i32
  }
  func.func @transform_11(%arg0: i32) -> (i32, i32) {
    %c0_i32 = arith.constant 0 : i32
    %c0_i32_0 = arith.constant 0 : i32
    %c0_i32_1 = arith.constant 0 : i32
    return %c0_i32, %c0_i32_0 : i32, i32
  }
  func.func @transform_12(%arg0: i32) -> (i32, i32) {
    %c0_i32 = arith.constant 0 : i32
    %c0_i32_0 = arith.constant 0 : i32
    %c0_i32_1 = arith.constant 0 : i32
    return %c0_i32, %c0_i32_0 : i32, i32
  }
  func.func @transform_13(%arg0: i32) -> (i32, i32) {
    %c0_i32 = arith.constant 0 : i32
    %c0_i32_0 = arith.constant 0 : i32
    %c0_i32_1 = arith.constant 0 : i32
    return %c0_i32, %c0_i32_0 : i32, i32
  }
  func.func @transform_14(%arg0: i32) -> (i32, i32) {
    %c0_i32 = arith.constant 0 : i32
    %c0_i32_0 = arith.constant 0 : i32
    %c0_i32_1 = arith.constant 0 : i32
    return %c0_i32, %c0_i32_0 : i32, i32
  }
  func.func @transform_15(%arg0: i32) -> (i32, i32) {
    %c0_i32 = arith.constant 0 : i32
    %c0_i32_0 = arith.constant 0 : i32
    %c0_i32_1 = arith.constant 0 : i32
    return %c0_i32, %c0_i32_0 : i32, i32
  }
  func.func @transform_16(%arg0: i32) -> (i32, i32) {
    %c0_i32 = arith.constant 0 : i32
    %c0_i32_0 = arith.constant 0 : i32
    %c0_i32_1 = arith.constant 0 : i32
    return %c0_i32, %c0_i32_0 : i32, i32
  }
  func.func @transform_17(%arg0: i32) -> (i32, i32) {
    %c0_i32 = arith.constant 0 : i32
    %c0_i32_0 = arith.constant 0 : i32
    %c0_i32_1 = arith.constant 0 : i32
    return %c0_i32, %c0_i32_0 : i32, i32
  }
  func.func @transform_18(%arg0: i32) -> (i32, i32) {
    %c0_i32 = arith.constant 0 : i32
    %c0_i32_0 = arith.constant 0 : i32
    %c0_i32_1 = arith.constant 0 : i32
    return %c0_i32, %c0_i32_0 : i32, i32
  }
  func.func @transform_19(%arg0: i32) -> (i32, i32) {
    %c0_i32 = arith.constant 0 : i32
    %c0_i32_0 = arith.constant 0 : i32
    return %arg0, %c0_i32 : i32, i32
  }
}

</mosaic_0001>

<sc_bundles>
// kernel: kernel.8.cloned.1.call-start
scs
__scs_entry_jumppad:
0x0: {  	(pc) =	sbr.rel $0x88, $3  }
0x1: {  	(tag) =	ssettag $0x0;
	lr =	simm.s32 $0x1  }
0x2: {  	[smem:$0x3F8F] =	sst lr;
	_ =	strace $0xD0000000  }
0x3: {  	_ = 	snop  }
0x4: {  	_ = 	snop  }
0x5: {  	_ = 	snop  }
0x6: {  	_ = 	snop  }
0x7: {  	_ = 	snop  }
__scs_overlays_trampoline_lowered:
0x8: {  	[smem:$0x3F9E] =	sst s0  }
0x9: {  	[smem:$0x3F9F] =	sst s1  }
0xa: {  	[smem:$0x3FA0] =	sst s2  }
0xb: {  	[smem:$0x3FA1] =	sst s3  }
0xc: {  	[smem:$0x3FA2] =	sst s4  }
0xd: {  	[smem:$0x3FA3] =	sst s5  }
0xe: {  	[smem:$0x3FA4] =	sst s6  }
0xf: {  	[smem:$0x3FA5] =	sst s7  }
0x10: {  	[smem:$0x3FA6] =	sst s8  }
0x11: {  	[smem:$0x3FA7] =	sst s9;
	s0 =	simm.s32 @!p0 $0x0  }
0x12: {  	s1 =	sld [smem:$0x3F8D];
	s0 =	simm.s32 @p0 $0x1  }
0x13: {  	[smem:$0x3FA8] =	sst s0;
	s0 =	simm.s32 @!p1 $0x0  }
0x14: {  	s2 =	sld [smem:$0x3F8C];
	s0 =	simm.s32 @p1 $0x1  }
0x15: {  	[smem:$0x3FA9] =	sst s0;
	s0 =	simm.s32 @!p2 $0x0  }
0x16: {  	s3 =	sld [smem:$0x3FDB];
	s0 =	simm.s32 @p2 $0x1  }
0x17: {  	s4 =	simm.s32 $0x1BF5;
	[smem:$0x3FAB] =	sst s0  }
0x18: {  	s0 =	sld [smem:$0x3F8E];
	_ =	swait.ge [sflag:s4], $0x0  }
0x19: {  	s7 =	sld [smem:$0x3F8F]  }
0x1a: {  	s8 =	sadd.s32 $0xFFFFE003, lr  }
0x1b: {  	s9 =	sadd.s32 $0xFFFFFEF7, lr;
	s5 =	simm.s32 $0xFFFFFFFF;
	p2 =	slt.u32 s8, $0xFFFFF086  }
0x1c: {  	p1 =	slt.u32 s9, $0xF7A;
	s5 =	simm.s32 @!p2 $0x0  }
0x1d: {  	s5 =	simm.s32 @p1 $0x1;
	p0 =	seq.s32 s7, s2  }
0x1e: {  	s7 =	smul.u32 @!p0 $0xF7A, s2;
	p2 =	seq.s32 @!p0 s5, $0x0  }
0x1f: {  	s9 =	smul.u32 $0xF7A, s1;
	s8 =	simm.s32 @!p0 $0x1BF5;
	p2 =	por !p2, p0  }
0x20: {  	[sflag:s8] =	ssyncset.s32 @!p0 $0xFFFFF086;
	s6 =	sadd.s32 @!p0 s3, s7;
	s7 =	simm.s32 @!p0 $0x108  }
0x21: {  	s3 =	sadd.s32 s3, s9;
	s6 =	sadd.s32 @!p0 $0x88, s6;
	s7 =	simm.s32 @p2 $0x1082  }
0x22: {  	[simem:s7], [sflag:s8] =	dma.local @!p0 [hbm:s6], $0xF7A  }
0x23: {  	s9 =	sor.u32 $0xD0000000, s2;
	s6 =	simm.s32 $0x108;
	_ =	swait.ge @!p0 [sflag:s8], $0x0  }
0x24: {  	s3 =	sadd.s32 $0x88, s3;
	s6 =	simm.s32 @!p1 $0x1082;
	[sflag:s4] =	ssyncset.s32 $0xFFFFF086  }
0x25: {  	[simem:s6], [sflag:s4] =	dma.local [hbm:s3], $0xF7A  }
0x26: {  	[smem:$0x3F8F] =	sst s1;
	(tag) =	ssettag s2;
	_ =	strace s9  }
0x27: {  	s1 =	sld [smem:$0x3F9F]  }
0x28: {  	s2 =	sld [smem:$0x3FA0]  }
0x29: {  	s4 =	sld [smem:$0x3FA2]  }
0x2a: {  	p0 =	seq.s32 s5, $0x0;
	s5 =	sld [smem:$0x3FA3]  }
0x2b: {  	s6 =	sld [smem:$0x3FA4]  }
0x2c: {  	s7 =	sld [smem:$0x3FA5]  }
0x2d: {  	s3 =	simm.s32 $0x108;
	s8 =	sld [smem:$0x3FA6]  }
0x2e: {  	s3 =	simm.s32 @!p0 $0x1082;
	s9 =	sld [smem:$0x3FA7]  }
0x2f: {  	lr =	sadd.s32 s0, s3;
	s0 =	sld [smem:$0x3F9E]  }
0x30: {  	s3 =	sld [smem:$0x3FA1]  }
0x31: {  	[smem:$0x3FAA] =	sst s10  }
0x32: {  	s10 =	sld [smem:$0x3FA8];
	_ =	sdelay $0x3  }
0x33: {  	p0 =	seq.s32 s10, $0x1;
	s10 =	sld [smem:$0x3FAA];
	_ =	sdelay $0x3  }
0x34: {  	[smem:$0x3FAA] =	sst s10  }
0x35: {  	s10 =	sld [smem:$0x3FA9];
	_ =	sdelay $0x3  }
0x36: {  	p1 =	seq.s32 s10, $0x1;
	s10 =	sld [smem:$0x3FAA];
	_ =	sdelay $0x3  }
0x37: {  	[smem:$0x3FAA] =	sst s10  }
0x38: {  	s10 =	sld [smem:$0x3FAB]  }
0x39: {  	_ = 	snop;
	(pc) =	sbr.ind lr, $3  }
0x3a: {  	_ = 	snop  }
0x3b: {  	_ = 	snop  }
0x3c: {  	p2 =	seq.s32 s10, $0x1;
	s10 =	sld [smem:$0x3FAA]  }
0x3d: {  	_ =	shalt  }
0x3e: {  	_ =	shalt  }
0x3f: {  	_ =	shalt  }
0x40: {  	_ =	shalt  }
0x41: {  	_ =	shalt  }
0x42: {  	_ =	shalt  }
0x43: {  	_ =	shalt  }
0x44: {  	_ =	shalt  }
0x45: {  	_ =	shalt  }
0x46: {  	_ =	shalt  }
0x47: {  	_ =	shalt  }
0x48: {  	_ =	shalt  }
0x49: {  	_ =	shalt  }
0x4a: {  	_ =	shalt  }
0x4b: {  	_ =	shalt  }
0x4c: {  	_ =	shalt  }
0x4d: {  	_ =	shalt  }
0x4e: {  	_ =	shalt  }
0x4f: {  	_ =	shalt  }
0x50: {  	_ =	shalt  }
0x51: {  	_ =	shalt  }
0x52: {  	_ =	shalt  }
0x53: {  	_ =	shalt  }
0x54: {  	_ =	shalt  }
0x55: {  	_ =	shalt  }
0x56: {  	_ =	shalt  }
0x57: {  	_ =	shalt  }
0x58: {  	_ =	shalt  }
0x59: {  	_ =	shalt  }
0x5a: {  	_ =	shalt  }
0x5b: {  	_ =	shalt  }
0x5c: {  	_ =	shalt  }
0x5d: {  	_ =	shalt  }
0x5e: {  	_ =	shalt  }
0x5f: {  	_ =	shalt  }
0x60: {  	_ =	shalt  }
0x61: {  	_ =	shalt  }
0x62: {  	_ =	shalt  }
0x63: {  	_ =	shalt  }
0x64: {  	_ =	shalt  }
0x65: {  	_ =	shalt  }
0x66: {  	_ =	shalt  }
0x67: {  	_ =	shalt  }
0x68: {  	_ =	shalt  }
0x69: {  	_ =	shalt  }
0x6a: {  	_ =	shalt  }
0x6b: {  	_ =	shalt  }
0x6c: {  	_ =	shalt  }
0x6d: {  	_ =	shalt  }
0x6e: {  	_ =	shalt  }
0x6f: {  	_ =	shalt  }
0x70: {  	_ =	shalt  }
0x71: {  	_ =	shalt  }
0x72: {  	_ =	shalt  }
0x73: {  	_ =	shalt  }
0x74: {  	_ =	shalt  }
0x75: {  	_ =	shalt  }
0x76: {  	_ =	shalt  }
0x77: {  	_ =	shalt  }
0x78: {  	_ =	shalt  }
0x79: {  	_ =	shalt  }
0x7a: {  	_ =	shalt  }
0x7b: {  	_ =	shalt  }
0x7c: {  	_ =	shalt  }
0x7d: {  	_ =	shalt  }
0x7e: {  	_ =	shalt  }
0x7f: {  	_ =	shalt  }
0x80: {  	_ =	shalt  }
0x81: {  	_ =	shalt  }
0x82: {  	_ =	shalt  }
0x83: {  	_ =	shalt  }
0x84: {  	_ =	shalt  }
0x85: {  	_ =	shalt  }
0x86: {  	_ =	shalt  }
0x87: {  	_ =	shalt  }
.Lfunc_end0:
.L_simem_size_0:
called_computation_lowered:
.L_overlay_start_0:
0x88: {  	s2 =	sld [smem:$0x3FD9]  }
0x89: {  	s3 =	sld [smem:$0x3FFE];
	_ =	sdelay $0x1  }
0x8a: {  	s1 =	srdreg.scid  }
0x8b: {  	s0 =	sand.u32 $0x1, s1  }
0x8c: {  	s17 =	sshll.u32 s0, $0xA;
	s2 =	sadd.s32 s3, s2  }
0x8d: {  	s2 =	sadd.s32 s2, s17  }
0x8e: {  	[smem:$0x3FB6] =	sst s2  }
0x8f: {  	_ = 	snop  }
0x90: {  	s2 =	sld [smem:$0x3FD0];
	(tm) =	ssettm $0x1  }
0x91: {  	s18 =	sld [smem:$0x3FFB];
	_ =	sdelay $0x3  }
0x92: {  	_ =	strace s18  }
0x93: {  	s3 =	sld [smem:$0x3FFC];
	_ =	sdelay $0x3  }
0x94: {  	_ =	strace s3  }
0x95: {  	s3 =	sld [smem:$0x3FFD];
	_ =	sdelay $0x3  }
0x96: {  	_ =	strace s3  }
0x97: {  	_ =	strace $0x8FFFFFFF  }
0x98: {  	s19 =	sld [smem:$0x3FDB];
	_ =	sdelay $0x1  }
0x99: {  	s4 =	simm.s32 $_scs_section_size  }
0x9a: {  	s5 =	simm.s32 $_size__tile_overlayer_lowered;
	s6 =	simm.s32 $_tile_overlayer_lowered  }
0x9b: {  	s22 =	simm.s32 $0x1BFF;
	s21 =	sshll.u32 s6, $0x1;
	s3 =	sadd.s32 s4, s19  }
0x9c: {  	s7 =	simm.s32 $0x0;
	s20 =	sshll.u32 s5, $0x1;
	s5 =	sadd.s32 s21, s3  }
0x9d: {  	[timem:s7], [sflag:s22] =	dma.local [hbm:s5], s20  }
0x9e: {  	_ =	swait.ge [sflag:s22], s20  }
0x9f: {  	s4 =	ssub.s32 $0x0, s20;
	[sflag:s22] =	ssyncset.done $0x0  }
0xa0: {  	[sflag:s22] =	ssyncadd.s32 s4;
	_ =	sdelay $0x1  }
0xa1: {  	s23 =	simm.s32 $0x1B8B  }
0xa2: {  	_ =	swait.ge [sflag:s23], $0x1  }
0xa3: {  	[sflag:s23] =	ssyncset.done $0x0  }
0xa4: {  	s25 =	simm.s32 $0x1B8E;
	s24 =	sld [smem:$0x3FFE];
	[sflag:s23] =	ssyncadd.s32 $0xFFFFFFFF  }
0xa5: {  	s26 =	simm.s32 $execute0_lowered;
	[smem:$0x3FD2] =	sst s25  }
0xa6: {  	s5 =	sshll.u32 s26, $0x1;
	_ =	strace $0x80000046;
	[dreg:$0x1] =	wrdreg $0xFFFFFFFF  }
0xa7: {  	s28 =	simm.s32 $_size_execute0_lowered;
	s3 =	sadd.s32 s3, s5;
	[dreg:$0x0] =	wrdreg $0x0  }
0xa8: {  	s5 =	sshll.u32 s28, $0x1;
	[dreg:$0x2] =	wrdreg s3  }
0xa9: {  	[dreg:$0x3] =	wrdreg s5  }
0xaa: {  	[dreg:$0x4] =	wrdreg $0xC0  }
0xab: {  	_ =	task [dreg:s7], $0x5FFFF  }
0xac: {  	[dreg:$0x1] =	wrdreg $0xFFFFFFFF  }
0xad: {  	[dreg:$0x0] =	wrdreg $0x60  }
0xae: {  	[dreg:$0x2] =	wrdreg s24  }
0xaf: {  	[dreg:$0x3] =	wrdreg s2  }
0xb0: {  	[dreg:$0x4] =	wrdreg $0x9  }
0xb1: {  	_ =	task.clear_ibuf [dreg:s7], $0x5FFFF;
	_ =	strace $0x90000046  }
0xb2: {  	s29 =	simm.s32 $0x9;
	_ =	strace $0x80000048  }
0xb3: {  	_ =	swait.ge [sflag:s29], $0x1  }
0xb4: {  	[sflag:s29] =	ssyncadd.s32 $0xFFFFFFFF  }
0xb5: {  	_ =	strace $0x90000048  }
0xb6: {  	_ =	sfence  }
0xb7: {  	s30 =	sld [smem:$0x0];
	_ =	sdelay $0x2  }
0xb8: {  	s31 =	sshll.u32 s1, $0xD;
	s1 =	sshrl.u32 s1, $0x2  }
0xb9: {  	s3 =	sand.u32 $0x4000, s31;
	s1 =	sadd.s32 s1, s30  }
0xba: {  	s0 =	sor.u32 s3, s0;
	s1 =	sshll.u32 s1, $0x11  }
0xbb: {  	s0 =	sor.u32 s1, s0  }
0xbc: {  	s0 =	sadd.s32 $0x8F2B, s0  }
0xbd: {  	[sflag:s0] =	ssyncadd.remote.s32 $0x1  }
0xbe: {  	_ =	sfence.sel $0xFFFF  }
0xbf: {  	[dreg:$0x0] =	wrdreg $0xFFFFFFFF;
	(pc) =	sbr.abs _section_cstart, $3  }
0xc0: {  	[dreg:$0x1] =	wrdreg $0xFFFFFFFF  }
0xc1: {  	_ =	task.clear_ibuf [dreg:s7], $0x2FFFF;
	_ =	strace $0x9FFFFFFF  }
0xc2: {  	(tm) =	ssettm $0x7FFFFFFF  }
0xc3: {  	_ =	shalt  }
tec
execute0_lowered:
.L_overlay_start_1:
0x0: {  	(tag) =	ssettag $0x1  }
0x1: {  	s0 =	srdreg.scid;
	s1 =	rddreg [dreg:$0x0]  }
0x2: {  	s2 =	stileid.u32;
	s4 =	rddreg [dreg:$0x1]  }
0x3: {  	s29 =	simm.s32 $0x3;
	s30 =	simm.s32 $0x20;
	s23 =	simm.s32 $0x180  }
0x4: {  	s24 =	simm.s32 $0x2C0;
	s25 =	simm.s32 $0x90;
	s26 =	simm.s32 $0x1D0  }
0x5: {  	p0 =	por $0x0, $0x0;
	s0 =	sand.u32 $0x1, s0;
	s2 =	sshll.u32 s2, $0x1  }
0x6: {  	s28 =	simm.s32 $0x130;
	s31 =	simm.s32 $0x270;
	s3 =	sor.u32 s0, s2  }
0x7: {  	s2 =	simm.s32 $0x0;
	s0 =	ssub.s32 $0x2, s0;
	s5 =	smul.u32 $0x78, s3  }
0x8: {  	[smem:$0x7FF] =	sst s2;
	s6 =	sshll.u32 s3, $0x3;
	s7 =	sshll.u32 s3, $0x9  }
0x9: {  	s3 =	smul.u32 $0xA000, s3;
	_ =	strace $0x80000047;
	[dreg:$0x13] =	wrdreg s23  }
0xa: {  	s20 =	sshrl.u32 s0, $0x1;
	s6 =	sadd.s32 s6, s1;
	[dreg:$0x14] =	wrdreg s24  }
0xb: {  	s7 =	sadd.s32 s7, s1;
	s0 =	ssub.s32 s0, s20;
	[dreg:$0x15] =	wrdreg s25  }
0xc: {  	s20 =	simm.s32 $0x50;
	[dreg:$0x16] =	wrdreg s26;
	s24 =	simm.s32 $0xE0  }
0xd: {  	s25 =	simm.s32 $0x220;
	s26 =	simm.s32 $0x360;
	s6 =	sadd.s32 $0x6600, s6  }
0xe: {  	s5 =	sadd.s32 s5, s1;
	s8 =	sadd.s32 $0x116800, s7;
	[dreg:$0x3] =	wrdreg s6  }
0xf: {  	s3 =	sshrl.u32 s3, $0x3;
	s9 =	sadd.s32 $0x11A800, s7;
	[dreg:$0x5] =	wrdreg s8  }
0x10: {  	s5 =	sadd.s32 $0x5400, s5;
	s3 =	sadd.s32 s3, s1;
	[dreg:$0x6] =	wrdreg s9  }
0x11: {  	s23 =	simm.s32 $0x3B0;
	[dreg:$0x4] =	wrdreg s5;
	s10 =	sadd.s32 $0x11E800, s3  }
0x12: {  	s0 =	smax.u32 s0, $0x1;
	s11 =	sadd.s32 $0x146800, s3;
	[dreg:$0x7] =	wrdreg s10  }
0x13: {  	s7 =	simm.s32 $0x19400;
	s12 =	sadd.s32 $0x16E800, s3;
	[dreg:$0x8] =	wrdreg s11  }
0x14: {  	s9 =	simm.s32 $0xF400;
	s13 =	sadd.s32 $0x11ED00, s3;
	[dreg:$0x9] =	wrdreg s12  }
0x15: {  	p1 =	sne.s32 s0, $0x1;
	s14 =	sadd.s32 $0x146D00, s3;
	[dreg:$0xa] =	wrdreg s13  }
0x16: {  	s6 =	simm.s32 $0x16C00;
	s15 =	sadd.s32 $0x16ED00, s3;
	[dreg:$0xb] =	wrdreg s14  }
0x17: {  	s8 =	simm.s32 $0x1BC00;
	s16 =	sadd.s32 $0x11F200, s3;
	[dreg:$0xc] =	wrdreg s15  }
0x18: {  	s17 =	sadd.s32 $0x147200, s3;
	s18 =	sadd.s32 $0x16F200, s3;
	[dreg:$0xd] =	wrdreg s16  }
0x19: {  	s19 =	sadd.s32 $0x11F700, s3;
	s21 =	sadd.s32 $0x147700, s3;
	[dreg:$0xe] =	wrdreg s17  }
0x1a: {  	s22 =	sadd.s32 $0x16F700, s3;
	s5 =	simm.s32 $0x1;
	[dreg:$0xf] =	wrdreg s18  }
0x1b: {  	s3 =	simm.s32 $0x2;
	s12 =	sadd.s32 $0x6800, s1;
	[dreg:$0x10] =	wrdreg s19  }
.Ltmp0:
0x1c: {  	s13 =	sadd.s32 $0xA6800, s1;
	[dreg:$0x11] =	wrdreg s21;
	(pc) =	sbr.rel @!p1 .LBB2_1-.Ltmp0, $4  }
0x1d: {  	[dreg:$0x12] =	wrdreg s22;
	s21 =	simm.s32 $0x40;
	s18 =	simm.s32 $0x400  }
0x1e: {  	s16 =	simm.s32 $0x2C00;
	s19 =	simm.s32 $0x5400;
	s14 =	simm.s32 $0x7C00  }
0x1f: {  	s15 =	simm.s32 $0xA400;
	s17 =	simm.s32 $0xCC00;
	s10 =	simm.s32 $0x11C00  }
0x20: {  	s11 =	simm.s32 $0x14400;
	s22 =	sadd.s32 $0xFFFFFFFF, s0;
	s0 =	rddreg [dreg:$0x3]  }
0x21: {  	[tilespmem:s2], [sflag:$0x3] =	stream.linear.gather [hbm4b:s0+s2], $0x40, $0x38;
	[tilespmem:$0x1E400] =	vst v63  }
0x22: {  	_ =	swait.ge [sflag:s29], $0x40  }
0x23: {  	[sflag:s29] =	ssyncset.done $0x0  }
0x24: {  	s1 =	rddreg [dreg:$0x4];
	[sflag:s29] =	ssyncadd.s32 $0xFFFFFFC0  }
0x25: {  	[tilespmem:s21], [sflag:$0x3] =	stream.linear.gather [hbm4b:s1+s2], $0x3C0, $0x38;
	[tilespmem:$0x1E400] =	vst v63  }
0x26: {  	_ =	swait.ge [sflag:s29], $0x3C0  }
0x27: {  	[sflag:s29] =	ssyncset.done $0x0  }
0x28: {  	[sflag:s29] =	ssyncadd.s32 $0xFFFFFC40  }
0x29: {  	[tilespmem:s18], [sflag:$0x1] =	stream.indirect.gather [hbm4b:s12+s30], $0x80, s2, s30, $0xb8;
	[tilespmem:$0x1E400] =	vst v63  }
0x2a: {  	_ = 	snop  }
0x2b: {  	[tilespmem:s16], [sflag:$0x1] =	stream.indirect.gather [hbm4b:s13+s30], $0x80, s30, s30, $0xb8;
	[tilespmem:$0x1E400] =	vst v63  }
0x2c: {  	_ =	swait.ge [sflag:s5], $0x1000  }
0x2d: {  	[sflag:s5] =	ssyncset.done $0x0  }
0x2e: {  	[sflag:s5] =	ssyncadd.s32 $0xFFFFF000  }
0x2f: {  	_ =	swait.ge [sflag:s5], $0x1000  }
0x30: {  	[sflag:s5] =	ssyncset.done $0x0  }
0x31: {  	s0 =	rddreg [dreg:$0x5];
	[sflag:s5] =	ssyncadd.s32 $0xFFFFF000  }
0x32: {  	[hbm4b:s0+s2] =	stream.linear.scatter [tilespmem:s18], [sflag:$0x2], $0x1000, $0x38;
	[tilespmem:$0x1E400] =	vst v63  }
0x33: {  	s1 =	rddreg [dreg:$0x6]  }
0x34: {  	[hbm4b:s1+s2] =	stream.linear.scatter [tilespmem:s16], [sflag:$0x2], $0x1000, $0x38;
	[tilespmem:$0x1E400] =	vst v63  }
0x35: {  	_ =	swait.ge [sflag:s3], $0x1000  }
0x36: {  	[sflag:s3] =	ssyncset.done $0x0  }
0x37: {  	[sflag:s3] =	ssyncadd.s32 $0xFFFFF000  }
0x38: {  	_ =	swait.ge [sflag:s3], $0x1000  }
0x39: {  	[sflag:s3] =	ssyncset.done $0x0  }
0x3a: {  	[sflag:s3] =	ssyncadd.s32 $0xFFFFF000  }
0x3b: {  	[tilespmem:s18], [sflag:$0x1] =	stream.indirect.gather [hbm4b:s4+s20], $0x80, s21, s20, $0xb8;
	[tilespmem:$0x1E400] =	vst v63  }
0x3c: {  	s0 =	rddreg [dreg:$0x13]  }
0x3d: {  	[tilespmem:s16], [sflag:$0x1] =	stream.indirect.gather [hbm4b:s12+s20], $0x80, s0, s20, $0xb8;
	[tilespmem:$0x1E400] =	vst v63  }
0x3e: {  	s1 =	rddreg [dreg:$0x14]  }
0x3f: {  	[tilespmem:s19], [sflag:$0x1] =	stream.indirect.gather [hbm4b:s13+s20], $0x80, s1, s20, $0xb8;
	[tilespmem:$0x1E400] =	vst v63  }
0x40: {  	s0 =	rddreg [dreg:$0x15]  }
0x41: {  	[tilespmem:s14], [sflag:$0x1] =	stream.indirect.gather [hbm4b:s4+s20], $0x80, s0, s20, $0xb8;
	[tilespmem:$0x1E400] =	vst v63  }
0x42: {  	s1 =	rddreg [dreg:$0x16]  }
0x43: {  	[tilespmem:s15], [sflag:$0x1] =	stream.indirect.gather [hbm4b:s12+s20], $0x80, s1, s20, $0xb8;
	[tilespmem:$0x1E400] =	vst v63  }
0x44: {  	s1 =	simm.s32 $0x310  }
0x45: {  	[tilespmem:s17], [sflag:$0x1] =	stream.indirect.gather [hbm4b:s13+s20], $0x80, s1, s20, $0xb8;
	[tilespmem:$0x1E400] =	vst v63  }
0x46: {  	_ = 	snop  }
0x47: {  	[tilespmem:s9], [sflag:$0x1] =	stream.indirect.gather [hbm4b:s4+s20], $0x80, s24, s20, $0xb8;
	[tilespmem:$0x1E400] =	vst v63  }
0x48: {  	_ = 	snop  }
0x49: {  	[tilespmem:s10], [sflag:$0x1] =	stream.indirect.gather [hbm4b:s12+s20], $0x80, s25, s20, $0xb8;
	[tilespmem:$0x1E400] =	vst v63  }
0x4a: {  	_ = 	snop  }
0x4b: {  	[tilespmem:s11], [sflag:$0x1] =	stream.indirect.gather [hbm4b:s13+s20], $0x80, s26, s20, $0xb8;
	[tilespmem:$0x1E400] =	vst v63  }
0x4c: {  	_ = 	snop  }
0x4d: {  	[tilespmem:s6], [sflag:$0x1] =	stream.indirect.gather [hbm4b:s4+s20], $0x80, s28, s20, $0xb8;
	[tilespmem:$0x1E400] =	vst v63  }
0x4e: {  	_ = 	snop  }
0x4f: {  	[tilespmem:s7], [sflag:$0x1] =	stream.indirect.gather [hbm4b:s12+s20], $0x80, s31, s20, $0xb8;
	[tilespmem:$0x1E400] =	vst v63  }
0x50: {  	_ = 	snop  }
0x51: {  	[tilespmem:s8], [sflag:$0x1] =	stream.indirect.gather [hbm4b:s13+s20], $0x80, s23, s20, $0xb8;
	[tilespmem:$0x1E400] =	vst v63  }
0x52: {  	_ =	swait.ge [sflag:s5], $0x2800  }
0x53: {  	[sflag:s5] =	ssyncset.done $0x0  }
0x54: {  	[sflag:s5] =	ssyncadd.s32 $0xFFFFD800  }
0x55: {  	_ =	swait.ge [sflag:s5], $0x2800  }
0x56: {  	[sflag:s5] =	ssyncset.done $0x0  }
0x57: {  	[sflag:s5] =	ssyncadd.s32 $0xFFFFD800  }
0x58: {  	_ =	swait.ge [sflag:s5], $0x2800  }
0x59: {  	[sflag:s5] =	ssyncset.done $0x0  }
0x5a: {  	s0 =	rddreg [dreg:$0x7];
	[sflag:s5] =	ssyncadd.s32 $0xFFFFD800  }
0x5b: {  	[hbm4b:s0+s2] =	stream.linear.scatter [tilespmem:s18], [sflag:$0x2], $0x2800, $0x38;
	[tilespmem:$0x1E400] =	vst v63  }
0x5c: {  	s1 =	rddreg [dreg:$0x8]  }
0x5d: {  	[hbm4b:s1+s2] =	stream.linear.scatter [tilespmem:s16], [sflag:$0x2], $0x2800, $0x38;
	[tilespmem:$0x1E400] =	vst v63  }
0x5e: {  	s0 =	rddreg [dreg:$0x9]  }
0x5f: {  	[hbm4b:s0+s2] =	stream.linear.scatter [tilespmem:s19], [sflag:$0x2], $0x2800, $0x38;
	[tilespmem:$0x1E400] =	vst v63  }
0x60: {  	_ =	swait.ge [sflag:s5], $0x2800  }
0x61: {  	[sflag:s5] =	ssyncset.done $0x0  }
0x62: {  	[sflag:s5] =	ssyncadd.s32 $0xFFFFD800  }
0x63: {  	_ =	swait.ge [sflag:s5], $0x2800  }
0x64: {  	[sflag:s5] =	ssyncset.done $0x0  }
0x65: {  	[sflag:s5] =	ssyncadd.s32 $0xFFFFD800  }
0x66: {  	_ =	swait.ge [sflag:s5], $0x2800  }
0x67: {  	[sflag:s5] =	ssyncset.done $0x0  }
0x68: {  	s0 =	rddreg [dreg:$0xa];
	[sflag:s5] =	ssyncadd.s32 $0xFFFFD800  }
0x69: {  	[hbm4b:s0+s2] =	stream.linear.scatter [tilespmem:s14], [sflag:$0x2], $0x2800, $0x38;
	[tilespmem:$0x1E400] =	vst v63  }
0x6a: {  	s1 =	rddreg [dreg:$0xb]  }
0x6b: {  	[hbm4b:s1+s2] =	stream.linear.scatter [tilespmem:s15], [sflag:$0x2], $0x2800, $0x38;
	[tilespmem:$0x1E400] =	vst v63  }
0x6c: {  	s0 =	rddreg [dreg:$0xc]  }
0x6d: {  	[hbm4b:s0+s2] =	stream.linear.scatter [tilespmem:s17], [sflag:$0x2], $0x2800, $0x38;
	[tilespmem:$0x1E400] =	vst v63  }
0x6e: {  	_ =	swait.ge [sflag:s5], $0x2800  }
0x6f: {  	[sflag:s5] =	ssyncset.done $0x0  }
0x70: {  	[sflag:s5] =	ssyncadd.s32 $0xFFFFD800  }
0x71: {  	_ =	swait.ge [sflag:s5], $0x2800  }
0x72: {  	[sflag:s5] =	ssyncset.done $0x0  }
0x73: {  	[sflag:s5] =	ssyncadd.s32 $0xFFFFD800  }
0x74: {  	_ =	swait.ge [sflag:s5], $0x2800  }
0x75: {  	[sflag:s5] =	ssyncset.done $0x0  }
0x76: {  	s0 =	rddreg [dreg:$0xd];
	[sflag:s5] =	ssyncadd.s32 $0xFFFFD800  }
0x77: {  	[hbm4b:s0+s2] =	stream.linear.scatter [tilespmem:s9], [sflag:$0x2], $0x2800, $0x38;
	[tilespmem:$0x1E400] =	vst v63  }
0x78: {  	s1 =	rddreg [dreg:$0xe]  }
0x79: {  	[hbm4b:s1+s2] =	stream.linear.scatter [tilespmem:s10], [sflag:$0x2], $0x2800, $0x38;
	[tilespmem:$0x1E400] =	vst v63  }
0x7a: {  	s0 =	rddreg [dreg:$0xf]  }
0x7b: {  	[hbm4b:s0+s2] =	stream.linear.scatter [tilespmem:s11], [sflag:$0x2], $0x2800, $0x38;
	[tilespmem:$0x1E400] =	vst v63  }
0x7c: {  	_ =	swait.ge [sflag:s5], $0x2800  }
0x7d: {  	[sflag:s5] =	ssyncset.done $0x0  }
0x7e: {  	[sflag:s5] =	ssyncadd.s32 $0xFFFFD800  }
0x7f: {  	_ =	swait.ge [sflag:s5], $0x2800  }
0x80: {  	[sflag:s5] =	ssyncset.done $0x0  }
0x81: {  	[sflag:s5] =	ssyncadd.s32 $0xFFFFD800  }
0x82: {  	_ =	swait.ge [sflag:s5], $0x2800  }
0x83: {  	[sflag:s5] =	ssyncset.done $0x0  }
0x84: {  	s0 =	rddreg [dreg:$0x10];
	[sflag:s5] =	ssyncadd.s32 $0xFFFFD800  }
0x85: {  	[hbm4b:s0+s2] =	stream.linear.scatter [tilespmem:s6], [sflag:$0x2], $0x2800, $0x38;
	[tilespmem:$0x1E400] =	vst v63  }
0x86: {  	s1 =	rddreg [dreg:$0x11]  }
0x87: {  	[hbm4b:s1+s2] =	stream.linear.scatter [tilespmem:s7], [sflag:$0x2], $0x2800, $0x38;
	[tilespmem:$0x1E400] =	vst v63  }
0x88: {  	s0 =	rddreg [dreg:$0x12]  }
0x89: {  	[hbm4b:s0+s2] =	stream.linear.scatter [tilespmem:s8], [sflag:$0x2], $0x2800, $0x38;
	[tilespmem:$0x1E400] =	vst v63  }
0x8a: {  	_ =	swait.ge [sflag:s3], $0x2800  }
0x8b: {  	[sflag:s3] =	ssyncset.done $0x0  }
0x8c: {  	[sflag:s3] =	ssyncadd.s32 $0xFFFFD800  }
0x8d: {  	_ =	swait.ge [sflag:s3], $0x2800  }
0x8e: {  	[sflag:s3] =	ssyncset.done $0x0  }
0x8f: {  	[sflag:s3] =	ssyncadd.s32 $0xFFFFD800  }
0x90: {  	_ =	swait.ge [sflag:s3], $0x2800  }
0x91: {  	[sflag:s3] =	ssyncset.done $0x0  }
0x92: {  	[sflag:s3] =	ssyncadd.s32 $0xFFFFD800  }
0x93: {  	_ =	swait.ge [sflag:s3], $0x2800  }
0x94: {  	[sflag:s3] =	ssyncset.done $0x0  }
0x95: {  	[sflag:s3] =	ssyncadd.s32 $0xFFFFD800  }
0x96: {  	_ =	swait.ge [sflag:s3], $0x2800  }
0x97: {  	[sflag:s3] =	ssyncset.done $0x0  }
0x98: {  	[sflag:s3] =	ssyncadd.s32 $0xFFFFD800  }
0x99: {  	_ =	swait.ge [sflag:s3], $0x2800  }
0x9a: {  	[sflag:s3] =	ssyncset.done $0x0  }
0x9b: {  	[sflag:s3] =	ssyncadd.s32 $0xFFFFD800  }
0x9c: {  	_ =	swait.ge [sflag:s3], $0x2800  }
0x9d: {  	[sflag:s3] =	ssyncset.done $0x0  }
0x9e: {  	[sflag:s3] =	ssyncadd.s32 $0xFFFFD800  }
0x9f: {  	_ =	swait.ge [sflag:s3], $0x2800  }
0xa0: {  	[sflag:s3] =	ssyncset.done $0x0  }
0xa1: {  	[sflag:s3] =	ssyncadd.s32 $0xFFFFD800  }
0xa2: {  	_ =	swait.ge [sflag:s3], $0x2800  }
0xa3: {  	[sflag:s3] =	ssyncset.done $0x0  }
0xa4: {  	[sflag:s3] =	ssyncadd.s32 $0xFFFFD800  }
0xa5: {  	_ =	swait.ge [sflag:s3], $0x2800  }
0xa6: {  	[sflag:s3] =	ssyncset.done $0x0  }
0xa7: {  	p1 =	sne.s32 s22, $0x1;
	[sflag:s3] =	ssyncadd.s32 $0xFFFFD800  }
.Ltmp1:
0xa8: {  	_ =	swait.ge [sflag:s3], $0x2800;
	(pc) =	sbr.rel @!p1 .LBB2_3-.Ltmp1, $4  }
0xa9: {  	[sflag:s3] =	ssyncset.done $0x0  }
0xaa: {  	[sflag:s3] =	ssyncadd.s32 $0xFFFFD800  }
0xab: {  	p0 =	por $0x1, $0x1;
	_ =	swait.ge [sflag:s3], $0x2800  }
0xac: {  	s1 =	sadd.s32 $0xFFFFFFFF, s22;
	s0 =	rddreg [dreg:$0x3];
	[sflag:s3] =	ssyncset.done $0x0  }
.LBB2_4:
0xad: {  	[sflag:s3] =	ssyncadd.s32 $0xFFFFD800  }
0xae: {  	[tilespmem:s2], [sflag:$0x3] =	stream.linear.gather [hbm4b:s0+s2], $0x40, $0x38;
	[tilespmem:$0x1E400] =	vst v63  }
0xaf: {  	_ =	swait.ge [sflag:s29], $0x40  }
0xb0: {  	[sflag:s29] =	ssyncset.done $0x0  }
0xb1: {  	s22 =	rddreg [dreg:$0x4];
	[sflag:s29] =	ssyncadd.s32 $0xFFFFFFC0  }
0xb2: {  	[tilespmem:s21], [sflag:$0x3] =	stream.linear.gather [hbm4b:s22+s2], $0x3C0, $0x38;
	[tilespmem:$0x1E400] =	vst v63  }
0xb3: {  	_ =	swait.ge [sflag:s29], $0x3C0  }
0xb4: {  	[sflag:s29] =	ssyncset.done $0x0  }
0xb5: {  	[sflag:s29] =	ssyncadd.s32 $0xFFFFFC40  }
0xb6: {  	[tilespmem:s18], [sflag:$0x1] =	stream.indirect.gather [hbm4b:s12+s30], $0x80, s2, s30, $0xb8;
	[tilespmem:$0x1E400] =	vst v63  }
0xb7: {  	_ = 	snop  }
0xb8: {  	[tilespmem:s16], [sflag:$0x1] =	stream.indirect.gather [hbm4b:s13+s30], $0x80, s30, s30, $0xb8;
	[tilespmem:$0x1E400] =	vst v63  }
0xb9: {  	_ =	swait.ge [sflag:s5], $0x1000  }
0xba: {  	[sflag:s5] =	ssyncset.done $0x0  }
0xbb: {  	[sflag:s5] =	ssyncadd.s32 $0xFFFFF000  }
0xbc: {  	_ =	swait.ge [sflag:s5], $0x1000  }
0xbd: {  	[sflag:s5] =	ssyncset.done $0x0  }
0xbe: {  	s0 =	rddreg [dreg:$0x5];
	[sflag:s5] =	ssyncadd.s32 $0xFFFFF000  }
0xbf: {  	[hbm4b:s0+s2] =	stream.linear.scatter [tilespmem:s18], [sflag:$0x2], $0x1000, $0x38;
	[tilespmem:$0x1E400] =	vst v63  }
0xc0: {  	s22 =	rddreg [dreg:$0x6]  }
0xc1: {  	[hbm4b:s22+s2] =	stream.linear.scatter [tilespmem:s16], [sflag:$0x2], $0x1000, $0x38;
	[tilespmem:$0x1E400] =	vst v63  }
0xc2: {  	_ =	swait.ge [sflag:s3], $0x1000  }
0xc3: {  	[sflag:s3] =	ssyncset.done $0x0  }
0xc4: {  	[sflag:s3] =	ssyncadd.s32 $0xFFFFF000  }
0xc5: {  	_ =	swait.ge [sflag:s3], $0x1000  }
0xc6: {  	[sflag:s3] =	ssyncset.done $0x0  }
0xc7: {  	[sflag:s3] =	ssyncadd.s32 $0xFFFFF000  }
0xc8: {  	[tilespmem:s18], [sflag:$0x1] =	stream.indirect.gather [hbm4b:s4+s20], $0x80, s21, s20, $0xb8;
	[tilespmem:$0x1E400] =	vst v63  }
0xc9: {  	s0 =	rddreg [dreg:$0x13]  }
0xca: {  	[tilespmem:s16], [sflag:$0x1] =	stream.indirect.gather [hbm4b:s12+s20], $0x80, s0, s20, $0xb8;
	[tilespmem:$0x1E400] =	vst v63  }
0xcb: {  	s22 =	rddreg [dreg:$0x14]  }
0xcc: {  	[tilespmem:s19], [sflag:$0x1] =	stream.indirect.gather [hbm4b:s13+s20], $0x80, s22, s20, $0xb8;
	[tilespmem:$0x1E400] =	vst v63  }
0xcd: {  	s0 =	rddreg [dreg:$0x15]  }
0xce: {  	[tilespmem:s14], [sflag:$0x1] =	stream.indirect.gather [hbm4b:s4+s20], $0x80, s0, s20, $0xb8;
	[tilespmem:$0x1E400] =	vst v63  }
0xcf: {  	s22 =	rddreg [dreg:$0x16]  }
0xd0: {  	[tilespmem:s15], [sflag:$0x1] =	stream.indirect.gather [hbm4b:s12+s20], $0x80, s22, s20, $0xb8;
	[tilespmem:$0x1E400] =	vst v63  }
0xd1: {  	s22 =	simm.s32 $0x310  }
0xd2: {  	[tilespmem:s17], [sflag:$0x1] =	stream.indirect.gather [hbm4b:s13+s20], $0x80, s22, s20, $0xb8;
	[tilespmem:$0x1E400] =	vst v63  }
0xd3: {  	_ = 	snop  }
0xd4: {  	[tilespmem:s9], [sflag:$0x1] =	stream.indirect.gather [hbm4b:s4+s20], $0x80, s24, s20, $0xb8;
	[tilespmem:$0x1E400] =	vst v63  }
0xd5: {  	_ = 	snop  }
0xd6: {  	[tilespmem:s10], [sflag:$0x1] =	stream.indirect.gather [hbm4b:s12+s20], $0x80, s25, s20, $0xb8;
	[tilespmem:$0x1E400] =	vst v63  }
0xd7: {  	_ = 	snop  }
0xd8: {  	[tilespmem:s11], [sflag:$0x1] =	stream.indirect.gather [hbm4b:s13+s20], $0x80, s26, s20, $0xb8;
	[tilespmem:$0x1E400] =	vst v63  }
0xd9: {  	_ = 	snop  }
0xda: {  	[tilespmem:s6], [sflag:$0x1] =	stream.indirect.gather [hbm4b:s4+s20], $0x80, s28, s20, $0xb8;
	[tilespmem:$0x1E400] =	vst v63  }
0xdb: {  	_ = 	snop  }
0xdc: {  	[tilespmem:s7], [sflag:$0x1] =	stream.indirect.gather [hbm4b:s12+s20], $0x80, s31, s20, $0xb8;
	[tilespmem:$0x1E400] =	vst v63  }
0xdd: {  	_ = 	snop  }
0xde: {  	[tilespmem:s8], [sflag:$0x1] =	stream.indirect.gather [hbm4b:s13+s20], $0x80, s23, s20, $0xb8;
	[tilespmem:$0x1E400] =	vst v63  }
0xdf: {  	_ =	swait.ge [sflag:s5], $0x2800  }
0xe0: {  	[sflag:s5] =	ssyncset.done $0x0  }
0xe1: {  	[sflag:s5] =	ssyncadd.s32 $0xFFFFD800  }
0xe2: {  	_ =	swait.ge [sflag:s5], $0x2800  }
0xe3: {  	[sflag:s5] =	ssyncset.done $0x0  }
0xe4: {  	[sflag:s5] =	ssyncadd.s32 $0xFFFFD800  }
0xe5: {  	_ =	swait.ge [sflag:s5], $0x2800  }
0xe6: {  	[sflag:s5] =	ssyncset.done $0x0  }
0xe7: {  	s0 =	rddreg [dreg:$0x7];
	[sflag:s5] =	ssyncadd.s32 $0xFFFFD800  }
0xe8: {  	[hbm4b:s0+s2] =	stream.linear.scatter [tilespmem:s18], [sflag:$0x2], $0x2800, $0x38;
	[tilespmem:$0x1E400] =	vst v63  }
0xe9: {  	s22 =	rddreg [dreg:$0x8]  }
0xea: {  	[hbm4b:s22+s2] =	stream.linear.scatter [tilespmem:s16], [sflag:$0x2], $0x2800, $0x38;
	[tilespmem:$0x1E400] =	vst v63  }
0xeb: {  	s0 =	rddreg [dreg:$0x9]  }
0xec: {  	[hbm4b:s0+s2] =	stream.linear.scatter [tilespmem:s19], [sflag:$0x2], $0x2800, $0x38;
	[tilespmem:$0x1E400] =	vst v63  }
0xed: {  	_ =	swait.ge [sflag:s5], $0x2800  }
0xee: {  	[sflag:s5] =	ssyncset.done $0x0  }
0xef: {  	[sflag:s5] =	ssyncadd.s32 $0xFFFFD800  }
0xf0: {  	_ =	swait.ge [sflag:s5], $0x2800  }
0xf1: {  	[sflag:s5] =	ssyncset.done $0x0  }
0xf2: {  	[sflag:s5] =	ssyncadd.s32 $0xFFFFD800  }
0xf3: {  	_ =	swait.ge [sflag:s5], $0x2800  }
0xf4: {  	[sflag:s5] =	ssyncset.done $0x0  }
0xf5: {  	s0 =	rddreg [dreg:$0xa];
	[sflag:s5] =	ssyncadd.s32 $0xFFFFD800  }
0xf6: {  	[hbm4b:s0+s2] =	stream.linear.scatter [tilespmem:s14], [sflag:$0x2], $0x2800, $0x38;
	[tilespmem:$0x1E400] =	vst v63  }
0xf7: {  	s22 =	rddreg [dreg:$0xb]  }
0xf8: {  	[hbm4b:s22+s2] =	stream.linear.scatter [tilespmem:s15], [sflag:$0x2], $0x2800, $0x38;
	[tilespmem:$0x1E400] =	vst v63  }
0xf9: {  	s0 =	rddreg [dreg:$0xc]  }
0xfa: {  	[hbm4b:s0+s2] =	stream.linear.scatter [tilespmem:s17], [sflag:$0x2], $0x2800, $0x38;
	[tilespmem:$0x1E400] =	vst v63  }
0xfb: {  	_ =	swait.ge [sflag:s5], $0x2800  }
0xfc: {  	[sflag:s5] =	ssyncset.done $0x0  }
0xfd: {  	[sflag:s5] =	ssyncadd.s32 $0xFFFFD800  }
0xfe: {  	_ =	swait.ge [sflag:s5], $0x2800  }
0xff: {  	[sflag:s5] =	ssyncset.done $0x0  }
0x100: {  	[sflag:s5] =	ssyncadd.s32 $0xFFFFD800  }
0x101: {  	_ =	swait.ge [sflag:s5], $0x2800  }
0x102: {  	[sflag:s5] =	ssyncset.done $0x0  }
0x103: {  	s0 =	rddreg [dreg:$0xd];
	[sflag:s5] =	ssyncadd.s32 $0xFFFFD800  }
0x104: {  	[hbm4b:s0+s2] =	stream.linear.scatter [tilespmem:s9], [sflag:$0x2], $0x2800, $0x38;
	[tilespmem:$0x1E400] =	vst v63  }
0x105: {  	s22 =	rddreg [dreg:$0xe]  }
0x106: {  	[hbm4b:s22+s2] =	stream.linear.scatter [tilespmem:s10], [sflag:$0x2], $0x2800, $0x38;
	[tilespmem:$0x1E400] =	vst v63  }
0x107: {  	s0 =	rddreg [dreg:$0xf]  }
0x108: {  	[hbm4b:s0+s2] =	stream.linear.scatter [tilespmem:s11], [sflag:$0x2], $0x2800, $0x38;
	[tilespmem:$0x1E400] =	vst v63  }
0x109: {  	_ =	swait.ge [sflag:s5], $0x2800  }
0x10a: {  	[sflag:s5] =	ssyncset.done $0x0  }
0x10b: {  	[sflag:s5] =	ssyncadd.s32 $0xFFFFD800  }
0x10c: {  	_ =	swait.ge [sflag:s5], $0x2800  }
0x10d: {  	[sflag:s5] =	ssyncset.done $0x0  }
0x10e: {  	[sflag:s5] =	ssyncadd.s32 $0xFFFFD800  }
0x10f: {  	_ =	swait.ge [sflag:s5], $0x2800  }
0x110: {  	[sflag:s5] =	ssyncset.done $0x0  }
0x111: {  	s0 =	rddreg [dreg:$0x10];
	[sflag:s5] =	ssyncadd.s32 $0xFFFFD800  }
0x112: {  	[hbm4b:s0+s2] =	stream.linear.scatter [tilespmem:s6], [sflag:$0x2], $0x2800, $0x38;
	[tilespmem:$0x1E400] =	vst v63  }
0x113: {  	s22 =	rddreg [dreg:$0x11]  }
0x114: {  	[hbm4b:s22+s2] =	stream.linear.scatter [tilespmem:s7], [sflag:$0x2], $0x2800, $0x38;
	[tilespmem:$0x1E400] =	vst v63  }
0x115: {  	s0 =	rddreg [dreg:$0x12]  }
0x116: {  	[hbm4b:s0+s2] =	stream.linear.scatter [tilespmem:s8], [sflag:$0x2], $0x2800, $0x38;
	[tilespmem:$0x1E400] =	vst v63  }
0x117: {  	_ =	swait.ge [sflag:s3], $0x2800  }
0x118: {  	[sflag:s3] =	ssyncset.done $0x0  }
0x119: {  	[sflag:s3] =	ssyncadd.s32 $0xFFFFD800  }
0x11a: {  	_ =	swait.ge [sflag:s3], $0x2800  }
0x11b: {  	[sflag:s3] =	ssyncset.done $0x0  }
0x11c: {  	[sflag:s3] =	ssyncadd.s32 $0xFFFFD800  }
0x11d: {  	_ =	swait.ge [sflag:s3], $0x2800  }
0x11e: {  	[sflag:s3] =	ssyncset.done $0x0  }
0x11f: {  	[sflag:s3] =	ssyncadd.s32 $0xFFFFD800  }
0x120: {  	_ =	swait.ge [sflag:s3], $0x2800  }
0x121: {  	[sflag:s3] =	ssyncset.done $0x0  }
0x122: {  	[sflag:s3] =	ssyncadd.s32 $0xFFFFD800  }
0x123: {  	_ =	swait.ge [sflag:s3], $0x2800  }
0x124: {  	[sflag:s3] =	ssyncset.done $0x0  }
0x125: {  	[sflag:s3] =	ssyncadd.s32 $0xFFFFD800  }
0x126: {  	_ =	swait.ge [sflag:s3], $0x2800  }
0x127: {  	[sflag:s3] =	ssyncset.done $0x0  }
0x128: {  	[sflag:s3] =	ssyncadd.s32 $0xFFFFD800  }
0x129: {  	_ =	swait.ge [sflag:s3], $0x2800  }
0x12a: {  	[sflag:s3] =	ssyncset.done $0x0  }
0x12b: {  	[sflag:s3] =	ssyncadd.s32 $0xFFFFD800  }
0x12c: {  	_ =	swait.ge [sflag:s3], $0x2800  }
0x12d: {  	[sflag:s3] =	ssyncset.done $0x0  }
0x12e: {  	[sflag:s3] =	ssyncadd.s32 $0xFFFFD800  }
0x12f: {  	_ =	swait.ge [sflag:s3], $0x2800  }
0x130: {  	[sflag:s3] =	ssyncset.done $0x0  }
0x131: {  	[sflag:s3] =	ssyncadd.s32 $0xFFFFD800  }
0x132: {  	_ =	swait.ge [sflag:s3], $0x2800  }
0x133: {  	[sflag:s3] =	ssyncset.done $0x0  }
0x134: {  	p1 =	sne.s32 s1, $0x1;
	[sflag:s3] =	ssyncadd.s32 $0xFFFFD800  }
.Ltmp2:
0x135: {  	_ =	swait.ge [sflag:s3], $0x2800;
	(pc) =	sbr.rel @p1 .LBB2_4-.Ltmp2, $4  }
0x136: {  	[sflag:s3] =	ssyncset.done $0x0  }
0x137: {  	[sflag:s3] =	ssyncadd.s32 $0xFFFFD800  }
0x138: {  	_ =	swait.ge [sflag:s3], $0x2800  }
0x139: {  	s1 =	sadd.s32 $0xFFFFFFFF, s1;
	s0 =	rddreg [dreg:$0x3];
	[sflag:s3] =	ssyncset.done $0x0  }
0x13a: {  	s22 =	simm.s32 $0x3B0  }
0x13b: {  	s31 =	simm.s32 $0x270;
	s28 =	simm.s32 $0x130;
	s26 =	simm.s32 $0x360  }
0x13c: {  	s25 =	simm.s32 $0x220;
	s24 =	simm.s32 $0xE0;
	s23 =	simm.s32 $0x310  }
.LBB2_6:
0x13d: {  	[sflag:s3] =	ssyncadd.s32 @p0 $0xFFFFD800  }
0x13e: {  	[tilespmem:s2], [sflag:$0x3] =	stream.linear.gather [hbm4b:s0+s2], $0x40, $0x38;
	[tilespmem:$0x1E400] =	vst v63  }
0x13f: {  	_ =	swait.ge [sflag:s29], $0x40  }
0x140: {  	[sflag:s29] =	ssyncset.done $0x0  }
0x141: {  	s1 =	rddreg [dreg:$0x4];
	[sflag:s29] =	ssyncadd.s32 $0xFFFFFFC0  }
0x142: {  	[tilespmem:s21], [sflag:$0x3] =	stream.linear.gather [hbm4b:s1+s2], $0x3C0, $0x38;
	[tilespmem:$0x1E400] =	vst v63  }
0x143: {  	_ =	swait.ge [sflag:s29], $0x3C0  }
0x144: {  	[sflag:s29] =	ssyncset.done $0x0  }
0x145: {  	[sflag:s29] =	ssyncadd.s32 $0xFFFFFC40  }
0x146: {  	[tilespmem:s18], [sflag:$0x1] =	stream.indirect.gather [hbm4b:s12+s30], $0x80, s2, s30, $0xb8;
	[tilespmem:$0x1E400] =	vst v63  }
0x147: {  	_ = 	snop  }
0x148: {  	[tilespmem:s16], [sflag:$0x1] =	stream.indirect.gather [hbm4b:s13+s30], $0x80, s30, s30, $0xb8;
	[tilespmem:$0x1E400] =	vst v63  }
0x149: {  	_ =	swait.ge [sflag:s5], $0x1000  }
0x14a: {  	[sflag:s5] =	ssyncset.done $0x0  }
0x14b: {  	[sflag:s5] =	ssyncadd.s32 $0xFFFFF000  }
0x14c: {  	_ =	swait.ge [sflag:s5], $0x1000  }
0x14d: {  	[sflag:s5] =	ssyncset.done $0x0  }
0x14e: {  	s30 =	rddreg [dreg:$0x5];
	[sflag:s5] =	ssyncadd.s32 $0xFFFFF000  }
0x14f: {  	[hbm4b:s30+s2] =	stream.linear.scatter [tilespmem:s18], [sflag:$0x2], $0x1000, $0x38;
	[tilespmem:$0x1E400] =	vst v63  }
0x150: {  	s1 =	rddreg [dreg:$0x6]  }
0x151: {  	[hbm4b:s1+s2] =	stream.linear.scatter [tilespmem:s16], [sflag:$0x2], $0x1000, $0x38;
	[tilespmem:$0x1E400] =	vst v63  }
0x152: {  	_ =	swait.ge [sflag:s3], $0x1000  }
0x153: {  	[sflag:s3] =	ssyncset.done $0x0  }
0x154: {  	[sflag:s3] =	ssyncadd.s32 $0xFFFFF000  }
0x155: {  	_ =	swait.ge [sflag:s3], $0x1000  }
0x156: {  	[sflag:s3] =	ssyncset.done $0x0  }
0x157: {  	[sflag:s3] =	ssyncadd.s32 $0xFFFFF000  }
0x158: {  	[tilespmem:s18], [sflag:$0x1] =	stream.indirect.gather [hbm4b:s4+s20], $0x80, s21, s20, $0xb8;
	[tilespmem:$0x1E400] =	vst v63  }
0x159: {  	s1 =	rddreg [dreg:$0x13]  }
0x15a: {  	[tilespmem:s16], [sflag:$0x1] =	stream.indirect.gather [hbm4b:s12+s20], $0x80, s1, s20, $0xb8;
	[tilespmem:$0x1E400] =	vst v63  }
0x15b: {  	s21 =	rddreg [dreg:$0x14]  }
0x15c: {  	[tilespmem:s19], [sflag:$0x1] =	stream.indirect.gather [hbm4b:s13+s20], $0x80, s21, s20, $0xb8;
	[tilespmem:$0x1E400] =	vst v63  }
0x15d: {  	s29 =	rddreg [dreg:$0x15]  }
0x15e: {  	[tilespmem:s14], [sflag:$0x1] =	stream.indirect.gather [hbm4b:s4+s20], $0x80, s29, s20, $0xb8;
	[tilespmem:$0x1E400] =	vst v63  }
0x15f: {  	s30 =	rddreg [dreg:$0x16]  }
0x160: {  	[tilespmem:s15], [sflag:$0x1] =	stream.indirect.gather [hbm4b:s12+s20], $0x80, s30, s20, $0xb8;
	[tilespmem:$0x1E400] =	vst v63  }
0x161: {  	_ = 	snop  }
0x162: {  	[tilespmem:s17], [sflag:$0x1] =	stream.indirect.gather [hbm4b:s13+s20], $0x80, s23, s20, $0xb8;
	[tilespmem:$0x1E400] =	vst v63  }
0x163: {  	_ = 	snop  }
0x164: {  	[tilespmem:s9], [sflag:$0x1] =	stream.indirect.gather [hbm4b:s4+s20], $0x80, s24, s20, $0xb8;
	[tilespmem:$0x1E400] =	vst v63  }
0x165: {  	_ = 	snop  }
0x166: {  	[tilespmem:s10], [sflag:$0x1] =	stream.indirect.gather [hbm4b:s12+s20], $0x80, s25, s20, $0xb8;
	[tilespmem:$0x1E400] =	vst v63  }
0x167: {  	_ = 	snop  }
0x168: {  	[tilespmem:s11], [sflag:$0x1] =	stream.indirect.gather [hbm4b:s13+s20], $0x80, s26, s20, $0xb8;
	[tilespmem:$0x1E400] =	vst v63  }
0x169: {  	_ = 	snop  }
0x16a: {  	[tilespmem:s6], [sflag:$0x1] =	stream.indirect.gather [hbm4b:s4+s20], $0x80, s28, s20, $0xb8;
	[tilespmem:$0x1E400] =	vst v63  }
0x16b: {  	_ = 	snop  }
0x16c: {  	[tilespmem:s7], [sflag:$0x1] =	stream.indirect.gather [hbm4b:s12+s20], $0x80, s31, s20, $0xb8;
	[tilespmem:$0x1E400] =	vst v63  }
0x16d: {  	_ = 	snop  }
0x16e: {  	[tilespmem:s8], [sflag:$0x1] =	stream.indirect.gather [hbm4b:s13+s20], $0x80, s22, s20, $0xb8;
	[tilespmem:$0x1E400] =	vst v63  }
0x16f: {  	_ =	swait.ge [sflag:s5], $0x2800  }
0x170: {  	[sflag:s5] =	ssyncset.done $0x0  }
0x171: {  	[sflag:s5] =	ssyncadd.s32 $0xFFFFD800  }
0x172: {  	_ =	swait.ge [sflag:s5], $0x2800  }
0x173: {  	[sflag:s5] =	ssyncset.done $0x0  }
0x174: {  	[sflag:s5] =	ssyncadd.s32 $0xFFFFD800  }
0x175: {  	_ =	swait.ge [sflag:s5], $0x2800  }
0x176: {  	[sflag:s5] =	ssyncset.done $0x0  }
0x177: {  	s12 =	rddreg [dreg:$0x7];
	[sflag:s5] =	ssyncadd.s32 $0xFFFFD800  }
0x178: {  	[hbm4b:s12+s2] =	stream.linear.scatter [tilespmem:s18], [sflag:$0x2], $0x2800, $0x38;
	[tilespmem:$0x1E400] =	vst v63  }
0x179: {  	s13 =	rddreg [dreg:$0x8]  }
0x17a: {  	[hbm4b:s13+s2] =	stream.linear.scatter [tilespmem:s16], [sflag:$0x2], $0x2800, $0x38;
	[tilespmem:$0x1E400] =	vst v63  }
0x17b: {  	s20 =	rddreg [dreg:$0x9]  }
0x17c: {  	[hbm4b:s20+s2] =	stream.linear.scatter [tilespmem:s19], [sflag:$0x2], $0x2800, $0x38;
	[tilespmem:$0x1E400] =	vst v63  }
0x17d: {  	_ =	swait.ge [sflag:s5], $0x2800  }
0x17e: {  	[sflag:s5] =	ssyncset.done $0x0  }
0x17f: {  	[sflag:s5] =	ssyncadd.s32 $0xFFFFD800  }
0x180: {  	_ =	swait.ge [sflag:s5], $0x2800  }
0x181: {  	[sflag:s5] =	ssyncset.done $0x0  }
0x182: {  	[sflag:s5] =	ssyncadd.s32 $0xFFFFD800  }
0x183: {  	_ =	swait.ge [sflag:s5], $0x2800  }
0x184: {  	[sflag:s5] =	ssyncset.done $0x0  }
0x185: {  	s21 =	rddreg [dreg:$0xa];
	[sflag:s5] =	ssyncadd.s32 $0xFFFFD800  }
0x186: {  	[hbm4b:s21+s2] =	stream.linear.scatter [tilespmem:s14], [sflag:$0x2], $0x2800, $0x38;
	[tilespmem:$0x1E400] =	vst v63  }
0x187: {  	s22 =	rddreg [dreg:$0xb]  }
0x188: {  	[hbm4b:s22+s2] =	stream.linear.scatter [tilespmem:s15], [sflag:$0x2], $0x2800, $0x38;
	[tilespmem:$0x1E400] =	vst v63  }
0x189: {  	s23 =	rddreg [dreg:$0xc]  }
0x18a: {  	[hbm4b:s23+s2] =	stream.linear.scatter [tilespmem:s17], [sflag:$0x2], $0x2800, $0x38;
	[tilespmem:$0x1E400] =	vst v63  }
0x18b: {  	_ =	swait.ge [sflag:s5], $0x2800  }
0x18c: {  	[sflag:s5] =	ssyncset.done $0x0  }
0x18d: {  	[sflag:s5] =	ssyncadd.s32 $0xFFFFD800  }
0x18e: {  	_ =	swait.ge [sflag:s5], $0x2800  }
0x18f: {  	[sflag:s5] =	ssyncset.done $0x0  }
0x190: {  	[sflag:s5] =	ssyncadd.s32 $0xFFFFD800  }
0x191: {  	_ =	swait.ge [sflag:s5], $0x2800  }
0x192: {  	[sflag:s5] =	ssyncset.done $0x0  }
0x193: {  	s24 =	rddreg [dreg:$0xd];
	[sflag:s5] =	ssyncadd.s32 $0xFFFFD800  }
0x194: {  	[hbm4b:s24+s2] =	stream.linear.scatter [tilespmem:s9], [sflag:$0x2], $0x2800, $0x38;
	[tilespmem:$0x1E400] =	vst v63  }
0x195: {  	s25 =	rddreg [dreg:$0xe]  }
0x196: {  	[hbm4b:s25+s2] =	stream.linear.scatter [tilespmem:s10], [sflag:$0x2], $0x2800, $0x38;
	[tilespmem:$0x1E400] =	vst v63  }
0x197: {  	s26 =	rddreg [dreg:$0xf]  }
0x198: {  	[hbm4b:s26+s2] =	stream.linear.scatter [tilespmem:s11], [sflag:$0x2], $0x2800, $0x38;
	[tilespmem:$0x1E400] =	vst v63  }
0x199: {  	_ =	swait.ge [sflag:s5], $0x2800  }
0x19a: {  	[sflag:s5] =	ssyncset.done $0x0  }
0x19b: {  	[sflag:s5] =	ssyncadd.s32 $0xFFFFD800  }
0x19c: {  	_ =	swait.ge [sflag:s5], $0x2800  }
0x19d: {  	[sflag:s5] =	ssyncset.done $0x0  }
0x19e: {  	[sflag:s5] =	ssyncadd.s32 $0xFFFFD800  }
0x19f: {  	_ =	swait.ge [sflag:s5], $0x2800  }
0x1a0: {  	[sflag:s5] =	ssyncset.done $0x0  }
0x1a1: {  	s28 =	rddreg [dreg:$0x10];
	[sflag:s5] =	ssyncadd.s32 $0xFFFFD800  }
0x1a2: {  	[hbm4b:s28+s2] =	stream.linear.scatter [tilespmem:s6], [sflag:$0x2], $0x2800, $0x38;
	[tilespmem:$0x1E400] =	vst v63  }
0x1a3: {  	s29 =	rddreg [dreg:$0x11]  }
0x1a4: {  	[hbm4b:s29+s2] =	stream.linear.scatter [tilespmem:s7], [sflag:$0x2], $0x2800, $0x38;
	[tilespmem:$0x1E400] =	vst v63  }
0x1a5: {  	s30 =	rddreg [dreg:$0x12]  }
0x1a6: {  	[hbm4b:s30+s2] =	stream.linear.scatter [tilespmem:s8], [sflag:$0x2], $0x2800, $0x38;
	[tilespmem:$0x1E400] =	vst v63  }
0x1a7: {  	_ =	swait.ge [sflag:s3], $0x2800  }
0x1a8: {  	[sflag:s3] =	ssyncset.done $0x0  }
0x1a9: {  	[sflag:s3] =	ssyncadd.s32 $0xFFFFD800  }
0x1aa: {  	_ =	swait.ge [sflag:s3], $0x2800  }
0x1ab: {  	[sflag:s3] =	ssyncset.done $0x0  }
0x1ac: {  	[sflag:s3] =	ssyncadd.s32 $0xFFFFD800  }
0x1ad: {  	_ =	swait.ge [sflag:s3], $0x2800  }
0x1ae: {  	[sflag:s3] =	ssyncset.done $0x0  }
0x1af: {  	[sflag:s3] =	ssyncadd.s32 $0xFFFFD800  }
0x1b0: {  	_ =	swait.ge [sflag:s3], $0x2800  }
0x1b1: {  	[sflag:s3] =	ssyncset.done $0x0  }
0x1b2: {  	[sflag:s3] =	ssyncadd.s32 $0xFFFFD800  }
0x1b3: {  	_ =	swait.ge [sflag:s3], $0x2800  }
0x1b4: {  	[sflag:s3] =	ssyncset.done $0x0  }
0x1b5: {  	[sflag:s3] =	ssyncadd.s32 $0xFFFFD800  }
0x1b6: {  	_ =	swait.ge [sflag:s3], $0x2800  }
0x1b7: {  	[sflag:s3] =	ssyncset.done $0x0  }
0x1b8: {  	[sflag:s3] =	ssyncadd.s32 $0xFFFFD800  }
0x1b9: {  	_ =	swait.ge [sflag:s3], $0x2800  }
0x1ba: {  	[sflag:s3] =	ssyncset.done $0x0  }
0x1bb: {  	[sflag:s3] =	ssyncadd.s32 $0xFFFFD800  }
0x1bc: {  	_ =	swait.ge [sflag:s3], $0x2800  }
0x1bd: {  	[sflag:s3] =	ssyncset.done $0x0  }
0x1be: {  	[sflag:s3] =	ssyncadd.s32 $0xFFFFD800  }
0x1bf: {  	_ =	swait.ge [sflag:s3], $0x2800  }
0x1c0: {  	[sflag:s3] =	ssyncset.done $0x0  }
0x1c1: {  	[sflag:s3] =	ssyncadd.s32 $0xFFFFD800  }
0x1c2: {  	_ =	swait.ge [sflag:s3], $0x2800  }
0x1c3: {  	[sflag:s3] =	ssyncset.done $0x0  }
0x1c4: {  	[sflag:s3] =	ssyncadd.s32 $0xFFFFD800  }
0x1c5: {  	_ =	swait.ge [sflag:s3], $0x2800  }
0x1c6: {  	[sflag:s3] =	ssyncset.done $0x0  }
0x1c7: {  	[sflag:s3] =	ssyncadd.s32 $0xFFFFD800  }
0x1c8: {  	_ =	swait.ge [sflag:s3], $0x2800  }
0x1c9: {  	[sflag:s3] =	ssyncset.done $0x0  }
0x1ca: {  	[sflag:s3] =	ssyncadd.s32 $0xFFFFD800  }
0x1cb: {  	_ =	sfence.sel $0x180000  }
0x1cc: {  	[bflag:$0x0] =	sbarrier.arrive $0xFFFF  }
0x1cd: {  	_ =	strace $0x90000047  }
0x1ce: {  	s31 =	stileid.u32;
	[bflag:$0x2] =	sbarrier.arrive $0xFFFF  }
0x1cf: {  	p0 =	sne.s32 s31, $0x0;
	s0 =	rddreg [dreg:$0x2]  }
0x1d0: {  	s0 =	sadd.s32 @!p0 $0x100000, s0  }
0x1d1: {  	[sflag:s0] =	ssyncadd.tile.s32 @!p0 $0x1;
	_ =	shalt  }
.LBB2_1:
.Ltmp3:
0x1d2: {  	(pc) =	sbr.rel .LBB2_6-.Ltmp3, $4  }
0x1d3: {  	_ = 	snop  }
0x1d4: {  	s22 =	simm.s32 $0x3B0  }
0x1d5: {  	s31 =	simm.s32 $0x270;
	s28 =	simm.s32 $0x130;
	s26 =	simm.s32 $0x360  }
0x1d6: {  	s25 =	simm.s32 $0x220;
	s24 =	simm.s32 $0xE0;
	s23 =	simm.s32 $0x310  }
.LBB2_3:
.Ltmp4:
0x1d7: {  	(pc) =	sbr.rel .LBB2_6-.Ltmp4, $4  }
0x1d8: {  	_ = 	snop  }
0x1d9: {  	s22 =	simm.s32 $0x3B0  }
0x1da: {  	s31 =	simm.s32 $0x270;
	s28 =	simm.s32 $0x130;
	s26 =	simm.s32 $0x360  }
0x1db: {  	s25 =	simm.s32 $0x220;
	s24 =	simm.s32 $0xE0;
	s23 =	simm.s32 $0x310  }
.Lfunc_end2:
_tile_overlayer_lowered:
.L_overlay_start_2:
0x1dc: {  	(tag) =	ssettag $0x2  }
0x1dd: {  	s0 =	rddreg [dreg:$0x0];
	s2 =	stileid.u32  }
0x1de: {  	s1 =	rddreg [dreg:$0x1];
	p0 =	sne.s32 s2, $0x0  }
0x1df: {  	s3 =	rddreg [dreg:$0x2];
	[bflag:$0x3] =	sbarrier.arrive $0xFFFF;
	s2 =	simm.s32 @!p0 $0x1C03  }
0x1e0: {  	[timem:s3], [sflag:s2] =	dma.local @!p0 [hbm:s0], s1  }
0x1e1: {  	s0 =	simm.s32 @!p0 $0x3  }
0x1e2: {  	_ =	swait.ge @!p0 [sflag:s0], s1  }
0x1e3: {  	s1 =	ssub.s32 @!p0 $0x0, s1;
	[sflag:s0] =	ssyncset.done @!p0 $0x0  }
0x1e4: {  	[sflag:s0] =	ssyncadd.s32 @!p0 s1  }
0x1e5: {  	[bflag:$0x3] =	sbarrier.arrive $0xFFFF  }
0x1e6: {  	_ =	shalt  }

</sc_bundles>
